<compile_context>
chip_gen: v7x
topology: tpu7x:2x2x1
jax: 0.10.2.dev20260603
libtpu: 0.0.44.dev20260713+nightly
codegen_flags: <defaults>
</compile_context>

<pallas_src>
import functools

import jax
import jax.numpy as jnp
from jax import lax
from jax.experimental import pallas as pl
from jax.experimental.pallas import tpu as pltpu, tpu_sc as plsc

_INFO = plsc.get_sparse_core_info()
_NC = _INFO.num_cores
_NS = _INFO.num_subcores
_NW = _NC * _NS

_CH = 125
_NBUF = 2
_WIN = 40
_ZR = 16


def _row_split(N):
    n0 = (N // _NS) // 8 * 8
    tail = N - n0 * _NS
    assert n0 % _ZR == 0 and tail % 8 == 0 and tail <= _ZR
    return n0, tail


def _make_deg_kernel(N, E):
    rows_per_tile = (E // _CH) // _NW
    n0, tail = _row_split(N)
    mesh = plsc.VectorSubcoreMesh(core_axis_name="c", subcore_axis_name="s")

    @functools.partial(
        pl.kernel,
        out_type=[
            jax.ShapeDtypeStruct((N, 16), jnp.float32),
            jax.ShapeDtypeStruct((N, 16), jnp.float32),
        ],
        mesh=mesh,
        scratch_types=[
            pltpu.VMEM((rows_per_tile, _CH), jnp.int32),
            pltpu.VMEM((_CH, 16), jnp.float32),
            pltpu.VMEM((_ZR, 16), jnp.float32),
            pltpu.VMEM_SHARED((N, 16), jnp.float32),
        ],
    )
    def deg_kernel(e3_hbm, out0, out1, dst_v, ones_v, zero_v, deg_sh):
        cid = lax.axis_index("c")
        sid = lax.axis_index("s")
        wid = cid * _NS + sid

        one16 = jnp.ones((16,), jnp.float32)
        zero16 = jnp.zeros((16,), jnp.float32)
        for r in range(_CH):
            ones_v[r] = one16
        for r in range(_ZR):
            zero_v[r] = zero16

        pltpu.sync_copy(e3_hbm.at[1, wid], dst_v)

        def _zero(k, _):
            pltpu.sync_copy(zero_v, deg_sh.at[pl.ds(sid * n0 + k * _ZR, _ZR)])
            return 0

        lax.fori_loop(0, n0 // _ZR, _zero, 0)

        @pl.when(sid == _NS - 1)
        def _():
            pltpu.sync_copy(zero_v.at[pl.ds(0, tail)],
                            deg_sh.at[pl.ds(_NS * n0, tail)])

        plsc.subcore_barrier()

        def _hist(c, _):
            pltpu.sync_copy(ones_v, deg_sh.at[dst_v.at[c]], add=True)
            return 0

        lax.fori_loop(0, rows_per_tile, _hist, 0)
        plsc.subcore_barrier()

        def _dump(out):
            sl = pl.ds(sid * n0, n0)
            pltpu.sync_copy(deg_sh.at[sl], out.at[sl])

            @pl.when(sid == _NS - 1)
            def _():
                tl = pl.ds(_NS * n0, tail)
                pltpu.sync_copy(deg_sh.at[tl], out.at[tl])

        @pl.when(cid == 0)
        def _():
            _dump(out0)

        @pl.when(cid == 1)
        def _():
            _dump(out1)

    return deg_kernel


def _make_edge_kernel(N, E, D):
    rows_per_tile = (E // _CH) // _NW
    n0, tail = _row_split(N)
    assert rows_per_tile % _WIN == 0 and _WIN % _NBUF == 0
    mesh = plsc.VectorSubcoreMesh(core_axis_name="c", subcore_axis_name="s")

    @functools.partial(
        pl.kernel,
        out_type=[
            jax.ShapeDtypeStruct((N, D), jnp.float32),
            jax.ShapeDtypeStruct((N, D), jnp.float32),
        ],
        mesh=mesh,
        scratch_types=[
            pltpu.VMEM((_WIN, _CH), jnp.int32),
            pltpu.VMEM((_WIN, _CH), jnp.int32),
        ] + [pltpu.VMEM((_CH, D), jnp.float32)] * _NBUF
          + [
            pltpu.VMEM((_ZR, D), jnp.float32),
            pltpu.VMEM_SHARED((N, D), jnp.float32),
        ] + [pltpu.SemaphoreType.DMA] * _NBUF,
    )
    def edge_kernel(e3_hbm, g_hbm, out0, out1,
                    src_v, dst_v, *rest):
        bufs = rest[:_NBUF]
        zero_v = rest[_NBUF]
        acc_sh = rest[_NBUF + 1]
        sems = rest[_NBUF + 2:]
        cid = lax.axis_index("c")
        sid = lax.axis_index("s")
        wid = cid * _NS + sid

        zero16 = jnp.zeros((16,), jnp.float32)
        for r in range(_ZR):
            for l in range(D // 16):
                zero_v[r, pl.ds(l * 16, 16)] = zero16

        def _zero(k, _):
            pltpu.sync_copy(zero_v,
                            acc_sh.at[pl.ds(sid * n0 + k * _ZR, _ZR)])
            return 0

        lax.fori_loop(0, n0 // _ZR, _zero, 0)

        @pl.when(sid == _NS - 1)
        def _():
            pltpu.sync_copy(zero_v.at[pl.ds(0, tail)],
                            acc_sh.at[pl.ds(_NS * n0, tail)])

        plsc.subcore_barrier()

        def _gather(c, buf, s):
            pltpu.async_copy(g_hbm.at[src_v.at[c]], buf, s)

        def _wait(buf, s):
            pltpu.make_async_copy(g_hbm.at[src_v.at[0]], buf, s).wait()

        def _edges(i, _):
            c0 = _NBUF * i
            for k in range(_NBUF):
                _wait(bufs[k], sems[k])
                pltpu.sync_copy(bufs[k], acc_sh.at[dst_v.at[c0 + k]],
                                add=True)

                @pl.when(c0 + _NBUF + k < _WIN)
                def _():
                    _gather(c0 + _NBUF + k, bufs[k], sems[k])

            return 0

        def _window(w, _):
            pltpu.sync_copy(e3_hbm.at[0, wid, pl.ds(w * _WIN, _WIN)], src_v)
            pltpu.sync_copy(e3_hbm.at[1, wid, pl.ds(w * _WIN, _WIN)], dst_v)
            for k in range(_NBUF):
                _gather(k, bufs[k], sems[k])
            lax.fori_loop(0, _WIN // _NBUF, _edges, 0)
            return 0

        lax.fori_loop(0, rows_per_tile // _WIN, _window, 0)
        plsc.subcore_barrier()

        def _dump(out):
            sl = pl.ds(sid * n0, n0)
            pltpu.sync_copy(acc_sh.at[sl], out.at[sl])

            @pl.when(sid == _NS - 1)
            def _():
                tl = pl.ds(_NS * n0, tail)
                pltpu.sync_copy(acc_sh.at[tl], out.at[tl])

        @pl.when(cid == 0)
        def _():
            _dump(out0)

        @pl.when(cid == 1)
        def _():
            _dump(out1)

    return edge_kernel


def _matmul_tc(x_ref, w_ref, h_ref):
    h_ref[...] = jnp.dot(x_ref[...], w_ref[...],
                         preferred_element_type=jnp.float32)


def _dinv_scale_tc(p0_ref, p1_ref, h_ref, dinv_ref, g_ref):
    deg = 1.0 + p0_ref[:, 0:1] + p1_ref[:, 0:1]
    dinv = lax.rsqrt(deg)
    dinv_ref[...] = dinv
    g_ref[...] = h_ref[...] * dinv


def _combine_tc(g_ref, p0_ref, p1_ref, dinv_ref, b_ref, out_ref):
    s = g_ref[...] + p0_ref[...] + p1_ref[...]
    out_ref[...] = dinv_ref[...] * s + b_ref[...]


def kernel(x, edge_index, W, b):
    N, D_in = x.shape
    D_out = W.shape[1]
    E = edge_index.shape[1]

    e3 = edge_index.reshape(2, _NW, E // _CH // _NW, _CH)

    nb = 2000
    grid = (N // nb,)

    h = pl.pallas_call(
        _matmul_tc,
        grid=grid,
        in_specs=[
            pl.BlockSpec((nb, D_in), lambda i: (i, 0)),
            pl.BlockSpec((D_in, D_out), lambda i: (0, 0)),
        ],
        out_specs=pl.BlockSpec((nb, D_out), lambda i: (i, 0)),
        out_shape=jax.ShapeDtypeStruct((N, D_out), jnp.float32),
    )(x, W)

    hp0, hp1 = _make_deg_kernel(N, E)(e3)

    dinv, g = pl.pallas_call(
        _dinv_scale_tc,
        grid=grid,
        in_specs=[
            pl.BlockSpec((nb, 16), lambda i: (i, 0)),
            pl.BlockSpec((nb, 16), lambda i: (i, 0)),
            pl.BlockSpec((nb, D_out), lambda i: (i, 0)),
        ],
        out_specs=[
            pl.BlockSpec((nb, 1), lambda i: (i, 0)),
            pl.BlockSpec((nb, D_out), lambda i: (i, 0)),
        ],
        out_shape=[
            jax.ShapeDtypeStruct((N, 1), jnp.float32),
            jax.ShapeDtypeStruct((N, D_out), jnp.float32),
        ],
    )(hp0, hp1, h)

    p0, p1 = _make_edge_kernel(N, E, D_out)(e3, g)

    out = pl.pallas_call(
        _combine_tc,
        grid=grid,
        in_specs=[
            pl.BlockSpec((nb, D_out), lambda i: (i, 0)),
            pl.BlockSpec((nb, D_out), lambda i: (i, 0)),
            pl.BlockSpec((nb, D_out), lambda i: (i, 0)),
            pl.BlockSpec((nb, 1), lambda i: (i, 0)),
            pl.BlockSpec((1, D_out), lambda i: (0, 0)),
        ],
        out_specs=pl.BlockSpec((nb, D_out), lambda i: (i, 0)),
        out_shape=jax.ShapeDtypeStruct((N, D_out), jnp.float32),
    )(g, p0, p1, dinv, b.reshape(1, D_out))

    return out

# --- scband reference (transcript-rebuilt; emitter-appended) ---
"""Pipeline reference for scband-na-op-27410481283138 (READ-ONLY COPY).

The authoritative reference and input builder live on the scoring server;
editing this copy changes nothing except your own understanding.
"""

import jax, jax.numpy as jnp
import numpy as np

N = 10000
E = 320000
D_IN = 128
D_OUT = 128

def setup_inputs(seed: int = 0) -> dict:
    key = jax.random.key(seed)
    k1, k2, k3 = jax.random.split(key, 3)
    x = jax.random.normal(k1, (N, D_IN), dtype=jnp.float32)
    edge_index = jax.random.randint(k2, (2, E), 0, N, dtype=jnp.int32)
    W = jax.random.normal(k3, (D_IN, D_OUT), dtype=jnp.float32) * 0.05
    b = jnp.zeros((D_OUT,), dtype=jnp.float32)
    return {"x": x, "edge_index": edge_index, "W": W, "b": b}

def reference(x, edge_index, W, b):
    # NaOp with op_name='gcn' wraps a GCNConv(in_dim, out_dim):
    # out = D^{-1/2} (A + I) D^{-1/2} X W + b  (symmetric normalization with self-loops)
    src = edge_index[0]
    dst = edge_index[1]
    loop = jnp.arange(N, dtype=edge_index.dtype)
    src = jnp.concatenate([src, loop])
    dst = jnp.concatenate([dst, loop])
    # degree (including self-loops) computed on destination nodes
    deg = jax.ops.segment_sum(jnp.ones_like(src, dtype=x.dtype), dst, num_segments=N)
    dinv = jnp.where(deg > 0, jax.lax.rsqrt(deg), 0.0)
    norm = dinv[src] * dinv[dst]
    # linear transform then gather / normalize / scatter-add
    h = x @ W
    msg = jnp.take(h, src, axis=0) * norm[:, None]
    out = jax.ops.segment_sum(msg, dst, num_segments=N) + b
    return out

if __name__ == "__main__":
    import jax
    _d = setup_inputs()
    print(jax.jit(kernel)(*tuple(_d.values())))

</pallas_src>

<mosaic_0001>
#map = affine_map<(d0, d1) -> (0, 0, 0, 0)>
#map1 = affine_map<(d0, d1) -> (0, 0)>
module attributes {stable_mosaic.version = 14 : i64} {
  func.func @edge_kernel(%arg0: i32, %arg1: i32, %arg2: memref<2x32x80x125xi32, #tpu.memory_space<hbm>>, %arg3: memref<10000x128xf32, #tpu.memory_space<hbm>>, %arg4: memref<10000x128xf32, #tpu.memory_space<hbm>>, %arg5: memref<10000x128xf32, #tpu.memory_space<hbm>>, %arg6: memref<40x125xi32, #tpu.memory_space<vmem>>, %arg7: memref<40x125xi32, #tpu.memory_space<vmem>>, %arg8: memref<125x128xf32, #tpu.memory_space<vmem>>, %arg9: memref<125x128xf32, #tpu.memory_space<vmem>>, %arg10: memref<16x128xf32, #tpu.memory_space<vmem>>, %arg11: memref<10000x128xf32, #tpu.memory_space<vmem_shared>>, %arg12: memref<!tpu.dma_semaphore, #tpu.memory_space<semaphore_mem>>, %arg13: memref<!tpu.dma_semaphore, #tpu.memory_space<semaphore_mem>>) attributes {dimension_semantics = [#tpu.dimension_semantics<core_parallel>, #tpu.dimension_semantics<subcore_parallel>], iteration_bounds = array<i64: 2, 16>, scalar_prefetch = 0 : i64, scratch_operands = 8 : i64, tpu.core_type = #tpu.core_type<sc_vector_subcore>, window_params = [{transform_indices = #map}, {transform_indices = #map1}, {transform_indices = #map1}, {transform_indices = #map1}]} {
    %mul3A = arith.constant 16 : i32
    %mul3A_0 = arith.muli %arg0, %mul3A : i32
    %add3A = arith.addi %mul3A_0, %arg1 : i32
    %broadcast_in_dim3A = arith.constant 0.000000e+00 : f32
    %broadcast_in_dim3A_1 = vector.broadcast %broadcast_in_dim3A : f32 to vector<16xf32>
    %swap3A = arith.constant 0 : i32
    %swap3A_2 = arith.index_cast %swap3A : i32 to index
    %swap3A_3 = arith.constant 0 : index
    %swap3A_4 = tpu.vector_load %arg10[%swap3A_2, %swap3A_3] {strides = array<i32>} : memref<16x128xf32, #tpu.memory_space<vmem>>, vector<1x16xf32>,
    %swap3A_5 = vector.shape_cast %swap3A_4 : vector<1x16xf32> to vector<16xf32>
    %swap3A_6 = vector.shape_cast %broadcast_in_dim3A_1 : vector<16xf32> to vector<1x16xf32>
    tpu.vector_store %arg10[%swap3A_2, %swap3A_3], %swap3A_6 {strides = array<i32>} : memref<16x128xf32, #tpu.memory_space<vmem>>, vector<1x16xf32>,
    %swap3A_7 = arith.constant 0 : i32
    %swap3A_8 = arith.index_cast %swap3A_7 : i32 to index
    %swap3A_9 = arith.constant 16 : index
    %swap3A_10 = tpu.vector_load %arg10[%swap3A_8, %swap3A_9] {strides = array<i32>} : memref<16x128xf32, #tpu.memory_space<vmem>>, vector<1x16xf32>,
    %swap3A_11 = vector.shape_cast %swap3A_10 : vector<1x16xf32> to vector<16xf32>
    %swap3A_12 = vector.shape_cast %broadcast_in_dim3A_1 : vector<16xf32> to vector<1x16xf32>
    tpu.vector_store %arg10[%swap3A_8, %swap3A_9], %swap3A_12 {strides = array<i32>} : memref<16x128xf32, #tpu.memory_space<vmem>>, vector<1x16xf32>,
    %swap3A_13 = arith.constant 0 : i32
    %swap3A_14 = arith.index_cast %swap3A_13 : i32 to index
    %swap3A_15 = arith.constant 32 : index
    %swap3A_16 = tpu.vector_load %arg10[%swap3A_14, %swap3A_15] {strides = array<i32>} : memref<16x128xf32, #tpu.memory_space<vmem>>, vector<1x16xf32>,
    %swap3A_17 = vector.shape_cast %swap3A_16 : vector<1x16xf32> to vector<16xf32>
    %swap3A_18 = vector.shape_cast %broadcast_in_dim3A_1 : vector<16xf32> to vector<1x16xf32>
    tpu.vector_store %arg10[%swap3A_14, %swap3A_15], %swap3A_18 {strides = array<i32>} : memref<16x128xf32, #tpu.memory_space<vmem>>, vector<1x16xf32>,
    %swap3A_19 = arith.constant 0 : i32
    %swap3A_20 = arith.index_cast %swap3A_19 : i32 to index
    %swap3A_21 = arith.constant 48 : index
    %swap3A_22 = tpu.vector_load %arg10[%swap3A_20, %swap3A_21] {strides = array<i32>} : memref<16x128xf32, #tpu.memory_space<vmem>>, vector<1x16xf32>,
    %swap3A_23 = vector.shape_cast %swap3A_22 : vector<1x16xf32> to vector<16xf32>
    %swap3A_24 = vector.shape_cast %broadcast_in_dim3A_1 : vector<16xf32> to vector<1x16xf32>
    tpu.vector_store %arg10[%swap3A_20, %swap3A_21], %swap3A_24 {strides = array<i32>} : memref<16x128xf32, #tpu.memory_space<vmem>>, vector<1x16xf32>,
    %swap3A_25 = arith.constant 0 : i32
    %swap3A_26 = arith.index_cast %swap3A_25 : i32 to index
    %swap3A_27 = arith.constant 64 : index
    %swap3A_28 = tpu.vector_load %arg10[%swap3A_26, %swap3A_27] {strides = array<i32>} : memref<16x128xf32, #tpu.memory_space<vmem>>, vector<1x16xf32>,
    %swap3A_29 = vector.shape_cast %swap3A_28 : vector<1x16xf32> to vector<16xf32>
    %swap3A_30 = vector.shape_cast %broadcast_in_dim3A_1 : vector<16xf32> to vector<1x16xf32>
    tpu.vector_store %arg10[%swap3A_26, %swap3A_27], %swap3A_30 {strides = array<i32>} : memref<16x128xf32, #tpu.memory_space<vmem>>, vector<1x16xf32>,
    %swap3A_31 = arith.constant 0 : i32
    %swap3A_32 = arith.index_cast %swap3A_31 : i32 to index
    %swap3A_33 = arith.constant 80 : index
    %swap3A_34 = tpu.vector_load %arg10[%swap3A_32, %swap3A_33] {strides = array<i32>} : memref<16x128xf32, #tpu.memory_space<vmem>>, vector<1x16xf32>,
    %swap3A_35 = vector.shape_cast %swap3A_34 : vector<1x16xf32> to vector<16xf32>
    %swap3A_36 = vector.shape_cast %broadcast_in_dim3A_1 : vector<16xf32> to vector<1x16xf32>
    tpu.vector_store %arg10[%swap3A_32, %swap3A_33], %swap3A_36 {strides = array<i32>} : memref<16x128xf32, #tpu.memory_space<vmem>>, vector<1x16xf32>,
    %swap3A_37 = arith.constant 0 : i32
    %swap3A_38 = arith.index_cast %swap3A_37 : i32 to index
    %swap3A_39 = arith.constant 96 : index
    %swap3A_40 = tpu.vector_load %arg10[%swap3A_38, %swap3A_39] {strides = array<i32>} : memref<16x128xf32, #tpu.memory_space<vmem>>, vector<1x16xf32>,
    %swap3A_41 = vector.shape_cast %swap3A_40 : vector<1x16xf32> to vector<16xf32>
    %swap3A_42 = vector.shape_cast %broadcast_in_dim3A_1 : vector<16xf32> to vector<1x16xf32>
    tpu.vector_store %arg10[%swap3A_38, %swap3A_39], %swap3A_42 {strides = array<i32>} : memref<16x128xf32, #tpu.memory_space<vmem>>, vector<1x16xf32>,
    %swap3A_43 = arith.constant 0 : i32
    %swap3A_44 = arith.index_cast %swap3A_43 : i32 to index
    %swap3A_45 = arith.constant 112 : index
    %swap3A_46 = tpu.vector_load %arg10[%swap3A_44, %swap3A_45] {strides = array<i32>} : memref<16x128xf32, #tpu.memory_space<vmem>>, vector<1x16xf32>,
    %swap3A_47 = vector.shape_cast %swap3A_46 : vector<1x16xf32> to vector<16xf32>
    %swap3A_48 = vector.shape_cast %broadcast_in_dim3A_1 : vector<16xf32> to vector<1x16xf32>
    tpu.vector_store %arg10[%swap3A_44, %swap3A_45], %swap3A_48 {strides = array<i32>} : memref<16x128xf32, #tpu.memory_space<vmem>>, vector<1x16xf32>,
    %swap3A_49 = arith.constant 1 : i32
    %swap3A_50 = arith.index_cast %swap3A_49 : i32 to index
    %swap3A_51 = arith.constant 0 : index
    %swap3A_52 = tpu.vector_load %arg10[%swap3A_50, %swap3A_51] {strides = array<i32>} : memref<16x128xf32, #tpu.memory_space<vmem>>, vector<1x16xf32>,
    %swap3A_53 = vector.shape_cast %swap3A_52 : vector<1x16xf32> to vector<16xf32>
    %swap3A_54 = vector.shape_cast %broadcast_in_dim3A_1 : vector<16xf32> to vector<1x16xf32>
    tpu.vector_store %arg10[%swap3A_50, %swap3A_51], %swap3A_54 {strides = array<i32>} : memref<16x128xf32, #tpu.memory_space<vmem>>, vector<1x16xf32>,
    %swap3A_55 = arith.constant 1 : i32
    %swap3A_56 = arith.index_cast %swap3A_55 : i32 to index
    %swap3A_57 = arith.constant 16 : index
    %swap3A_58 = tpu.vector_load %arg10[%swap3A_56, %swap3A_57] {strides = array<i32>} : memref<16x128xf32, #tpu.memory_space<vmem>>, vector<1x16xf32>,
    %swap3A_59 = vector.shape_cast %swap3A_58 : vector<1x16xf32> to vector<16xf32>
    %swap3A_60 = vector.shape_cast %broadcast_in_dim3A_1 : vector<16xf32> to vector<1x16xf32>
    tpu.vector_store %arg10[%swap3A_56, %swap3A_57], %swap3A_60 {strides = array<i32>} : memref<16x128xf32, #tpu.memory_space<vmem>>, vector<1x16xf32>,
    %swap3A_61 = arith.constant 1 : i32
    %swap3A_62 = arith.index_cast %swap3A_61 : i32 to index
    %swap3A_63 = arith.constant 32 : index
    %swap3A_64 = tpu.vector_load %arg10[%swap3A_62, %swap3A_63] {strides = array<i32>} : memref<16x128xf32, #tpu.memory_space<vmem>>, vector<1x16xf32>,
    %swap3A_65 = vector.shape_cast %swap3A_64 : vector<1x16xf32> to vector<16xf32>
    %swap3A_66 = vector.shape_cast %broadcast_in_dim3A_1 : vector<16xf32> to vector<1x16xf32>
    tpu.vector_store %arg10[%swap3A_62, %swap3A_63], %swap3A_66 {strides = array<i32>} : memref<16x128xf32, #tpu.memory_space<vmem>>, vector<1x16xf32>,
    %swap3A_67 = arith.constant 1 : i32
    %swap3A_68 = arith.index_cast %swap3A_67 : i32 to index
    %swap3A_69 = arith.constant 48 : index
    %swap3A_70 = tpu.vector_load %arg10[%swap3A_68, %swap3A_69] {strides = array<i32>} : memref<16x128xf32, #tpu.memory_space<vmem>>, vector<1x16xf32>,
    %swap3A_71 = vector.shape_cast %swap3A_70 : vector<1x16xf32> to vector<16xf32>
    %swap3A_72 = vector.shape_cast %broadcast_in_dim3A_1 : vector<16xf32> to vector<1x16xf32>
    tpu.vector_store %arg10[%swap3A_68, %swap3A_69], %swap3A_72 {strides = array<i32>} : memref<16x128xf32, #tpu.memory_space<vmem>>, vector<1x16xf32>,
    %swap3A_73 = arith.constant 1 : i32
    %swap3A_74 = arith.index_cast %swap3A_73 : i32 to index
    %swap3A_75 = arith.constant 64 : index
    %swap3A_76 = tpu.vector_load %arg10[%swap3A_74, %swap3A_75] {strides = array<i32>} : memref<16x128xf32, #tpu.memory_space<vmem>>, vector<1x16xf32>,
    %swap3A_77 = vector.shape_cast %swap3A_76 : vector<1x16xf32> to vector<16xf32>
    %swap3A_78 = vector.shape_cast %broadcast_in_dim3A_1 : vector<16xf32> to vector<1x16xf32>
    tpu.vector_store %arg10[%swap3A_74, %swap3A_75], %swap3A_78 {strides = array<i32>} : memref<16x128xf32, #tpu.memory_space<vmem>>, vector<1x16xf32>,
    %swap3A_79 = arith.constant 1 : i32
    %swap3A_80 = arith.index_cast %swap3A_79 : i32 to index
    %swap3A_81 = arith.constant 80 : index
    %swap3A_82 = tpu.vector_load %arg10[%swap3A_80, %swap3A_81] {strides = array<i32>} : memref<16x128xf32, #tpu.memory_space<vmem>>, vector<1x16xf32>,
    %swap3A_83 = vector.shape_cast %swap3A_82 : vector<1x16xf32> to vector<16xf32>
    %swap3A_84 = vector.shape_cast %broadcast_in_dim3A_1 : vector<16xf32> to vector<1x16xf32>
    tpu.vector_store %arg10[%swap3A_80, %swap3A_81], %swap3A_84 {strides = array<i32>} : memref<16x128xf32, #tpu.memory_space<vmem>>, vector<1x16xf32>,
    %swap3A_85 = arith.constant 1 : i32
    %swap3A_86 = arith.index_cast %swap3A_85 : i32 to index
    %swap3A_87 = arith.constant 96 : index
    %swap3A_88 = tpu.vector_load %arg10[%swap3A_86, %swap3A_87] {strides = array<i32>} : memref<16x128xf32, #tpu.memory_space<vmem>>, vector<1x16xf32>,
    %swap3A_89 = vector.shape_cast %swap3A_88 : vector<1x16xf32> to vector<16xf32>
    %swap3A_90 = vector.shape_cast %broadcast_in_dim3A_1 : vector<16xf32> to vector<1x16xf32>
    tpu.vector_store %arg10[%swap3A_86, %swap3A_87], %swap3A_90 {strides = array<i32>} : memref<16x128xf32, #tpu.memory_space<vmem>>, vector<1x16xf32>,
    %swap3A_91 = arith.constant 1 : i32
    %swap3A_92 = arith.index_cast %swap3A_91 : i32 to index
    %swap3A_93 = arith.constant 112 : index
    %swap3A_94 = tpu.vector_load %arg10[%swap3A_92, %swap3A_93] {strides = array<i32>} : memref<16x128xf32, #tpu.memory_space<vmem>>, vector<1x16xf32>,
    %swap3A_95 = vector.shape_cast %swap3A_94 : vector<1x16xf32> to vector<16xf32>
    %swap3A_96 = vector.shape_cast %broadcast_in_dim3A_1 : vector<16xf32> to vector<1x16xf32>
    tpu.vector_store %arg10[%swap3A_92, %swap3A_93], %swap3A_96 {strides = array<i32>} : memref<16x128xf32, #tpu.memory_space<vmem>>, vector<1x16xf32>,
    %swap3A_97 = arith.constant 2 : i32
    %swap3A_98 = arith.index_cast %swap3A_97 : i32 to index
    %swap3A_99 = arith.constant 0 : index
    %swap3A_100 = tpu.vector_load %arg10[%swap3A_98, %swap3A_99] {strides = array<i32>} : memref<16x128xf32, #tpu.memory_space<vmem>>, vector<1x16xf32>,
    %swap3A_101 = vector.shape_cast %swap3A_100 : vector<1x16xf32> to vector<16xf32>
    %swap3A_102 = vector.shape_cast %broadcast_in_dim3A_1 : vector<16xf32> to vector<1x16xf32>
    tpu.vector_store %arg10[%swap3A_98, %swap3A_99], %swap3A_102 {strides = array<i32>} : memref<16x128xf32, #tpu.memory_space<vmem>>, vector<1x16xf32>,
    %swap3A_103 = arith.constant 2 : i32
    %swap3A_104 = arith.index_cast %swap3A_103 : i32 to index
    %swap3A_105 = arith.constant 16 : index
    %swap3A_106 = tpu.vector_load %arg10[%swap3A_104, %swap3A_105] {strides = array<i32>} : memref<16x128xf32, #tpu.memory_space<vmem>>, vector<1x16xf32>,
    %swap3A_107 = vector.shape_cast %swap3A_106 : vector<1x16xf32> to vector<16xf32>
    %swap3A_108 = vector.shape_cast %broadcast_in_dim3A_1 : vector<16xf32> to vector<1x16xf32>
    tpu.vector_store %arg10[%swap3A_104, %swap3A_105], %swap3A_108 {strides = array<i32>} : memref<16x128xf32, #tpu.memory_space<vmem>>, vector<1x16xf32>,
    %swap3A_109 = arith.constant 2 : i32
    %swap3A_110 = arith.index_cast %swap3A_109 : i32 to index
    %swap3A_111 = arith.constant 32 : index
    %swap3A_112 = tpu.vector_load %arg10[%swap3A_110, %swap3A_111] {strides = array<i32>} : memref<16x128xf32, #tpu.memory_space<vmem>>, vector<1x16xf32>,
    %swap3A_113 = vector.shape_cast %swap3A_112 : vector<1x16xf32> to vector<16xf32>
    %swap3A_114 = vector.shape_cast %broadcast_in_dim3A_1 : vector<16xf32> to vector<1x16xf32>
    tpu.vector_store %arg10[%swap3A_110, %swap3A_111], %swap3A_114 {strides = array<i32>} : memref<16x128xf32, #tpu.memory_space<vmem>>, vector<1x16xf32>,
    %swap3A_115 = arith.constant 2 : i32
    %swap3A_116 = arith.index_cast %swap3A_115 : i32 to index
    %swap3A_117 = arith.constant 48 : index
    %swap3A_118 = tpu.vector_load %arg10[%swap3A_116, %swap3A_117] {strides = array<i32>} : memref<16x128xf32, #tpu.memory_space<vmem>>, vector<1x16xf32>,
    %swap3A_119 = vector.shape_cast %swap3A_118 : vector<1x16xf32> to vector<16xf32>
    %swap3A_120 = vector.shape_cast %broadcast_in_dim3A_1 : vector<16xf32> to vector<1x16xf32>
    tpu.vector_store %arg10[%swap3A_116, %swap3A_117], %swap3A_120 {strides = array<i32>} : memref<16x128xf32, #tpu.memory_space<vmem>>, vector<1x16xf32>,
    %swap3A_121 = arith.constant 2 : i32
    %swap3A_122 = arith.index_cast %swap3A_121 : i32 to index
    %swap3A_123 = arith.constant 64 : index
    %swap3A_124 = tpu.vector_load %arg10[%swap3A_122, %swap3A_123] {strides = array<i32>} : memref<16x128xf32, #tpu.memory_space<vmem>>, vector<1x16xf32>,
    %swap3A_125 = vector.shape_cast %swap3A_124 : vector<1x16xf32> to vector<16xf32>
    %swap3A_126 = vector.shape_cast %broadcast_in_dim3A_1 : vector<16xf32> to vector<1x16xf32>
    tpu.vector_store %arg10[%swap3A_122, %swap3A_123], %swap3A_126 {strides = array<i32>} : memref<16x128xf32, #tpu.memory_space<vmem>>, vector<1x16xf32>,
    %swap3A_127 = arith.constant 2 : i32
    %swap3A_128 = arith.index_cast %swap3A_127 : i32 to index
    %swap3A_129 = arith.constant 80 : index
    %swap3A_130 = tpu.vector_load %arg10[%swap3A_128, %swap3A_129] {strides = array<i32>} : memref<16x128xf32, #tpu.memory_space<vmem>>, vector<1x16xf32>,
    %swap3A_131 = vector.shape_cast %swap3A_130 : vector<1x16xf32> to vector<16xf32>
    %swap3A_132 = vector.shape_cast %broadcast_in_dim3A_1 : vector<16xf32> to vector<1x16xf32>
    tpu.vector_store %arg10[%swap3A_128, %swap3A_129], %swap3A_132 {strides = array<i32>} : memref<16x128xf32, #tpu.memory_space<vmem>>, vector<1x16xf32>,
    %swap3A_133 = arith.constant 2 : i32
    %swap3A_134 = arith.index_cast %swap3A_133 : i32 to index
    %swap3A_135 = arith.constant 96 : index
    %swap3A_136 = tpu.vector_load %arg10[%swap3A_134, %swap3A_135] {strides = array<i32>} : memref<16x128xf32, #tpu.memory_space<vmem>>, vector<1x16xf32>,
    %swap3A_137 = vector.shape_cast %swap3A_136 : vector<1x16xf32> to vector<16xf32>
    %swap3A_138 = vector.shape_cast %broadcast_in_dim3A_1 : vector<16xf32> to vector<1x16xf32>
    tpu.vector_store %arg10[%swap3A_134, %swap3A_135], %swap3A_138 {strides = array<i32>} : memref<16x128xf32, #tpu.memory_space<vmem>>, vector<1x16xf32>,
    %swap3A_139 = arith.constant 2 : i32
    %swap3A_140 = arith.index_cast %swap3A_139 : i32 to index
    %swap3A_141 = arith.constant 112 : index
    %swap3A_142 = tpu.vector_load %arg10[%swap3A_140, %swap3A_141] {strides = array<i32>} : memref<16x128xf32, #tpu.memory_space<vmem>>, vector<1x16xf32>,
    %swap3A_143 = vector.shape_cast %swap3A_142 : vector<1x16xf32> to vector<16xf32>
    %swap3A_144 = vector.shape_cast %broadcast_in_dim3A_1 : vector<16xf32> to vector<1x16xf32>
    tpu.vector_store %arg10[%swap3A_140, %swap3A_141], %swap3A_144 {strides = array<i32>} : memref<16x128xf32, #tpu.memory_space<vmem>>, vector<1x16xf32>,
    %swap3A_145 = arith.constant 3 : i32
    %swap3A_146 = arith.index_cast %swap3A_145 : i32 to index
    %swap3A_147 = arith.constant 0 : index
    %swap3A_148 = tpu.vector_load %arg10[%swap3A_146, %swap3A_147] {strides = array<i32>} : memref<16x128xf32, #tpu.memory_space<vmem>>, vector<1x16xf32>,
    %swap3A_149 = vector.shape_cast %swap3A_148 : vector<1x16xf32> to vector<16xf32>
    %swap3A_150 = vector.shape_cast %broadcast_in_dim3A_1 : vector<16xf32> to vector<1x16xf32>
    tpu.vector_store %arg10[%swap3A_146, %swap3A_147], %swap3A_150 {strides = array<i32>} : memref<16x128xf32, #tpu.memory_space<vmem>>, vector<1x16xf32>,
    %swap3A_151 = arith.constant 3 : i32
    %swap3A_152 = arith.index_cast %swap3A_151 : i32 to index
    %swap3A_153 = arith.constant 16 : index
    %swap3A_154 = tpu.vector_load %arg10[%swap3A_152, %swap3A_153] {strides = array<i32>} : memref<16x128xf32, #tpu.memory_space<vmem>>, vector<1x16xf32>,
    %swap3A_155 = vector.shape_cast %swap3A_154 : vector<1x16xf32> to vector<16xf32>
    %swap3A_156 = vector.shape_cast %broadcast_in_dim3A_1 : vector<16xf32> to vector<1x16xf32>
    tpu.vector_store %arg10[%swap3A_152, %swap3A_153], %swap3A_156 {strides = array<i32>} : memref<16x128xf32, #tpu.memory_space<vmem>>, vector<1x16xf32>,
    %swap3A_157 = arith.constant 3 : i32
    %swap3A_158 = arith.index_cast %swap3A_157 : i32 to index
    %swap3A_159 = arith.constant 32 : index
    %swap3A_160 = tpu.vector_load %arg10[%swap3A_158, %swap3A_159] {strides = array<i32>} : memref<16x128xf32, #tpu.memory_space<vmem>>, vector<1x16xf32>,
    %swap3A_161 = vector.shape_cast %swap3A_160 : vector<1x16xf32> to vector<16xf32>
    %swap3A_162 = vector.shape_cast %broadcast_in_dim3A_1 : vector<16xf32> to vector<1x16xf32>
    tpu.vector_store %arg10[%swap3A_158, %swap3A_159], %swap3A_162 {strides = array<i32>} : memref<16x128xf32, #tpu.memory_space<vmem>>, vector<1x16xf32>,
    %swap3A_163 = arith.constant 3 : i32
    %swap3A_164 = arith.index_cast %swap3A_163 : i32 to index
    %swap3A_165 = arith.constant 48 : index
    %swap3A_166 = tpu.vector_load %arg10[%swap3A_164, %swap3A_165] {strides = array<i32>} : memref<16x128xf32, #tpu.memory_space<vmem>>, vector<1x16xf32>,
    %swap3A_167 = vector.shape_cast %swap3A_166 : vector<1x16xf32> to vector<16xf32>
    %swap3A_168 = vector.shape_cast %broadcast_in_dim3A_1 : vector<16xf32> to vector<1x16xf32>
    tpu.vector_store %arg10[%swap3A_164, %swap3A_165], %swap3A_168 {strides = array<i32>} : memref<16x128xf32, #tpu.memory_space<vmem>>, vector<1x16xf32>,
    %swap3A_169 = arith.constant 3 : i32
    %swap3A_170 = arith.index_cast %swap3A_169 : i32 to index
    %swap3A_171 = arith.constant 64 : index
    %swap3A_172 = tpu.vector_load %arg10[%swap3A_170, %swap3A_171] {strides = array<i32>} : memref<16x128xf32, #tpu.memory_space<vmem>>, vector<1x16xf32>,
    %swap3A_173 = vector.shape_cast %swap3A_172 : vector<1x16xf32> to vector<16xf32>
    %swap3A_174 = vector.shape_cast %broadcast_in_dim3A_1 : vector<16xf32> to vector<1x16xf32>
    tpu.vector_store %arg10[%swap3A_170, %swap3A_171], %swap3A_174 {strides = array<i32>} : memref<16x128xf32, #tpu.memory_space<vmem>>, vector<1x16xf32>,
    %swap3A_175 = arith.constant 3 : i32
    %swap3A_176 = arith.index_cast %swap3A_175 : i32 to index
    %swap3A_177 = arith.constant 80 : index
    %swap3A_178 = tpu.vector_load %arg10[%swap3A_176, %swap3A_177] {strides = array<i32>} : memref<16x128xf32, #tpu.memory_space<vmem>>, vector<1x16xf32>,
    %swap3A_179 = vector.shape_cast %swap3A_178 : vector<1x16xf32> to vector<16xf32>
    %swap3A_180 = vector.shape_cast %broadcast_in_dim3A_1 : vector<16xf32> to vector<1x16xf32>
    tpu.vector_store %arg10[%swap3A_176, %swap3A_177], %swap3A_180 {strides = array<i32>} : memref<16x128xf32, #tpu.memory_space<vmem>>, vector<1x16xf32>,
    %swap3A_181 = arith.constant 3 : i32
    %swap3A_182 = arith.index_cast %swap3A_181 : i32 to index
    %swap3A_183 = arith.constant 96 : index
    %swap3A_184 = tpu.vector_load %arg10[%swap3A_182, %swap3A_183] {strides = array<i32>} : memref<16x128xf32, #tpu.memory_space<vmem>>, vector<1x16xf32>,
    %swap3A_185 = vector.shape_cast %swap3A_184 : vector<1x16xf32> to vector<16xf32>
    %swap3A_186 = vector.shape_cast %broadcast_in_dim3A_1 : vector<16xf32> to vector<1x16xf32>
    tpu.vector_store %arg10[%swap3A_182, %swap3A_183], %swap3A_186 {strides = array<i32>} : memref<16x128xf32, #tpu.memory_space<vmem>>, vector<1x16xf32>,
    %swap3A_187 = arith.constant 3 : i32
    %swap3A_188 = arith.index_cast %swap3A_187 : i32 to index
    %swap3A_189 = arith.constant 112 : index
    %swap3A_190 = tpu.vector_load %arg10[%swap3A_188, %swap3A_189] {strides = array<i32>} : memref<16x128xf32, #tpu.memory_space<vmem>>, vector<1x16xf32>,
    %swap3A_191 = vector.shape_cast %swap3A_190 : vector<1x16xf32> to vector<16xf32>
    %swap3A_192 = vector.shape_cast %broadcast_in_dim3A_1 : vector<16xf32> to vector<1x16xf32>
    tpu.vector_store %arg10[%swap3A_188, %swap3A_189], %swap3A_192 {strides = array<i32>} : memref<16x128xf32, #tpu.memory_space<vmem>>, vector<1x16xf32>,
    %swap3A_193 = arith.constant 4 : i32
    %swap3A_194 = arith.index_cast %swap3A_193 : i32 to index
    %swap3A_195 = arith.constant 0 : index
    %swap3A_196 = tpu.vector_load %arg10[%swap3A_194, %swap3A_195] {strides = array<i32>} : memref<16x128xf32, #tpu.memory_space<vmem>>, vector<1x16xf32>,
    %swap3A_197 = vector.shape_cast %swap3A_196 : vector<1x16xf32> to vector<16xf32>
    %swap3A_198 = vector.shape_cast %broadcast_in_dim3A_1 : vector<16xf32> to vector<1x16xf32>
    tpu.vector_store %arg10[%swap3A_194, %swap3A_195], %swap3A_198 {strides = array<i32>} : memref<16x128xf32, #tpu.memory_space<vmem>>, vector<1x16xf32>,
    %swap3A_199 = arith.constant 4 : i32
    %swap3A_200 = arith.index_cast %swap3A_199 : i32 to index
    %swap3A_201 = arith.constant 16 : index
    %swap3A_202 = tpu.vector_load %arg10[%swap3A_200, %swap3A_201] {strides = array<i32>} : memref<16x128xf32, #tpu.memory_space<vmem>>, vector<1x16xf32>,
    %swap3A_203 = vector.shape_cast %swap3A_202 : vector<1x16xf32> to vector<16xf32>
    %swap3A_204 = vector.shape_cast %broadcast_in_dim3A_1 : vector<16xf32> to vector<1x16xf32>
    tpu.vector_store %arg10[%swap3A_200, %swap3A_201], %swap3A_204 {strides = array<i32>} : memref<16x128xf32, #tpu.memory_space<vmem>>, vector<1x16xf32>,
    %swap3A_205 = arith.constant 4 : i32
    %swap3A_206 = arith.index_cast %swap3A_205 : i32 to index
    %swap3A_207 = arith.constant 32 : index
    %swap3A_208 = tpu.vector_load %arg10[%swap3A_206, %swap3A_207] {strides = array<i32>} : memref<16x128xf32, #tpu.memory_space<vmem>>, vector<1x16xf32>,
    %swap3A_209 = vector.shape_cast %swap3A_208 : vector<1x16xf32> to vector<16xf32>
    %swap3A_210 = vector.shape_cast %broadcast_in_dim3A_1 : vector<16xf32> to vector<1x16xf32>
    tpu.vector_store %arg10[%swap3A_206, %swap3A_207], %swap3A_210 {strides = array<i32>} : memref<16x128xf32, #tpu.memory_space<vmem>>, vector<1x16xf32>,
    %swap3A_211 = arith.constant 4 : i32
    %swap3A_212 = arith.index_cast %swap3A_211 : i32 to index
    %swap3A_213 = arith.constant 48 : index
    %swap3A_214 = tpu.vector_load %arg10[%swap3A_212, %swap3A_213] {strides = array<i32>} : memref<16x128xf32, #tpu.memory_space<vmem>>, vector<1x16xf32>,
    %swap3A_215 = vector.shape_cast %swap3A_214 : vector<1x16xf32> to vector<16xf32>
    %swap3A_216 = vector.shape_cast %broadcast_in_dim3A_1 : vector<16xf32> to vector<1x16xf32>
    tpu.vector_store %arg10[%swap3A_212, %swap3A_213], %swap3A_216 {strides = array<i32>} : memref<16x128xf32, #tpu.memory_space<vmem>>, vector<1x16xf32>,
    %swap3A_217 = arith.constant 4 : i32
    %swap3A_218 = arith.index_cast %swap3A_217 : i32 to index
    %swap3A_219 = arith.constant 64 : index
    %swap3A_220 = tpu.vector_load %arg10[%swap3A_218, %swap3A_219] {strides = array<i32>} : memref<16x128xf32, #tpu.memory_space<vmem>>, vector<1x16xf32>,
    %swap3A_221 = vector.shape_cast %swap3A_220 : vector<1x16xf32> to vector<16xf32>
    %swap3A_222 = vector.shape_cast %broadcast_in_dim3A_1 : vector<16xf32> to vector<1x16xf32>
    tpu.vector_store %arg10[%swap3A_218, %swap3A_219], %swap3A_222 {strides = array<i32>} : memref<16x128xf32, #tpu.memory_space<vmem>>, vector<1x16xf32>,
    %swap3A_223 = arith.constant 4 : i32
    %swap3A_224 = arith.index_cast %swap3A_223 : i32 to index
    %swap3A_225 = arith.constant 80 : index
    %swap3A_226 = tpu.vector_load %arg10[%swap3A_224, %swap3A_225] {strides = array<i32>} : memref<16x128xf32, #tpu.memory_space<vmem>>, vector<1x16xf32>,
    %swap3A_227 = vector.shape_cast %swap3A_226 : vector<1x16xf32> to vector<16xf32>
    %swap3A_228 = vector.shape_cast %broadcast_in_dim3A_1 : vector<16xf32> to vector<1x16xf32>
    tpu.vector_store %arg10[%swap3A_224, %swap3A_225], %swap3A_228 {strides = array<i32>} : memref<16x128xf32, #tpu.memory_space<vmem>>, vector<1x16xf32>,
    %swap3A_229 = arith.constant 4 : i32
    %swap3A_230 = arith.index_cast %swap3A_229 : i32 to index
    %swap3A_231 = arith.constant 96 : index
    %swap3A_232 = tpu.vector_load %arg10[%swap3A_230, %swap3A_231] {strides = array<i32>} : memref<16x128xf32, #tpu.memory_space<vmem>>, vector<1x16xf32>,
    %swap3A_233 = vector.shape_cast %swap3A_232 : vector<1x16xf32> to vector<16xf32>
    %swap3A_234 = vector.shape_cast %broadcast_in_dim3A_1 : vector<16xf32> to vector<1x16xf32>
    tpu.vector_store %arg10[%swap3A_230, %swap3A_231], %swap3A_234 {strides = array<i32>} : memref<16x128xf32, #tpu.memory_space<vmem>>, vector<1x16xf32>,
    %swap3A_235 = arith.constant 4 : i32
    %swap3A_236 = arith.index_cast %swap3A_235 : i32 to index
    %swap3A_237 = arith.constant 112 : index
    %swap3A_238 = tpu.vector_load %arg10[%swap3A_236, %swap3A_237] {strides = array<i32>} : memref<16x128xf32, #tpu.memory_space<vmem>>, vector<1x16xf32>,
    %swap3A_239 = vector.shape_cast %swap3A_238 : vector<1x16xf32> to vector<16xf32>
    %swap3A_240 = vector.shape_cast %broadcast_in_dim3A_1 : vector<16xf32> to vector<1x16xf32>
    tpu.vector_store %arg10[%swap3A_236, %swap3A_237], %swap3A_240 {strides = array<i32>} : memref<16x128xf32, #tpu.memory_space<vmem>>, vector<1x16xf32>,
    %swap3A_241 = arith.constant 5 : i32
    %swap3A_242 = arith.index_cast %swap3A_241 : i32 to index
    %swap3A_243 = arith.constant 0 : index
    %swap3A_244 = tpu.vector_load %arg10[%swap3A_242, %swap3A_243] {strides = array<i32>} : memref<16x128xf32, #tpu.memory_space<vmem>>, vector<1x16xf32>,
    %swap3A_245 = vector.shape_cast %swap3A_244 : vector<1x16xf32> to vector<16xf32>
    %swap3A_246 = vector.shape_cast %broadcast_in_dim3A_1 : vector<16xf32> to vector<1x16xf32>
    tpu.vector_store %arg10[%swap3A_242, %swap3A_243], %swap3A_246 {strides = array<i32>} : memref<16x128xf32, #tpu.memory_space<vmem>>, vector<1x16xf32>,
    %swap3A_247 = arith.constant 5 : i32
    %swap3A_248 = arith.index_cast %swap3A_247 : i32 to index
    %swap3A_249 = arith.constant 16 : index
    %swap3A_250 = tpu.vector_load %arg10[%swap3A_248, %swap3A_249] {strides = array<i32>} : memref<16x128xf32, #tpu.memory_space<vmem>>, vector<1x16xf32>,
    %swap3A_251 = vector.shape_cast %swap3A_250 : vector<1x16xf32> to vector<16xf32>
    %swap3A_252 = vector.shape_cast %broadcast_in_dim3A_1 : vector<16xf32> to vector<1x16xf32>
    tpu.vector_store %arg10[%swap3A_248, %swap3A_249], %swap3A_252 {strides = array<i32>} : memref<16x128xf32, #tpu.memory_space<vmem>>, vector<1x16xf32>,
    %swap3A_253 = arith.constant 5 : i32
    %swap3A_254 = arith.index_cast %swap3A_253 : i32 to index
    %swap3A_255 = arith.constant 32 : index
    %swap3A_256 = tpu.vector_load %arg10[%swap3A_254, %swap3A_255] {strides = array<i32>} : memref<16x128xf32, #tpu.memory_space<vmem>>, vector<1x16xf32>,
    %swap3A_257 = vector.shape_cast %swap3A_256 : vector<1x16xf32> to vector<16xf32>
    %swap3A_258 = vector.shape_cast %broadcast_in_dim3A_1 : vector<16xf32> to vector<1x16xf32>
    tpu.vector_store %arg10[%swap3A_254, %swap3A_255], %swap3A_258 {strides = array<i32>} : memref<16x128xf32, #tpu.memory_space<vmem>>, vector<1x16xf32>,
    %swap3A_259 = arith.constant 5 : i32
    %swap3A_260 = arith.index_cast %swap3A_259 : i32 to index
    %swap3A_261 = arith.constant 48 : index
    %swap3A_262 = tpu.vector_load %arg10[%swap3A_260, %swap3A_261] {strides = array<i32>} : memref<16x128xf32, #tpu.memory_space<vmem>>, vector<1x16xf32>,
    %swap3A_263 = vector.shape_cast %swap3A_262 : vector<1x16xf32> to vector<16xf32>
    %swap3A_264 = vector.shape_cast %broadcast_in_dim3A_1 : vector<16xf32> to vector<1x16xf32>
    tpu.vector_store %arg10[%swap3A_260, %swap3A_261], %swap3A_264 {strides = array<i32>} : memref<16x128xf32, #tpu.memory_space<vmem>>, vector<1x16xf32>,
    %swap3A_265 = arith.constant 5 : i32
    %swap3A_266 = arith.index_cast %swap3A_265 : i32 to index
    %swap3A_267 = arith.constant 64 : index
    %swap3A_268 = tpu.vector_load %arg10[%swap3A_266, %swap3A_267] {strides = array<i32>} : memref<16x128xf32, #tpu.memory_space<vmem>>, vector<1x16xf32>,
    %swap3A_269 = vector.shape_cast %swap3A_268 : vector<1x16xf32> to vector<16xf32>
    %swap3A_270 = vector.shape_cast %broadcast_in_dim3A_1 : vector<16xf32> to vector<1x16xf32>
    tpu.vector_store %arg10[%swap3A_266, %swap3A_267], %swap3A_270 {strides = array<i32>} : memref<16x128xf32, #tpu.memory_space<vmem>>, vector<1x16xf32>,
    %swap3A_271 = arith.constant 5 : i32
    %swap3A_272 = arith.index_cast %swap3A_271 : i32 to index
    %swap3A_273 = arith.constant 80 : index
    %swap3A_274 = tpu.vector_load %arg10[%swap3A_272, %swap3A_273] {strides = array<i32>} : memref<16x128xf32, #tpu.memory_space<vmem>>, vector<1x16xf32>,
    %swap3A_275 = vector.shape_cast %swap3A_274 : vector<1x16xf32> to vector<16xf32>
    %swap3A_276 = vector.shape_cast %broadcast_in_dim3A_1 : vector<16xf32> to vector<1x16xf32>
    tpu.vector_store %arg10[%swap3A_272, %swap3A_273], %swap3A_276 {strides = array<i32>} : memref<16x128xf32, #tpu.memory_space<vmem>>, vector<1x16xf32>,
    %swap3A_277 = arith.constant 5 : i32
    %swap3A_278 = arith.index_cast %swap3A_277 : i32 to index
    %swap3A_279 = arith.constant 96 : index
    %swap3A_280 = tpu.vector_load %arg10[%swap3A_278, %swap3A_279] {strides = array<i32>} : memref<16x128xf32, #tpu.memory_space<vmem>>, vector<1x16xf32>,
    %swap3A_281 = vector.shape_cast %swap3A_280 : vector<1x16xf32> to vector<16xf32>
    %swap3A_282 = vector.shape_cast %broadcast_in_dim3A_1 : vector<16xf32> to vector<1x16xf32>
    tpu.vector_store %arg10[%swap3A_278, %swap3A_279], %swap3A_282 {strides = array<i32>} : memref<16x128xf32, #tpu.memory_space<vmem>>, vector<1x16xf32>,
    %swap3A_283 = arith.constant 5 : i32
    %swap3A_284 = arith.index_cast %swap3A_283 : i32 to index
    %swap3A_285 = arith.constant 112 : index
    %swap3A_286 = tpu.vector_load %arg10[%swap3A_284, %swap3A_285] {strides = array<i32>} : memref<16x128xf32, #tpu.memory_space<vmem>>, vector<1x16xf32>,
    %swap3A_287 = vector.shape_cast %swap3A_286 : vector<1x16xf32> to vector<16xf32>
    %swap3A_288 = vector.shape_cast %broadcast_in_dim3A_1 : vector<16xf32> to vector<1x16xf32>
    tpu.vector_store %arg10[%swap3A_284, %swap3A_285], %swap3A_288 {strides = array<i32>} : memref<16x128xf32, #tpu.memory_space<vmem>>, vector<1x16xf32>,
    %swap3A_289 = arith.constant 6 : i32
    %swap3A_290 = arith.index_cast %swap3A_289 : i32 to index
    %swap3A_291 = arith.constant 0 : index
    %swap3A_292 = tpu.vector_load %arg10[%swap3A_290, %swap3A_291] {strides = array<i32>} : memref<16x128xf32, #tpu.memory_space<vmem>>, vector<1x16xf32>,
    %swap3A_293 = vector.shape_cast %swap3A_292 : vector<1x16xf32> to vector<16xf32>
    %swap3A_294 = vector.shape_cast %broadcast_in_dim3A_1 : vector<16xf32> to vector<1x16xf32>
    tpu.vector_store %arg10[%swap3A_290, %swap3A_291], %swap3A_294 {strides = array<i32>} : memref<16x128xf32, #tpu.memory_space<vmem>>, vector<1x16xf32>,
    %swap3A_295 = arith.constant 6 : i32
    %swap3A_296 = arith.index_cast %swap3A_295 : i32 to index
    %swap3A_297 = arith.constant 16 : index
    %swap3A_298 = tpu.vector_load %arg10[%swap3A_296, %swap3A_297] {strides = array<i32>} : memref<16x128xf32, #tpu.memory_space<vmem>>, vector<1x16xf32>,
    %swap3A_299 = vector.shape_cast %swap3A_298 : vector<1x16xf32> to vector<16xf32>
    %swap3A_300 = vector.shape_cast %broadcast_in_dim3A_1 : vector<16xf32> to vector<1x16xf32>
    tpu.vector_store %arg10[%swap3A_296, %swap3A_297], %swap3A_300 {strides = array<i32>} : memref<16x128xf32, #tpu.memory_space<vmem>>, vector<1x16xf32>,
    %swap3A_301 = arith.constant 6 : i32
    %swap3A_302 = arith.index_cast %swap3A_301 : i32 to index
    %swap3A_303 = arith.constant 32 : index
    %swap3A_304 = tpu.vector_load %arg10[%swap3A_302, %swap3A_303] {strides = array<i32>} : memref<16x128xf32, #tpu.memory_space<vmem>>, vector<1x16xf32>,
    %swap3A_305 = vector.shape_cast %swap3A_304 : vector<1x16xf32> to vector<16xf32>
    %swap3A_306 = vector.shape_cast %broadcast_in_dim3A_1 : vector<16xf32> to vector<1x16xf32>
    tpu.vector_store %arg10[%swap3A_302, %swap3A_303], %swap3A_306 {strides = array<i32>} : memref<16x128xf32, #tpu.memory_space<vmem>>, vector<1x16xf32>,
    %swap3A_307 = arith.constant 6 : i32
    %swap3A_308 = arith.index_cast %swap3A_307 : i32 to index
    %swap3A_309 = arith.constant 48 : index
    %swap3A_310 = tpu.vector_load %arg10[%swap3A_308, %swap3A_309] {strides = array<i32>} : memref<16x128xf32, #tpu.memory_space<vmem>>, vector<1x16xf32>,
    %swap3A_311 = vector.shape_cast %swap3A_310 : vector<1x16xf32> to vector<16xf32>
    %swap3A_312 = vector.shape_cast %broadcast_in_dim3A_1 : vector<16xf32> to vector<1x16xf32>
    tpu.vector_store %arg10[%swap3A_308, %swap3A_309], %swap3A_312 {strides = array<i32>} : memref<16x128xf32, #tpu.memory_space<vmem>>, vector<1x16xf32>,
    %swap3A_313 = arith.constant 6 : i32
    %swap3A_314 = arith.index_cast %swap3A_313 : i32 to index
    %swap3A_315 = arith.constant 64 : index
    %swap3A_316 = tpu.vector_load %arg10[%swap3A_314, %swap3A_315] {strides = array<i32>} : memref<16x128xf32, #tpu.memory_space<vmem>>, vector<1x16xf32>,
    %swap3A_317 = vector.shape_cast %swap3A_316 : vector<1x16xf32> to vector<16xf32>
    %swap3A_318 = vector.shape_cast %broadcast_in_dim3A_1 : vector<16xf32> to vector<1x16xf32>
    tpu.vector_store %arg10[%swap3A_314, %swap3A_315], %swap3A_318 {strides = array<i32>} : memref<16x128xf32, #tpu.memory_space<vmem>>, vector<1x16xf32>,
    %swap3A_319 = arith.constant 6 : i32
    %swap3A_320 = arith.index_cast %swap3A_319 : i32 to index
    %swap3A_321 = arith.constant 80 : index
    %swap3A_322 = tpu.vector_load %arg10[%swap3A_320, %swap3A_321] {strides = array<i32>} : memref<16x128xf32, #tpu.memory_space<vmem>>, vector<1x16xf32>,
    %swap3A_323 = vector.shape_cast %swap3A_322 : vector<1x16xf32> to vector<16xf32>
    %swap3A_324 = vector.shape_cast %broadcast_in_dim3A_1 : vector<16xf32> to vector<1x16xf32>
    tpu.vector_store %arg10[%swap3A_320, %swap3A_321], %swap3A_324 {strides = array<i32>} : memref<16x128xf32, #tpu.memory_space<vmem>>, vector<1x16xf32>,
    %swap3A_325 = arith.constant 6 : i32
    %swap3A_326 = arith.index_cast %swap3A_325 : i32 to index
    %swap3A_327 = arith.constant 96 : index
    %swap3A_328 = tpu.vector_load %arg10[%swap3A_326, %swap3A_327] {strides = array<i32>} : memref<16x128xf32, #tpu.memory_space<vmem>>, vector<1x16xf32>,
    %swap3A_329 = vector.shape_cast %swap3A_328 : vector<1x16xf32> to vector<16xf32>
    %swap3A_330 = vector.shape_cast %broadcast_in_dim3A_1 : vector<16xf32> to vector<1x16xf32>
    tpu.vector_store %arg10[%swap3A_326, %swap3A_327], %swap3A_330 {strides = array<i32>} : memref<16x128xf32, #tpu.memory_space<vmem>>, vector<1x16xf32>,
    %swap3A_331 = arith.constant 6 : i32
    %swap3A_332 = arith.index_cast %swap3A_331 : i32 to index
    %swap3A_333 = arith.constant 112 : index
    %swap3A_334 = tpu.vector_load %arg10[%swap3A_332, %swap3A_333] {strides = array<i32>} : memref<16x128xf32, #tpu.memory_space<vmem>>, vector<1x16xf32>,
    %swap3A_335 = vector.shape_cast %swap3A_334 : vector<1x16xf32> to vector<16xf32>
    %swap3A_336 = vector.shape_cast %broadcast_in_dim3A_1 : vector<16xf32> to vector<1x16xf32>
    tpu.vector_store %arg10[%swap3A_332, %swap3A_333], %swap3A_336 {strides = array<i32>} : memref<16x128xf32, #tpu.memory_space<vmem>>, vector<1x16xf32>,
    %swap3A_337 = arith.constant 7 : i32
    %swap3A_338 = arith.index_cast %swap3A_337 : i32 to index
    %swap3A_339 = arith.constant 0 : index
    %swap3A_340 = tpu.vector_load %arg10[%swap3A_338, %swap3A_339] {strides = array<i32>} : memref<16x128xf32, #tpu.memory_space<vmem>>, vector<1x16xf32>,
    %swap3A_341 = vector.shape_cast %swap3A_340 : vector<1x16xf32> to vector<16xf32>
    %swap3A_342 = vector.shape_cast %broadcast_in_dim3A_1 : vector<16xf32> to vector<1x16xf32>
    tpu.vector_store %arg10[%swap3A_338, %swap3A_339], %swap3A_342 {strides = array<i32>} : memref<16x128xf32, #tpu.memory_space<vmem>>, vector<1x16xf32>,
    %swap3A_343 = arith.constant 7 : i32
    %swap3A_344 = arith.index_cast %swap3A_343 : i32 to index
    %swap3A_345 = arith.constant 16 : index
    %swap3A_346 = tpu.vector_load %arg10[%swap3A_344, %swap3A_345] {strides = array<i32>} : memref<16x128xf32, #tpu.memory_space<vmem>>, vector<1x16xf32>,
    %swap3A_347 = vector.shape_cast %swap3A_346 : vector<1x16xf32> to vector<16xf32>
    %swap3A_348 = vector.shape_cast %broadcast_in_dim3A_1 : vector<16xf32> to vector<1x16xf32>
    tpu.vector_store %arg10[%swap3A_344, %swap3A_345], %swap3A_348 {strides = array<i32>} : memref<16x128xf32, #tpu.memory_space<vmem>>, vector<1x16xf32>,
    %swap3A_349 = arith.constant 7 : i32
    %swap3A_350 = arith.index_cast %swap3A_349 : i32 to index
    %swap3A_351 = arith.constant 32 : index
    %swap3A_352 = tpu.vector_load %arg10[%swap3A_350, %swap3A_351] {strides = array<i32>} : memref<16x128xf32, #tpu.memory_space<vmem>>, vector<1x16xf32>,
    %swap3A_353 = vector.shape_cast %swap3A_352 : vector<1x16xf32> to vector<16xf32>
    %swap3A_354 = vector.shape_cast %broadcast_in_dim3A_1 : vector<16xf32> to vector<1x16xf32>
    tpu.vector_store %arg10[%swap3A_350, %swap3A_351], %swap3A_354 {strides = array<i32>} : memref<16x128xf32, #tpu.memory_space<vmem>>, vector<1x16xf32>,
    %swap3A_355 = arith.constant 7 : i32
    %swap3A_356 = arith.index_cast %swap3A_355 : i32 to index
    %swap3A_357 = arith.constant 48 : index
    %swap3A_358 = tpu.vector_load %arg10[%swap3A_356, %swap3A_357] {strides = array<i32>} : memref<16x128xf32, #tpu.memory_space<vmem>>, vector<1x16xf32>,
    %swap3A_359 = vector.shape_cast %swap3A_358 : vector<1x16xf32> to vector<16xf32>
    %swap3A_360 = vector.shape_cast %broadcast_in_dim3A_1 : vector<16xf32> to vector<1x16xf32>
    tpu.vector_store %arg10[%swap3A_356, %swap3A_357], %swap3A_360 {strides = array<i32>} : memref<16x128xf32, #tpu.memory_space<vmem>>, vector<1x16xf32>,
    %swap3A_361 = arith.constant 7 : i32
    %swap3A_362 = arith.index_cast %swap3A_361 : i32 to index
    %swap3A_363 = arith.constant 64 : index
    %swap3A_364 = tpu.vector_load %arg10[%swap3A_362, %swap3A_363] {strides = array<i32>} : memref<16x128xf32, #tpu.memory_space<vmem>>, vector<1x16xf32>,
    %swap3A_365 = vector.shape_cast %swap3A_364 : vector<1x16xf32> to vector<16xf32>
    %swap3A_366 = vector.shape_cast %broadcast_in_dim3A_1 : vector<16xf32> to vector<1x16xf32>
    tpu.vector_store %arg10[%swap3A_362, %swap3A_363], %swap3A_366 {strides = array<i32>} : memref<16x128xf32, #tpu.memory_space<vmem>>, vector<1x16xf32>,
    %swap3A_367 = arith.constant 7 : i32
    %swap3A_368 = arith.index_cast %swap3A_367 : i32 to index
    %swap3A_369 = arith.constant 80 : index
    %swap3A_370 = tpu.vector_load %arg10[%swap3A_368, %swap3A_369] {strides = array<i32>} : memref<16x128xf32, #tpu.memory_space<vmem>>, vector<1x16xf32>,
    %swap3A_371 = vector.shape_cast %swap3A_370 : vector<1x16xf32> to vector<16xf32>
    %swap3A_372 = vector.shape_cast %broadcast_in_dim3A_1 : vector<16xf32> to vector<1x16xf32>
    tpu.vector_store %arg10[%swap3A_368, %swap3A_369], %swap3A_372 {strides = array<i32>} : memref<16x128xf32, #tpu.memory_space<vmem>>, vector<1x16xf32>,
    %swap3A_373 = arith.constant 7 : i32
    %swap3A_374 = arith.index_cast %swap3A_373 : i32 to index
    %swap3A_375 = arith.constant 96 : index
    %swap3A_376 = tpu.vector_load %arg10[%swap3A_374, %swap3A_375] {strides = array<i32>} : memref<16x128xf32, #tpu.memory_space<vmem>>, vector<1x16xf32>,
    %swap3A_377 = vector.shape_cast %swap3A_376 : vector<1x16xf32> to vector<16xf32>
    %swap3A_378 = vector.shape_cast %broadcast_in_dim3A_1 : vector<16xf32> to vector<1x16xf32>
    tpu.vector_store %arg10[%swap3A_374, %swap3A_375], %swap3A_378 {strides = array<i32>} : memref<16x128xf32, #tpu.memory_space<vmem>>, vector<1x16xf32>,
    %swap3A_379 = arith.constant 7 : i32
    %swap3A_380 = arith.index_cast %swap3A_379 : i32 to index
    %swap3A_381 = arith.constant 112 : index
    %swap3A_382 = tpu.vector_load %arg10[%swap3A_380, %swap3A_381] {strides = array<i32>} : memref<16x128xf32, #tpu.memory_space<vmem>>, vector<1x16xf32>,
    %swap3A_383 = vector.shape_cast %swap3A_382 : vector<1x16xf32> to vector<16xf32>
    %swap3A_384 = vector.shape_cast %broadcast_in_dim3A_1 : vector<16xf32> to vector<1x16xf32>
    tpu.vector_store %arg10[%swap3A_380, %swap3A_381], %swap3A_384 {strides = array<i32>} : memref<16x128xf32, #tpu.memory_space<vmem>>, vector<1x16xf32>,
    %swap3A_385 = arith.constant 8 : i32
    %swap3A_386 = arith.index_cast %swap3A_385 : i32 to index
    %swap3A_387 = arith.constant 0 : index
    %swap3A_388 = tpu.vector_load %arg10[%swap3A_386, %swap3A_387] {strides = array<i32>} : memref<16x128xf32, #tpu.memory_space<vmem>>, vector<1x16xf32>,
    %swap3A_389 = vector.shape_cast %swap3A_388 : vector<1x16xf32> to vector<16xf32>
    %swap3A_390 = vector.shape_cast %broadcast_in_dim3A_1 : vector<16xf32> to vector<1x16xf32>
    tpu.vector_store %arg10[%swap3A_386, %swap3A_387], %swap3A_390 {strides = array<i32>} : memref<16x128xf32, #tpu.memory_space<vmem>>, vector<1x16xf32>,
    %swap3A_391 = arith.constant 8 : i32
    %swap3A_392 = arith.index_cast %swap3A_391 : i32 to index
    %swap3A_393 = arith.constant 16 : index
    %swap3A_394 = tpu.vector_load %arg10[%swap3A_392, %swap3A_393] {strides = array<i32>} : memref<16x128xf32, #tpu.memory_space<vmem>>, vector<1x16xf32>,
    %swap3A_395 = vector.shape_cast %swap3A_394 : vector<1x16xf32> to vector<16xf32>
    %swap3A_396 = vector.shape_cast %broadcast_in_dim3A_1 : vector<16xf32> to vector<1x16xf32>
    tpu.vector_store %arg10[%swap3A_392, %swap3A_393], %swap3A_396 {strides = array<i32>} : memref<16x128xf32, #tpu.memory_space<vmem>>, vector<1x16xf32>,
    %swap3A_397 = arith.constant 8 : i32
    %swap3A_398 = arith.index_cast %swap3A_397 : i32 to index
    %swap3A_399 = arith.constant 32 : index
    %swap3A_400 = tpu.vector_load %arg10[%swap3A_398, %swap3A_399] {strides = array<i32>} : memref<16x128xf32, #tpu.memory_space<vmem>>, vector<1x16xf32>,
    %swap3A_401 = vector.shape_cast %swap3A_400 : vector<1x16xf32> to vector<16xf32>
    %swap3A_402 = vector.shape_cast %broadcast_in_dim3A_1 : vector<16xf32> to vector<1x16xf32>
    tpu.vector_store %arg10[%swap3A_398, %swap3A_399], %swap3A_402 {strides = array<i32>} : memref<16x128xf32, #tpu.memory_space<vmem>>, vector<1x16xf32>,
    %swap3A_403 = arith.constant 8 : i32
    %swap3A_404 = arith.index_cast %swap3A_403 : i32 to index
    %swap3A_405 = arith.constant 48 : index
    %swap3A_406 = tpu.vector_load %arg10[%swap3A_404, %swap3A_405] {strides = array<i32>} : memref<16x128xf32, #tpu.memory_space<vmem>>, vector<1x16xf32>,
    %swap3A_407 = vector.shape_cast %swap3A_406 : vector<1x16xf32> to vector<16xf32>
    %swap3A_408 = vector.shape_cast %broadcast_in_dim3A_1 : vector<16xf32> to vector<1x16xf32>
    tpu.vector_store %arg10[%swap3A_404, %swap3A_405], %swap3A_408 {strides = array<i32>} : memref<16x128xf32, #tpu.memory_space<vmem>>, vector<1x16xf32>,
    %swap3A_409 = arith.constant 8 : i32
    %swap3A_410 = arith.index_cast %swap3A_409 : i32 to index
    %swap3A_411 = arith.constant 64 : index
    %swap3A_412 = tpu.vector_load %arg10[%swap3A_410, %swap3A_411] {strides = array<i32>} : memref<16x128xf32, #tpu.memory_space<vmem>>, vector<1x16xf32>,
    %swap3A_413 = vector.shape_cast %swap3A_412 : vector<1x16xf32> to vector<16xf32>
    %swap3A_414 = vector.shape_cast %broadcast_in_dim3A_1 : vector<16xf32> to vector<1x16xf32>
    tpu.vector_store %arg10[%swap3A_410, %swap3A_411], %swap3A_414 {strides = array<i32>} : memref<16x128xf32, #tpu.memory_space<vmem>>, vector<1x16xf32>,
    %swap3A_415 = arith.constant 8 : i32
    %swap3A_416 = arith.index_cast %swap3A_415 : i32 to index
    %swap3A_417 = arith.constant 80 : index
    %swap3A_418 = tpu.vector_load %arg10[%swap3A_416, %swap3A_417] {strides = array<i32>} : memref<16x128xf32, #tpu.memory_space<vmem>>, vector<1x16xf32>,
    %swap3A_419 = vector.shape_cast %swap3A_418 : vector<1x16xf32> to vector<16xf32>
    %swap3A_420 = vector.shape_cast %broadcast_in_dim3A_1 : vector<16xf32> to vector<1x16xf32>
    tpu.vector_store %arg10[%swap3A_416, %swap3A_417], %swap3A_420 {strides = array<i32>} : memref<16x128xf32, #tpu.memory_space<vmem>>, vector<1x16xf32>,
    %swap3A_421 = arith.constant 8 : i32
    %swap3A_422 = arith.index_cast %swap3A_421 : i32 to index
    %swap3A_423 = arith.constant 96 : index
    %swap3A_424 = tpu.vector_load %arg10[%swap3A_422, %swap3A_423] {strides = array<i32>} : memref<16x128xf32, #tpu.memory_space<vmem>>, vector<1x16xf32>,
    %swap3A_425 = vector.shape_cast %swap3A_424 : vector<1x16xf32> to vector<16xf32>
    %swap3A_426 = vector.shape_cast %broadcast_in_dim3A_1 : vector<16xf32> to vector<1x16xf32>
    tpu.vector_store %arg10[%swap3A_422, %swap3A_423], %swap3A_426 {strides = array<i32>} : memref<16x128xf32, #tpu.memory_space<vmem>>, vector<1x16xf32>,
    %swap3A_427 = arith.constant 8 : i32
    %swap3A_428 = arith.index_cast %swap3A_427 : i32 to index
    %swap3A_429 = arith.constant 112 : index
    %swap3A_430 = tpu.vector_load %arg10[%swap3A_428, %swap3A_429] {strides = array<i32>} : memref<16x128xf32, #tpu.memory_space<vmem>>, vector<1x16xf32>,
    %swap3A_431 = vector.shape_cast %swap3A_430 : vector<1x16xf32> to vector<16xf32>
    %swap3A_432 = vector.shape_cast %broadcast_in_dim3A_1 : vector<16xf32> to vector<1x16xf32>
    tpu.vector_store %arg10[%swap3A_428, %swap3A_429], %swap3A_432 {strides = array<i32>} : memref<16x128xf32, #tpu.memory_space<vmem>>, vector<1x16xf32>,
    %swap3A_433 = arith.constant 9 : i32
    %swap3A_434 = arith.index_cast %swap3A_433 : i32 to index
    %swap3A_435 = arith.constant 0 : index
    %swap3A_436 = tpu.vector_load %arg10[%swap3A_434, %swap3A_435] {strides = array<i32>} : memref<16x128xf32, #tpu.memory_space<vmem>>, vector<1x16xf32>,
    %swap3A_437 = vector.shape_cast %swap3A_436 : vector<1x16xf32> to vector<16xf32>
    %swap3A_438 = vector.shape_cast %broadcast_in_dim3A_1 : vector<16xf32> to vector<1x16xf32>
    tpu.vector_store %arg10[%swap3A_434, %swap3A_435], %swap3A_438 {strides = array<i32>} : memref<16x128xf32, #tpu.memory_space<vmem>>, vector<1x16xf32>,
    %swap3A_439 = arith.constant 9 : i32
    %swap3A_440 = arith.index_cast %swap3A_439 : i32 to index
    %swap3A_441 = arith.constant 16 : index
    %swap3A_442 = tpu.vector_load %arg10[%swap3A_440, %swap3A_441] {strides = array<i32>} : memref<16x128xf32, #tpu.memory_space<vmem>>, vector<1x16xf32>,
    %swap3A_443 = vector.shape_cast %swap3A_442 : vector<1x16xf32> to vector<16xf32>
    %swap3A_444 = vector.shape_cast %broadcast_in_dim3A_1 : vector<16xf32> to vector<1x16xf32>
    tpu.vector_store %arg10[%swap3A_440, %swap3A_441], %swap3A_444 {strides = array<i32>} : memref<16x128xf32, #tpu.memory_space<vmem>>, vector<1x16xf32>,
    %swap3A_445 = arith.constant 9 : i32
    %swap3A_446 = arith.index_cast %swap3A_445 : i32 to index
    %swap3A_447 = arith.constant 32 : index
    %swap3A_448 = tpu.vector_load %arg10[%swap3A_446, %swap3A_447] {strides = array<i32>} : memref<16x128xf32, #tpu.memory_space<vmem>>, vector<1x16xf32>,
    %swap3A_449 = vector.shape_cast %swap3A_448 : vector<1x16xf32> to vector<16xf32>
    %swap3A_450 = vector.shape_cast %broadcast_in_dim3A_1 : vector<16xf32> to vector<1x16xf32>
    tpu.vector_store %arg10[%swap3A_446, %swap3A_447], %swap3A_450 {strides = array<i32>} : memref<16x128xf32, #tpu.memory_space<vmem>>, vector<1x16xf32>,
    %swap3A_451 = arith.constant 9 : i32
    %swap3A_452 = arith.index_cast %swap3A_451 : i32 to index
    %swap3A_453 = arith.constant 48 : index
    %swap3A_454 = tpu.vector_load %arg10[%swap3A_452, %swap3A_453] {strides = array<i32>} : memref<16x128xf32, #tpu.memory_space<vmem>>, vector<1x16xf32>,
    %swap3A_455 = vector.shape_cast %swap3A_454 : vector<1x16xf32> to vector<16xf32>
    %swap3A_456 = vector.shape_cast %broadcast_in_dim3A_1 : vector<16xf32> to vector<1x16xf32>
    tpu.vector_store %arg10[%swap3A_452, %swap3A_453], %swap3A_456 {strides = array<i32>} : memref<16x128xf32, #tpu.memory_space<vmem>>, vector<1x16xf32>,
    %swap3A_457 = arith.constant 9 : i32
    %swap3A_458 = arith.index_cast %swap3A_457 : i32 to index
    %swap3A_459 = arith.constant 64 : index
    %swap3A_460 = tpu.vector_load %arg10[%swap3A_458, %swap3A_459] {strides = array<i32>} : memref<16x128xf32, #tpu.memory_space<vmem>>, vector<1x16xf32>,
    %swap3A_461 = vector.shape_cast %swap3A_460 : vector<1x16xf32> to vector<16xf32>
    %swap3A_462 = vector.shape_cast %broadcast_in_dim3A_1 : vector<16xf32> to vector<1x16xf32>
    tpu.vector_store %arg10[%swap3A_458, %swap3A_459], %swap3A_462 {strides = array<i32>} : memref<16x128xf32, #tpu.memory_space<vmem>>, vector<1x16xf32>,
    %swap3A_463 = arith.constant 9 : i32
    %swap3A_464 = arith.index_cast %swap3A_463 : i32 to index
    %swap3A_465 = arith.constant 80 : index
    %swap3A_466 = tpu.vector_load %arg10[%swap3A_464, %swap3A_465] {strides = array<i32>} : memref<16x128xf32, #tpu.memory_space<vmem>>, vector<1x16xf32>,
    %swap3A_467 = vector.shape_cast %swap3A_466 : vector<1x16xf32> to vector<16xf32>
    %swap3A_468 = vector.shape_cast %broadcast_in_dim3A_1 : vector<16xf32> to vector<1x16xf32>
    tpu.vector_store %arg10[%swap3A_464, %swap3A_465], %swap3A_468 {strides = array<i32>} : memref<16x128xf32, #tpu.memory_space<vmem>>, vector<1x16xf32>,
    %swap3A_469 = arith.constant 9 : i32
    %swap3A_470 = arith.index_cast %swap3A_469 : i32 to index
    %swap3A_471 = arith.constant 96 : index
    %swap3A_472 = tpu.vector_load %arg10[%swap3A_470, %swap3A_471] {strides = array<i32>} : memref<16x128xf32, #tpu.memory_space<vmem>>, vector<1x16xf32>,
    %swap3A_473 = vector.shape_cast %swap3A_472 : vector<1x16xf32> to vector<16xf32>
    %swap3A_474 = vector.shape_cast %broadcast_in_dim3A_1 : vector<16xf32> to vector<1x16xf32>
    tpu.vector_store %arg10[%swap3A_470, %swap3A_471], %swap3A_474 {strides = array<i32>} : memref<16x128xf32, #tpu.memory_space<vmem>>, vector<1x16xf32>,
    %swap3A_475 = arith.constant 9 : i32
    %swap3A_476 = arith.index_cast %swap3A_475 : i32 to index
    %swap3A_477 = arith.constant 112 : index
    %swap3A_478 = tpu.vector_load %arg10[%swap3A_476, %swap3A_477] {strides = array<i32>} : memref<16x128xf32, #tpu.memory_space<vmem>>, vector<1x16xf32>,
    %swap3A_479 = vector.shape_cast %swap3A_478 : vector<1x16xf32> to vector<16xf32>
    %swap3A_480 = vector.shape_cast %broadcast_in_dim3A_1 : vector<16xf32> to vector<1x16xf32>
    tpu.vector_store %arg10[%swap3A_476, %swap3A_477], %swap3A_480 {strides = array<i32>} : memref<16x128xf32, #tpu.memory_space<vmem>>, vector<1x16xf32>,
    %swap3A_481 = arith.constant 10 : i32
    %swap3A_482 = arith.index_cast %swap3A_481 : i32 to index
    %swap3A_483 = arith.constant 0 : index
    %swap3A_484 = tpu.vector_load %arg10[%swap3A_482, %swap3A_483] {strides = array<i32>} : memref<16x128xf32, #tpu.memory_space<vmem>>, vector<1x16xf32>,
    %swap3A_485 = vector.shape_cast %swap3A_484 : vector<1x16xf32> to vector<16xf32>
    %swap3A_486 = vector.shape_cast %broadcast_in_dim3A_1 : vector<16xf32> to vector<1x16xf32>
    tpu.vector_store %arg10[%swap3A_482, %swap3A_483], %swap3A_486 {strides = array<i32>} : memref<16x128xf32, #tpu.memory_space<vmem>>, vector<1x16xf32>,
    %swap3A_487 = arith.constant 10 : i32
    %swap3A_488 = arith.index_cast %swap3A_487 : i32 to index
    %swap3A_489 = arith.constant 16 : index
    %swap3A_490 = tpu.vector_load %arg10[%swap3A_488, %swap3A_489] {strides = array<i32>} : memref<16x128xf32, #tpu.memory_space<vmem>>, vector<1x16xf32>,
    %swap3A_491 = vector.shape_cast %swap3A_490 : vector<1x16xf32> to vector<16xf32>
    %swap3A_492 = vector.shape_cast %broadcast_in_dim3A_1 : vector<16xf32> to vector<1x16xf32>
    tpu.vector_store %arg10[%swap3A_488, %swap3A_489], %swap3A_492 {strides = array<i32>} : memref<16x128xf32, #tpu.memory_space<vmem>>, vector<1x16xf32>,
    %swap3A_493 = arith.constant 10 : i32
    %swap3A_494 = arith.index_cast %swap3A_493 : i32 to index
    %swap3A_495 = arith.constant 32 : index
    %swap3A_496 = tpu.vector_load %arg10[%swap3A_494, %swap3A_495] {strides = array<i32>} : memref<16x128xf32, #tpu.memory_space<vmem>>, vector<1x16xf32>,
    %swap3A_497 = vector.shape_cast %swap3A_496 : vector<1x16xf32> to vector<16xf32>
    %swap3A_498 = vector.shape_cast %broadcast_in_dim3A_1 : vector<16xf32> to vector<1x16xf32>
    tpu.vector_store %arg10[%swap3A_494, %swap3A_495], %swap3A_498 {strides = array<i32>} : memref<16x128xf32, #tpu.memory_space<vmem>>, vector<1x16xf32>,
    %swap3A_499 = arith.constant 10 : i32
    %swap3A_500 = arith.index_cast %swap3A_499 : i32 to index
    %swap3A_501 = arith.constant 48 : index
    %swap3A_502 = tpu.vector_load %arg10[%swap3A_500, %swap3A_501] {strides = array<i32>} : memref<16x128xf32, #tpu.memory_space<vmem>>, vector<1x16xf32>,
    %swap3A_503 = vector.shape_cast %swap3A_502 : vector<1x16xf32> to vector<16xf32>
    %swap3A_504 = vector.shape_cast %broadcast_in_dim3A_1 : vector<16xf32> to vector<1x16xf32>
    tpu.vector_store %arg10[%swap3A_500, %swap3A_501], %swap3A_504 {strides = array<i32>} : memref<16x128xf32, #tpu.memory_space<vmem>>, vector<1x16xf32>,
    %swap3A_505 = arith.constant 10 : i32
    %swap3A_506 = arith.index_cast %swap3A_505 : i32 to index
    %swap3A_507 = arith.constant 64 : index
    %swap3A_508 = tpu.vector_load %arg10[%swap3A_506, %swap3A_507] {strides = array<i32>} : memref<16x128xf32, #tpu.memory_space<vmem>>, vector<1x16xf32>,
    %swap3A_509 = vector.shape_cast %swap3A_508 : vector<1x16xf32> to vector<16xf32>
    %swap3A_510 = vector.shape_cast %broadcast_in_dim3A_1 : vector<16xf32> to vector<1x16xf32>
    tpu.vector_store %arg10[%swap3A_506, %swap3A_507], %swap3A_510 {strides = array<i32>} : memref<16x128xf32, #tpu.memory_space<vmem>>, vector<1x16xf32>,
    %swap3A_511 = arith.constant 10 : i32
    %swap3A_512 = arith.index_cast %swap3A_511 : i32 to index
    %swap3A_513 = arith.constant 80 : index
    %swap3A_514 = tpu.vector_load %arg10[%swap3A_512, %swap3A_513] {strides = array<i32>} : memref<16x128xf32, #tpu.memory_space<vmem>>, vector<1x16xf32>,
    %swap3A_515 = vector.shape_cast %swap3A_514 : vector<1x16xf32> to vector<16xf32>
    %swap3A_516 = vector.shape_cast %broadcast_in_dim3A_1 : vector<16xf32> to vector<1x16xf32>
    tpu.vector_store %arg10[%swap3A_512, %swap3A_513], %swap3A_516 {strides = array<i32>} : memref<16x128xf32, #tpu.memory_space<vmem>>, vector<1x16xf32>,
    %swap3A_517 = arith.constant 10 : i32
    %swap3A_518 = arith.index_cast %swap3A_517 : i32 to index
    %swap3A_519 = arith.constant 96 : index
    %swap3A_520 = tpu.vector_load %arg10[%swap3A_518, %swap3A_519] {strides = array<i32>} : memref<16x128xf32, #tpu.memory_space<vmem>>, vector<1x16xf32>,
    %swap3A_521 = vector.shape_cast %swap3A_520 : vector<1x16xf32> to vector<16xf32>
    %swap3A_522 = vector.shape_cast %broadcast_in_dim3A_1 : vector<16xf32> to vector<1x16xf32>
    tpu.vector_store %arg10[%swap3A_518, %swap3A_519], %swap3A_522 {strides = array<i32>} : memref<16x128xf32, #tpu.memory_space<vmem>>, vector<1x16xf32>,
    %swap3A_523 = arith.constant 10 : i32
    %swap3A_524 = arith.index_cast %swap3A_523 : i32 to index
    %swap3A_525 = arith.constant 112 : index
    %swap3A_526 = tpu.vector_load %arg10[%swap3A_524, %swap3A_525] {strides = array<i32>} : memref<16x128xf32, #tpu.memory_space<vmem>>, vector<1x16xf32>,
    %swap3A_527 = vector.shape_cast %swap3A_526 : vector<1x16xf32> to vector<16xf32>
    %swap3A_528 = vector.shape_cast %broadcast_in_dim3A_1 : vector<16xf32> to vector<1x16xf32>
    tpu.vector_store %arg10[%swap3A_524, %swap3A_525], %swap3A_528 {strides = array<i32>} : memref<16x128xf32, #tpu.memory_space<vmem>>, vector<1x16xf32>,
    %swap3A_529 = arith.constant 11 : i32
    %swap3A_530 = arith.index_cast %swap3A_529 : i32 to index
    %swap3A_531 = arith.constant 0 : index
    %swap3A_532 = tpu.vector_load %arg10[%swap3A_530, %swap3A_531] {strides = array<i32>} : memref<16x128xf32, #tpu.memory_space<vmem>>, vector<1x16xf32>,
    %swap3A_533 = vector.shape_cast %swap3A_532 : vector<1x16xf32> to vector<16xf32>
    %swap3A_534 = vector.shape_cast %broadcast_in_dim3A_1 : vector<16xf32> to vector<1x16xf32>
    tpu.vector_store %arg10[%swap3A_530, %swap3A_531], %swap3A_534 {strides = array<i32>} : memref<16x128xf32, #tpu.memory_space<vmem>>, vector<1x16xf32>,
    %swap3A_535 = arith.constant 11 : i32
    %swap3A_536 = arith.index_cast %swap3A_535 : i32 to index
    %swap3A_537 = arith.constant 16 : index
    %swap3A_538 = tpu.vector_load %arg10[%swap3A_536, %swap3A_537] {strides = array<i32>} : memref<16x128xf32, #tpu.memory_space<vmem>>, vector<1x16xf32>,
    %swap3A_539 = vector.shape_cast %swap3A_538 : vector<1x16xf32> to vector<16xf32>
    %swap3A_540 = vector.shape_cast %broadcast_in_dim3A_1 : vector<16xf32> to vector<1x16xf32>
    tpu.vector_store %arg10[%swap3A_536, %swap3A_537], %swap3A_540 {strides = array<i32>} : memref<16x128xf32, #tpu.memory_space<vmem>>, vector<1x16xf32>,
    %swap3A_541 = arith.constant 11 : i32
    %swap3A_542 = arith.index_cast %swap3A_541 : i32 to index
    %swap3A_543 = arith.constant 32 : index
    %swap3A_544 = tpu.vector_load %arg10[%swap3A_542, %swap3A_543] {strides = array<i32>} : memref<16x128xf32, #tpu.memory_space<vmem>>, vector<1x16xf32>,
    %swap3A_545 = vector.shape_cast %swap3A_544 : vector<1x16xf32> to vector<16xf32>
    %swap3A_546 = vector.shape_cast %broadcast_in_dim3A_1 : vector<16xf32> to vector<1x16xf32>
    tpu.vector_store %arg10[%swap3A_542, %swap3A_543], %swap3A_546 {strides = array<i32>} : memref<16x128xf32, #tpu.memory_space<vmem>>, vector<1x16xf32>,
    %swap3A_547 = arith.constant 11 : i32
    %swap3A_548 = arith.index_cast %swap3A_547 : i32 to index
    %swap3A_549 = arith.constant 48 : index
    %swap3A_550 = tpu.vector_load %arg10[%swap3A_548, %swap3A_549] {strides = array<i32>} : memref<16x128xf32, #tpu.memory_space<vmem>>, vector<1x16xf32>,
    %swap3A_551 = vector.shape_cast %swap3A_550 : vector<1x16xf32> to vector<16xf32>
    %swap3A_552 = vector.shape_cast %broadcast_in_dim3A_1 : vector<16xf32> to vector<1x16xf32>
    tpu.vector_store %arg10[%swap3A_548, %swap3A_549], %swap3A_552 {strides = array<i32>} : memref<16x128xf32, #tpu.memory_space<vmem>>, vector<1x16xf32>,
    %swap3A_553 = arith.constant 11 : i32
    %swap3A_554 = arith.index_cast %swap3A_553 : i32 to index
    %swap3A_555 = arith.constant 64 : index
    %swap3A_556 = tpu.vector_load %arg10[%swap3A_554, %swap3A_555] {strides = array<i32>} : memref<16x128xf32, #tpu.memory_space<vmem>>, vector<1x16xf32>,
    %swap3A_557 = vector.shape_cast %swap3A_556 : vector<1x16xf32> to vector<16xf32>
    %swap3A_558 = vector.shape_cast %broadcast_in_dim3A_1 : vector<16xf32> to vector<1x16xf32>
    tpu.vector_store %arg10[%swap3A_554, %swap3A_555], %swap3A_558 {strides = array<i32>} : memref<16x128xf32, #tpu.memory_space<vmem>>, vector<1x16xf32>,
    %swap3A_559 = arith.constant 11 : i32
    %swap3A_560 = arith.index_cast %swap3A_559 : i32 to index
    %swap3A_561 = arith.constant 80 : index
    %swap3A_562 = tpu.vector_load %arg10[%swap3A_560, %swap3A_561] {strides = array<i32>} : memref<16x128xf32, #tpu.memory_space<vmem>>, vector<1x16xf32>,
    %swap3A_563 = vector.shape_cast %swap3A_562 : vector<1x16xf32> to vector<16xf32>
    %swap3A_564 = vector.shape_cast %broadcast_in_dim3A_1 : vector<16xf32> to vector<1x16xf32>
    tpu.vector_store %arg10[%swap3A_560, %swap3A_561], %swap3A_564 {strides = array<i32>} : memref<16x128xf32, #tpu.memory_space<vmem>>, vector<1x16xf32>,
    %swap3A_565 = arith.constant 11 : i32
    %swap3A_566 = arith.index_cast %swap3A_565 : i32 to index
    %swap3A_567 = arith.constant 96 : index
    %swap3A_568 = tpu.vector_load %arg10[%swap3A_566, %swap3A_567] {strides = array<i32>} : memref<16x128xf32, #tpu.memory_space<vmem>>, vector<1x16xf32>,
    %swap3A_569 = vector.shape_cast %swap3A_568 : vector<1x16xf32> to vector<16xf32>
    %swap3A_570 = vector.shape_cast %broadcast_in_dim3A_1 : vector<16xf32> to vector<1x16xf32>
    tpu.vector_store %arg10[%swap3A_566, %swap3A_567], %swap3A_570 {strides = array<i32>} : memref<16x128xf32, #tpu.memory_space<vmem>>, vector<1x16xf32>,
    %swap3A_571 = arith.constant 11 : i32
    %swap3A_572 = arith.index_cast %swap3A_571 : i32 to index
    %swap3A_573 = arith.constant 112 : index
    %swap3A_574 = tpu.vector_load %arg10[%swap3A_572, %swap3A_573] {strides = array<i32>} : memref<16x128xf32, #tpu.memory_space<vmem>>, vector<1x16xf32>,
    %swap3A_575 = vector.shape_cast %swap3A_574 : vector<1x16xf32> to vector<16xf32>
    %swap3A_576 = vector.shape_cast %broadcast_in_dim3A_1 : vector<16xf32> to vector<1x16xf32>
    tpu.vector_store %arg10[%swap3A_572, %swap3A_573], %swap3A_576 {strides = array<i32>} : memref<16x128xf32, #tpu.memory_space<vmem>>, vector<1x16xf32>,
    %swap3A_577 = arith.constant 12 : i32
    %swap3A_578 = arith.index_cast %swap3A_577 : i32 to index
    %swap3A_579 = arith.constant 0 : index
    %swap3A_580 = tpu.vector_load %arg10[%swap3A_578, %swap3A_579] {strides = array<i32>} : memref<16x128xf32, #tpu.memory_space<vmem>>, vector<1x16xf32>,
    %swap3A_581 = vector.shape_cast %swap3A_580 : vector<1x16xf32> to vector<16xf32>
    %swap3A_582 = vector.shape_cast %broadcast_in_dim3A_1 : vector<16xf32> to vector<1x16xf32>
    tpu.vector_store %arg10[%swap3A_578, %swap3A_579], %swap3A_582 {strides = array<i32>} : memref<16x128xf32, #tpu.memory_space<vmem>>, vector<1x16xf32>,
    %swap3A_583 = arith.constant 12 : i32
    %swap3A_584 = arith.index_cast %swap3A_583 : i32 to index
    %swap3A_585 = arith.constant 16 : index
    %swap3A_586 = tpu.vector_load %arg10[%swap3A_584, %swap3A_585] {strides = array<i32>} : memref<16x128xf32, #tpu.memory_space<vmem>>, vector<1x16xf32>,
    %swap3A_587 = vector.shape_cast %swap3A_586 : vector<1x16xf32> to vector<16xf32>
    %swap3A_588 = vector.shape_cast %broadcast_in_dim3A_1 : vector<16xf32> to vector<1x16xf32>
    tpu.vector_store %arg10[%swap3A_584, %swap3A_585], %swap3A_588 {strides = array<i32>} : memref<16x128xf32, #tpu.memory_space<vmem>>, vector<1x16xf32>,
    %swap3A_589 = arith.constant 12 : i32
    %swap3A_590 = arith.index_cast %swap3A_589 : i32 to index
    %swap3A_591 = arith.constant 32 : index
    %swap3A_592 = tpu.vector_load %arg10[%swap3A_590, %swap3A_591] {strides = array<i32>} : memref<16x128xf32, #tpu.memory_space<vmem>>, vector<1x16xf32>,
    %swap3A_593 = vector.shape_cast %swap3A_592 : vector<1x16xf32> to vector<16xf32>
    %swap3A_594 = vector.shape_cast %broadcast_in_dim3A_1 : vector<16xf32> to vector<1x16xf32>
    tpu.vector_store %arg10[%swap3A_590, %swap3A_591], %swap3A_594 {strides = array<i32>} : memref<16x128xf32, #tpu.memory_space<vmem>>, vector<1x16xf32>,
    %swap3A_595 = arith.constant 12 : i32
    %swap3A_596 = arith.index_cast %swap3A_595 : i32 to index
    %swap3A_597 = arith.constant 48 : index
    %swap3A_598 = tpu.vector_load %arg10[%swap3A_596, %swap3A_597] {strides = array<i32>} : memref<16x128xf32, #tpu.memory_space<vmem>>, vector<1x16xf32>,
    %swap3A_599 = vector.shape_cast %swap3A_598 : vector<1x16xf32> to vector<16xf32>
    %swap3A_600 = vector.shape_cast %broadcast_in_dim3A_1 : vector<16xf32> to vector<1x16xf32>
    tpu.vector_store %arg10[%swap3A_596, %swap3A_597], %swap3A_600 {strides = array<i32>} : memref<16x128xf32, #tpu.memory_space<vmem>>, vector<1x16xf32>,
    %swap3A_601 = arith.constant 12 : i32
    %swap3A_602 = arith.index_cast %swap3A_601 : i32 to index
    %swap3A_603 = arith.constant 64 : index
    %swap3A_604 = tpu.vector_load %arg10[%swap3A_602, %swap3A_603] {strides = array<i32>} : memref<16x128xf32, #tpu.memory_space<vmem>>, vector<1x16xf32>,
    %swap3A_605 = vector.shape_cast %swap3A_604 : vector<1x16xf32> to vector<16xf32>
    %swap3A_606 = vector.shape_cast %broadcast_in_dim3A_1 : vector<16xf32> to vector<1x16xf32>
    tpu.vector_store %arg10[%swap3A_602, %swap3A_603], %swap3A_606 {strides = array<i32>} : memref<16x128xf32, #tpu.memory_space<vmem>>, vector<1x16xf32>,
    %swap3A_607 = arith.constant 12 : i32
    %swap3A_608 = arith.index_cast %swap3A_607 : i32 to index
    %swap3A_609 = arith.constant 80 : index
    %swap3A_610 = tpu.vector_load %arg10[%swap3A_608, %swap3A_609] {strides = array<i32>} : memref<16x128xf32, #tpu.memory_space<vmem>>, vector<1x16xf32>,
    %swap3A_611 = vector.shape_cast %swap3A_610 : vector<1x16xf32> to vector<16xf32>
    %swap3A_612 = vector.shape_cast %broadcast_in_dim3A_1 : vector<16xf32> to vector<1x16xf32>
    tpu.vector_store %arg10[%swap3A_608, %swap3A_609], %swap3A_612 {strides = array<i32>} : memref<16x128xf32, #tpu.memory_space<vmem>>, vector<1x16xf32>,
    %swap3A_613 = arith.constant 12 : i32
    %swap3A_614 = arith.index_cast %swap3A_613 : i32 to index
    %swap3A_615 = arith.constant 96 : index
    %swap3A_616 = tpu.vector_load %arg10[%swap3A_614, %swap3A_615] {strides = array<i32>} : memref<16x128xf32, #tpu.memory_space<vmem>>, vector<1x16xf32>,
    %swap3A_617 = vector.shape_cast %swap3A_616 : vector<1x16xf32> to vector<16xf32>
    %swap3A_618 = vector.shape_cast %broadcast_in_dim3A_1 : vector<16xf32> to vector<1x16xf32>
    tpu.vector_store %arg10[%swap3A_614, %swap3A_615], %swap3A_618 {strides = array<i32>} : memref<16x128xf32, #tpu.memory_space<vmem>>, vector<1x16xf32>,
    %swap3A_619 = arith.constant 12 : i32
    %swap3A_620 = arith.index_cast %swap3A_619 : i32 to index
    %swap3A_621 = arith.constant 112 : index
    %swap3A_622 = tpu.vector_load %arg10[%swap3A_620, %swap3A_621] {strides = array<i32>} : memref<16x128xf32, #tpu.memory_space<vmem>>, vector<1x16xf32>,
    %swap3A_623 = vector.shape_cast %swap3A_622 : vector<1x16xf32> to vector<16xf32>
    %swap3A_624 = vector.shape_cast %broadcast_in_dim3A_1 : vector<16xf32> to vector<1x16xf32>
    tpu.vector_store %arg10[%swap3A_620, %swap3A_621], %swap3A_624 {strides = array<i32>} : memref<16x128xf32, #tpu.memory_space<vmem>>, vector<1x16xf32>,
    %swap3A_625 = arith.constant 13 : i32
    %swap3A_626 = arith.index_cast %swap3A_625 : i32 to index
    %swap3A_627 = arith.constant 0 : index
    %swap3A_628 = tpu.vector_load %arg10[%swap3A_626, %swap3A_627] {strides = array<i32>} : memref<16x128xf32, #tpu.memory_space<vmem>>, vector<1x16xf32>,
    %swap3A_629 = vector.shape_cast %swap3A_628 : vector<1x16xf32> to vector<16xf32>
    %swap3A_630 = vector.shape_cast %broadcast_in_dim3A_1 : vector<16xf32> to vector<1x16xf32>
    tpu.vector_store %arg10[%swap3A_626, %swap3A_627], %swap3A_630 {strides = array<i32>} : memref<16x128xf32, #tpu.memory_space<vmem>>, vector<1x16xf32>,
    %swap3A_631 = arith.constant 13 : i32
    %swap3A_632 = arith.index_cast %swap3A_631 : i32 to index
    %swap3A_633 = arith.constant 16 : index
    %swap3A_634 = tpu.vector_load %arg10[%swap3A_632, %swap3A_633] {strides = array<i32>} : memref<16x128xf32, #tpu.memory_space<vmem>>, vector<1x16xf32>,
    %swap3A_635 = vector.shape_cast %swap3A_634 : vector<1x16xf32> to vector<16xf32>
    %swap3A_636 = vector.shape_cast %broadcast_in_dim3A_1 : vector<16xf32> to vector<1x16xf32>
    tpu.vector_store %arg10[%swap3A_632, %swap3A_633], %swap3A_636 {strides = array<i32>} : memref<16x128xf32, #tpu.memory_space<vmem>>, vector<1x16xf32>,
    %swap3A_637 = arith.constant 13 : i32
    %swap3A_638 = arith.index_cast %swap3A_637 : i32 to index
    %swap3A_639 = arith.constant 32 : index
    %swap3A_640 = tpu.vector_load %arg10[%swap3A_638, %swap3A_639] {strides = array<i32>} : memref<16x128xf32, #tpu.memory_space<vmem>>, vector<1x16xf32>,
    %swap3A_641 = vector.shape_cast %swap3A_640 : vector<1x16xf32> to vector<16xf32>
    %swap3A_642 = vector.shape_cast %broadcast_in_dim3A_1 : vector<16xf32> to vector<1x16xf32>
    tpu.vector_store %arg10[%swap3A_638, %swap3A_639], %swap3A_642 {strides = array<i32>} : memref<16x128xf32, #tpu.memory_space<vmem>>, vector<1x16xf32>,
    %swap3A_643 = arith.constant 13 : i32
    %swap3A_644 = arith.index_cast %swap3A_643 : i32 to index
    %swap3A_645 = arith.constant 48 : index
    %swap3A_646 = tpu.vector_load %arg10[%swap3A_644, %swap3A_645] {strides = array<i32>} : memref<16x128xf32, #tpu.memory_space<vmem>>, vector<1x16xf32>,
    %swap3A_647 = vector.shape_cast %swap3A_646 : vector<1x16xf32> to vector<16xf32>
    %swap3A_648 = vector.shape_cast %broadcast_in_dim3A_1 : vector<16xf32> to vector<1x16xf32>
    tpu.vector_store %arg10[%swap3A_644, %swap3A_645], %swap3A_648 {strides = array<i32>} : memref<16x128xf32, #tpu.memory_space<vmem>>, vector<1x16xf32>,
    %swap3A_649 = arith.constant 13 : i32
    %swap3A_650 = arith.index_cast %swap3A_649 : i32 to index
    %swap3A_651 = arith.constant 64 : index
    %swap3A_652 = tpu.vector_load %arg10[%swap3A_650, %swap3A_651] {strides = array<i32>} : memref<16x128xf32, #tpu.memory_space<vmem>>, vector<1x16xf32>,
    %swap3A_653 = vector.shape_cast %swap3A_652 : vector<1x16xf32> to vector<16xf32>
    %swap3A_654 = vector.shape_cast %broadcast_in_dim3A_1 : vector<16xf32> to vector<1x16xf32>
    tpu.vector_store %arg10[%swap3A_650, %swap3A_651], %swap3A_654 {strides = array<i32>} : memref<16x128xf32, #tpu.memory_space<vmem>>, vector<1x16xf32>,
    %swap3A_655 = arith.constant 13 : i32
    %swap3A_656 = arith.index_cast %swap3A_655 : i32 to index
    %swap3A_657 = arith.constant 80 : index
    %swap3A_658 = tpu.vector_load %arg10[%swap3A_656, %swap3A_657] {strides = array<i32>} : memref<16x128xf32, #tpu.memory_space<vmem>>, vector<1x16xf32>,
    %swap3A_659 = vector.shape_cast %swap3A_658 : vector<1x16xf32> to vector<16xf32>
    %swap3A_660 = vector.shape_cast %broadcast_in_dim3A_1 : vector<16xf32> to vector<1x16xf32>
    tpu.vector_store %arg10[%swap3A_656, %swap3A_657], %swap3A_660 {strides = array<i32>} : memref<16x128xf32, #tpu.memory_space<vmem>>, vector<1x16xf32>,
    %swap3A_661 = arith.constant 13 : i32
    %swap3A_662 = arith.index_cast %swap3A_661 : i32 to index
    %swap3A_663 = arith.constant 96 : index
    %swap3A_664 = tpu.vector_load %arg10[%swap3A_662, %swap3A_663] {strides = array<i32>} : memref<16x128xf32, #tpu.memory_space<vmem>>, vector<1x16xf32>,
    %swap3A_665 = vector.shape_cast %swap3A_664 : vector<1x16xf32> to vector<16xf32>
    %swap3A_666 = vector.shape_cast %broadcast_in_dim3A_1 : vector<16xf32> to vector<1x16xf32>
    tpu.vector_store %arg10[%swap3A_662, %swap3A_663], %swap3A_666 {strides = array<i32>} : memref<16x128xf32, #tpu.memory_space<vmem>>, vector<1x16xf32>,
    %swap3A_667 = arith.constant 13 : i32
    %swap3A_668 = arith.index_cast %swap3A_667 : i32 to index
    %swap3A_669 = arith.constant 112 : index
    %swap3A_670 = tpu.vector_load %arg10[%swap3A_668, %swap3A_669] {strides = array<i32>} : memref<16x128xf32, #tpu.memory_space<vmem>>, vector<1x16xf32>,
    %swap3A_671 = vector.shape_cast %swap3A_670 : vector<1x16xf32> to vector<16xf32>
    %swap3A_672 = vector.shape_cast %broadcast_in_dim3A_1 : vector<16xf32> to vector<1x16xf32>
    tpu.vector_store %arg10[%swap3A_668, %swap3A_669], %swap3A_672 {strides = array<i32>} : memref<16x128xf32, #tpu.memory_space<vmem>>, vector<1x16xf32>,
    %swap3A_673 = arith.constant 14 : i32
    %swap3A_674 = arith.index_cast %swap3A_673 : i32 to index
    %swap3A_675 = arith.constant 0 : index
    %swap3A_676 = tpu.vector_load %arg10[%swap3A_674, %swap3A_675] {strides = array<i32>} : memref<16x128xf32, #tpu.memory_space<vmem>>, vector<1x16xf32>,
    %swap3A_677 = vector.shape_cast %swap3A_676 : vector<1x16xf32> to vector<16xf32>
    %swap3A_678 = vector.shape_cast %broadcast_in_dim3A_1 : vector<16xf32> to vector<1x16xf32>
    tpu.vector_store %arg10[%swap3A_674, %swap3A_675], %swap3A_678 {strides = array<i32>} : memref<16x128xf32, #tpu.memory_space<vmem>>, vector<1x16xf32>,
    %swap3A_679 = arith.constant 14 : i32
    %swap3A_680 = arith.index_cast %swap3A_679 : i32 to index
    %swap3A_681 = arith.constant 16 : index
    %swap3A_682 = tpu.vector_load %arg10[%swap3A_680, %swap3A_681] {strides = array<i32>} : memref<16x128xf32, #tpu.memory_space<vmem>>, vector<1x16xf32>,
    %swap3A_683 = vector.shape_cast %swap3A_682 : vector<1x16xf32> to vector<16xf32>
    %swap3A_684 = vector.shape_cast %broadcast_in_dim3A_1 : vector<16xf32> to vector<1x16xf32>
    tpu.vector_store %arg10[%swap3A_680, %swap3A_681], %swap3A_684 {strides = array<i32>} : memref<16x128xf32, #tpu.memory_space<vmem>>, vector<1x16xf32>,
    %swap3A_685 = arith.constant 14 : i32
    %swap3A_686 = arith.index_cast %swap3A_685 : i32 to index
    %swap3A_687 = arith.constant 32 : index
    %swap3A_688 = tpu.vector_load %arg10[%swap3A_686, %swap3A_687] {strides = array<i32>} : memref<16x128xf32, #tpu.memory_space<vmem>>, vector<1x16xf32>,
    %swap3A_689 = vector.shape_cast %swap3A_688 : vector<1x16xf32> to vector<16xf32>
    %swap3A_690 = vector.shape_cast %broadcast_in_dim3A_1 : vector<16xf32> to vector<1x16xf32>
    tpu.vector_store %arg10[%swap3A_686, %swap3A_687], %swap3A_690 {strides = array<i32>} : memref<16x128xf32, #tpu.memory_space<vmem>>, vector<1x16xf32>,
    %swap3A_691 = arith.constant 14 : i32
    %swap3A_692 = arith.index_cast %swap3A_691 : i32 to index
    %swap3A_693 = arith.constant 48 : index
    %swap3A_694 = tpu.vector_load %arg10[%swap3A_692, %swap3A_693] {strides = array<i32>} : memref<16x128xf32, #tpu.memory_space<vmem>>, vector<1x16xf32>,
    %swap3A_695 = vector.shape_cast %swap3A_694 : vector<1x16xf32> to vector<16xf32>
    %swap3A_696 = vector.shape_cast %broadcast_in_dim3A_1 : vector<16xf32> to vector<1x16xf32>
    tpu.vector_store %arg10[%swap3A_692, %swap3A_693], %swap3A_696 {strides = array<i32>} : memref<16x128xf32, #tpu.memory_space<vmem>>, vector<1x16xf32>,
    %swap3A_697 = arith.constant 14 : i32
    %swap3A_698 = arith.index_cast %swap3A_697 : i32 to index
    %swap3A_699 = arith.constant 64 : index
    %swap3A_700 = tpu.vector_load %arg10[%swap3A_698, %swap3A_699] {strides = array<i32>} : memref<16x128xf32, #tpu.memory_space<vmem>>, vector<1x16xf32>,
    %swap3A_701 = vector.shape_cast %swap3A_700 : vector<1x16xf32> to vector<16xf32>
    %swap3A_702 = vector.shape_cast %broadcast_in_dim3A_1 : vector<16xf32> to vector<1x16xf32>
    tpu.vector_store %arg10[%swap3A_698, %swap3A_699], %swap3A_702 {strides = array<i32>} : memref<16x128xf32, #tpu.memory_space<vmem>>, vector<1x16xf32>,
    %swap3A_703 = arith.constant 14 : i32
    %swap3A_704 = arith.index_cast %swap3A_703 : i32 to index
    %swap3A_705 = arith.constant 80 : index
    %swap3A_706 = tpu.vector_load %arg10[%swap3A_704, %swap3A_705] {strides = array<i32>} : memref<16x128xf32, #tpu.memory_space<vmem>>, vector<1x16xf32>,
    %swap3A_707 = vector.shape_cast %swap3A_706 : vector<1x16xf32> to vector<16xf32>
    %swap3A_708 = vector.shape_cast %broadcast_in_dim3A_1 : vector<16xf32> to vector<1x16xf32>
    tpu.vector_store %arg10[%swap3A_704, %swap3A_705], %swap3A_708 {strides = array<i32>} : memref<16x128xf32, #tpu.memory_space<vmem>>, vector<1x16xf32>,
    %swap3A_709 = arith.constant 14 : i32
    %swap3A_710 = arith.index_cast %swap3A_709 : i32 to index
    %swap3A_711 = arith.constant 96 : index
    %swap3A_712 = tpu.vector_load %arg10[%swap3A_710, %swap3A_711] {strides = array<i32>} : memref<16x128xf32, #tpu.memory_space<vmem>>, vector<1x16xf32>,
    %swap3A_713 = vector.shape_cast %swap3A_712 : vector<1x16xf32> to vector<16xf32>
    %swap3A_714 = vector.shape_cast %broadcast_in_dim3A_1 : vector<16xf32> to vector<1x16xf32>
    tpu.vector_store %arg10[%swap3A_710, %swap3A_711], %swap3A_714 {strides = array<i32>} : memref<16x128xf32, #tpu.memory_space<vmem>>, vector<1x16xf32>,
    %swap3A_715 = arith.constant 14 : i32
    %swap3A_716 = arith.index_cast %swap3A_715 : i32 to index
    %swap3A_717 = arith.constant 112 : index
    %swap3A_718 = tpu.vector_load %arg10[%swap3A_716, %swap3A_717] {strides = array<i32>} : memref<16x128xf32, #tpu.memory_space<vmem>>, vector<1x16xf32>,
    %swap3A_719 = vector.shape_cast %swap3A_718 : vector<1x16xf32> to vector<16xf32>
    %swap3A_720 = vector.shape_cast %broadcast_in_dim3A_1 : vector<16xf32> to vector<1x16xf32>
    tpu.vector_store %arg10[%swap3A_716, %swap3A_717], %swap3A_720 {strides = array<i32>} : memref<16x128xf32, #tpu.memory_space<vmem>>, vector<1x16xf32>,
    %swap3A_721 = arith.constant 15 : i32
    %swap3A_722 = arith.index_cast %swap3A_721 : i32 to index
    %swap3A_723 = arith.constant 0 : index
    %swap3A_724 = tpu.vector_load %arg10[%swap3A_722, %swap3A_723] {strides = array<i32>} : memref<16x128xf32, #tpu.memory_space<vmem>>, vector<1x16xf32>,
    %swap3A_725 = vector.shape_cast %swap3A_724 : vector<1x16xf32> to vector<16xf32>
    %swap3A_726 = vector.shape_cast %broadcast_in_dim3A_1 : vector<16xf32> to vector<1x16xf32>
    tpu.vector_store %arg10[%swap3A_722, %swap3A_723], %swap3A_726 {strides = array<i32>} : memref<16x128xf32, #tpu.memory_space<vmem>>, vector<1x16xf32>,
    %swap3A_727 = arith.constant 15 : i32
    %swap3A_728 = arith.index_cast %swap3A_727 : i32 to index
    %swap3A_729 = arith.constant 16 : index
    %swap3A_730 = tpu.vector_load %arg10[%swap3A_728, %swap3A_729] {strides = array<i32>} : memref<16x128xf32, #tpu.memory_space<vmem>>, vector<1x16xf32>,
    %swap3A_731 = vector.shape_cast %swap3A_730 : vector<1x16xf32> to vector<16xf32>
    %swap3A_732 = vector.shape_cast %broadcast_in_dim3A_1 : vector<16xf32> to vector<1x16xf32>
    tpu.vector_store %arg10[%swap3A_728, %swap3A_729], %swap3A_732 {strides = array<i32>} : memref<16x128xf32, #tpu.memory_space<vmem>>, vector<1x16xf32>,
    %swap3A_733 = arith.constant 15 : i32
    %swap3A_734 = arith.index_cast %swap3A_733 : i32 to index
    %swap3A_735 = arith.constant 32 : index
    %swap3A_736 = tpu.vector_load %arg10[%swap3A_734, %swap3A_735] {strides = array<i32>} : memref<16x128xf32, #tpu.memory_space<vmem>>, vector<1x16xf32>,
    %swap3A_737 = vector.shape_cast %swap3A_736 : vector<1x16xf32> to vector<16xf32>
    %swap3A_738 = vector.shape_cast %broadcast_in_dim3A_1 : vector<16xf32> to vector<1x16xf32>
    tpu.vector_store %arg10[%swap3A_734, %swap3A_735], %swap3A_738 {strides = array<i32>} : memref<16x128xf32, #tpu.memory_space<vmem>>, vector<1x16xf32>,
    %swap3A_739 = arith.constant 15 : i32
    %swap3A_740 = arith.index_cast %swap3A_739 : i32 to index
    %swap3A_741 = arith.constant 48 : index
    %swap3A_742 = tpu.vector_load %arg10[%swap3A_740, %swap3A_741] {strides = array<i32>} : memref<16x128xf32, #tpu.memory_space<vmem>>, vector<1x16xf32>,
    %swap3A_743 = vector.shape_cast %swap3A_742 : vector<1x16xf32> to vector<16xf32>
    %swap3A_744 = vector.shape_cast %broadcast_in_dim3A_1 : vector<16xf32> to vector<1x16xf32>
    tpu.vector_store %arg10[%swap3A_740, %swap3A_741], %swap3A_744 {strides = array<i32>} : memref<16x128xf32, #tpu.memory_space<vmem>>, vector<1x16xf32>,
    %swap3A_745 = arith.constant 15 : i32
    %swap3A_746 = arith.index_cast %swap3A_745 : i32 to index
    %swap3A_747 = arith.constant 64 : index
    %swap3A_748 = tpu.vector_load %arg10[%swap3A_746, %swap3A_747] {strides = array<i32>} : memref<16x128xf32, #tpu.memory_space<vmem>>, vector<1x16xf32>,
    %swap3A_749 = vector.shape_cast %swap3A_748 : vector<1x16xf32> to vector<16xf32>
    %swap3A_750 = vector.shape_cast %broadcast_in_dim3A_1 : vector<16xf32> to vector<1x16xf32>
    tpu.vector_store %arg10[%swap3A_746, %swap3A_747], %swap3A_750 {strides = array<i32>} : memref<16x128xf32, #tpu.memory_space<vmem>>, vector<1x16xf32>,
    %swap3A_751 = arith.constant 15 : i32
    %swap3A_752 = arith.index_cast %swap3A_751 : i32 to index
    %swap3A_753 = arith.constant 80 : index
    %swap3A_754 = tpu.vector_load %arg10[%swap3A_752, %swap3A_753] {strides = array<i32>} : memref<16x128xf32, #tpu.memory_space<vmem>>, vector<1x16xf32>,
    %swap3A_755 = vector.shape_cast %swap3A_754 : vector<1x16xf32> to vector<16xf32>
    %swap3A_756 = vector.shape_cast %broadcast_in_dim3A_1 : vector<16xf32> to vector<1x16xf32>
    tpu.vector_store %arg10[%swap3A_752, %swap3A_753], %swap3A_756 {strides = array<i32>} : memref<16x128xf32, #tpu.memory_space<vmem>>, vector<1x16xf32>,
    %swap3A_757 = arith.constant 15 : i32
    %swap3A_758 = arith.index_cast %swap3A_757 : i32 to index
    %swap3A_759 = arith.constant 96 : index
    %swap3A_760 = tpu.vector_load %arg10[%swap3A_758, %swap3A_759] {strides = array<i32>} : memref<16x128xf32, #tpu.memory_space<vmem>>, vector<1x16xf32>,
    %swap3A_761 = vector.shape_cast %swap3A_760 : vector<1x16xf32> to vector<16xf32>
    %swap3A_762 = vector.shape_cast %broadcast_in_dim3A_1 : vector<16xf32> to vector<1x16xf32>
    tpu.vector_store %arg10[%swap3A_758, %swap3A_759], %swap3A_762 {strides = array<i32>} : memref<16x128xf32, #tpu.memory_space<vmem>>, vector<1x16xf32>,
    %swap3A_763 = arith.constant 15 : i32
    %swap3A_764 = arith.index_cast %swap3A_763 : i32 to index
    %swap3A_765 = arith.constant 112 : index
    %swap3A_766 = tpu.vector_load %arg10[%swap3A_764, %swap3A_765] {strides = array<i32>} : memref<16x128xf32, #tpu.memory_space<vmem>>, vector<1x16xf32>,
    %swap3A_767 = vector.shape_cast %swap3A_766 : vector<1x16xf32> to vector<16xf32>
    %swap3A_768 = vector.shape_cast %broadcast_in_dim3A_1 : vector<16xf32> to vector<1x16xf32>
    tpu.vector_store %arg10[%swap3A_764, %swap3A_765], %swap3A_768 {strides = array<i32>} : memref<16x128xf32, #tpu.memory_space<vmem>>, vector<1x16xf32>,
    %scan3A = arith.constant 0 : i32
    %scan3A_769 = arith.constant 0 : i32
    %scan3A_770 = arith.constant 39 : i32
    %scan3A_771 = arith.addi %scan3A_769, %scan3A_770 : i32
    %scan3A_772 = arith.constant 1 : i32
    %scan3A_773 = scf.for %scan3A_795 = %scan3A_769 to %scan3A_771 step %scan3A_772 iter_args(%scan3A_796 = %scan3A) -> (i32)  : i32 {
      %mul3A_797 = arith.constant 624 : i32
      %mul3A_798 = arith.muli %arg1, %mul3A_797 : i32
      %mul3A_799 = arith.constant 16 : i32
      %mul3A_800 = arith.muli %scan3A_795, %mul3A_799 : i32
      %add3A_801 = arith.addi %mul3A_798, %mul3A_800 : i32
      "tpu.region"() ({
        %run_scoped3A = tpu.sem_alloc : memref<!tpu.dma_semaphore, #tpu.memory_space<semaphore_mem>>
        %dma_start3A = arith.constant 0 : i32
        %dma_start3A_803 = tpu.memref_slice %arg11[%add3A_801, %dma_start3A] : memref<10000x128xf32, #tpu.memory_space<vmem_shared>> -> memref<16x128xf32, #tpu.memory_space<vmem_shared>>
        %dma_start3A_804 = arith.constant 0 : i32
        %dma_start3A_805 = tpu.memref_slice %arg11[%add3A_801, %dma_start3A_804] : memref<10000x128xf32, #tpu.memory_space<vmem_shared>> -> memref<16x128xf32, #tpu.memory_space<vmem_shared>>
        tpu.enqueue_dma source(%arg10 : memref<16x128xf32, #tpu.memory_space<vmem>>) target(%dma_start3A_805 : memref<16x128xf32, #tpu.memory_space<vmem_shared>>) target_semaphore(%run_scoped3A : memref<!tpu.dma_semaphore, #tpu.memory_space<semaphore_mem>>)
        %dma_wait3A = arith.constant 0 : i32
        %dma_wait3A_806 = tpu.memref_slice %arg11[%add3A_801, %dma_wait3A] : memref<10000x128xf32, #tpu.memory_space<vmem_shared>> -> memref<16x128xf32, #tpu.memory_space<vmem_shared>>
        %dma_wait3A_807 = arith.constant 0 : i32
        %dma_wait3A_808 = tpu.memref_slice %arg11[%add3A_801, %dma_wait3A_807] : memref<10000x128xf32, #tpu.memory_space<vmem_shared>> -> memref<16x128xf32, #tpu.memory_space<vmem_shared>>
        tpu.wait_dma2 semaphore(%run_scoped3A : memref<!tpu.dma_semaphore, #tpu.memory_space<semaphore_mem>>) src(%arg10 : memref<16x128xf32, #tpu.memory_space<vmem>>) dst(%dma_wait3A_808 : memref<16x128xf32, #tpu.memory_space<vmem_shared>>)
        tpu.yield
      }) : () -> ()
      %scan3A_802 = arith.constant 0 : i32
      scf.yield %scan3A_802 : i32
    }
    %scan3A_774 = arith.constant 39 : i32
    %eq3A = arith.constant 15 : i32
    %eq3A_775 = arith.cmpi eq, %arg1, %eq3A : i32
    %convert_element_type3A = arith.extui %eq3A_775 : i1 to i32
    %cond3A = arith.constant 0 : i32
    %cond3A_776 = arith.cmpi ne, %convert_element_type3A, %cond3A : i32
    scf.if %cond3A_776 {
      "tpu.region"() ({
        %run_scoped3A = tpu.sem_alloc : memref<!tpu.dma_semaphore, #tpu.memory_space<semaphore_mem>>
        %dma_start3A = arith.constant 0 : i32
        %dma_start3A_795 = arith.constant 0 : i32
        %dma_start3A_796 = tpu.memref_slice %arg10[%dma_start3A, %dma_start3A_795] : memref<16x128xf32, #tpu.memory_space<vmem>> -> memref<16x128xf32, #tpu.memory_space<vmem>>
        %dma_start3A_797 = arith.constant 9984 : i32
        %dma_start3A_798 = arith.constant 0 : i32
        %dma_start3A_799 = tpu.memref_slice %arg11[%dma_start3A_797, %dma_start3A_798] : memref<10000x128xf32, #tpu.memory_space<vmem_shared>> -> memref<16x128xf32, #tpu.memory_space<vmem_shared>>
        %dma_start3A_800 = arith.constant 9984 : i32
        %dma_start3A_801 = arith.constant 0 : i32
        %dma_start3A_802 = tpu.memref_slice %arg11[%dma_start3A_800, %dma_start3A_801] : memref<10000x128xf32, #tpu.memory_space<vmem_shared>> -> memref<16x128xf32, #tpu.memory_space<vmem_shared>>
        %dma_start3A_803 = arith.constant 0 : i32
        %dma_start3A_804 = arith.constant 0 : i32
        %dma_start3A_805 = tpu.memref_slice %arg10[%dma_start3A_803, %dma_start3A_804] : memref<16x128xf32, #tpu.memory_space<vmem>> -> memref<16x128xf32, #tpu.memory_space<vmem>>
        tpu.enqueue_dma source(%dma_start3A_805 : memref<16x128xf32, #tpu.memory_space<vmem>>) target(%dma_start3A_802 : memref<16x128xf32, #tpu.memory_space<vmem_shared>>) target_semaphore(%run_scoped3A : memref<!tpu.dma_semaphore, #tpu.memory_space<semaphore_mem>>)
        %dma_wait3A = arith.constant 0 : i32
        %dma_wait3A_806 = arith.constant 0 : i32
        %dma_wait3A_807 = tpu.memref_slice %arg10[%dma_wait3A, %dma_wait3A_806] : memref<16x128xf32, #tpu.memory_space<vmem>> -> memref<16x128xf32, #tpu.memory_space<vmem>>
        %dma_wait3A_808 = arith.constant 9984 : i32
        %dma_wait3A_809 = arith.constant 0 : i32
        %dma_wait3A_810 = tpu.memref_slice %arg11[%dma_wait3A_808, %dma_wait3A_809] : memref<10000x128xf32, #tpu.memory_space<vmem_shared>> -> memref<16x128xf32, #tpu.memory_space<vmem_shared>>
        %dma_wait3A_811 = arith.constant 9984 : i32
        %dma_wait3A_812 = arith.constant 0 : i32
        %dma_wait3A_813 = tpu.memref_slice %arg11[%dma_wait3A_811, %dma_wait3A_812] : memref<10000x128xf32, #tpu.memory_space<vmem_shared>> -> memref<16x128xf32, #tpu.memory_space<vmem_shared>>
        %dma_wait3A_814 = arith.constant 0 : i32
        %dma_wait3A_815 = arith.constant 0 : i32
        %dma_wait3A_816 = tpu.memref_slice %arg10[%dma_wait3A_814, %dma_wait3A_815] : memref<16x128xf32, #tpu.memory_space<vmem>> -> memref<16x128xf32, #tpu.memory_space<vmem>>
        tpu.wait_dma2 semaphore(%run_scoped3A : memref<!tpu.dma_semaphore, #tpu.memory_space<semaphore_mem>>) src(%dma_wait3A_816 : memref<16x128xf32, #tpu.memory_space<vmem>>) dst(%dma_wait3A_813 : memref<16x128xf32, #tpu.memory_space<vmem_shared>>)
        tpu.yield
      }) : () -> ()
    } else {
    }
    %barrier3A = arith.constant 0 : index
    tpu.barrier barrier_id(%barrier3A)
    %scan3A_777 = arith.constant 0 : i32
    %scan3A_778 = arith.constant 0 : i32
    %scan3A_779 = arith.constant 2 : i32
    %scan3A_780 = arith.addi %scan3A_778, %scan3A_779 : i32
    %scan3A_781 = arith.constant 1 : i32
    %scan3A_782 = scf.for %scan3A_795 = %scan3A_778 to %scan3A_780 step %scan3A_781 iter_args(%scan3A_796 = %scan3A_777) -> (i32)  : i32 {
      %mul3A_797 = arith.constant 40 : i32
      %mul3A_798 = arith.muli %scan3A_795, %mul3A_797 : i32
      %run_scoped3A = arith.constant 0 : i32
      "tpu.region"() ({
        %run_scoped3A_823 = tpu.sem_alloc : memref<!tpu.dma_semaphore, #tpu.memory_space<semaphore_mem>>
        %dma_start3A_824 = arith.constant 0 : i32
        %dma_start3A_825 = tpu.memref_slice %arg2[%run_scoped3A, %add3A, %mul3A_798, %dma_start3A_824] : memref<2x32x80x125xi32, #tpu.memory_space<hbm>> -> memref<1x1x40x125xi32, #tpu.memory_space<hbm>>
        %dma_start3A_826 = tpu.memref_squeeze %dma_start3A_825 : memref<1x1x40x125xi32, #tpu.memory_space<hbm>> -> memref<40x125xi32, #tpu.memory_space<hbm>>
        %dma_start3A_827 = arith.constant 0 : i32
        %dma_start3A_828 = tpu.memref_slice %arg2[%run_scoped3A, %add3A, %mul3A_798, %dma_start3A_827] : memref<2x32x80x125xi32, #tpu.memory_space<hbm>> -> memref<1x1x40x125xi32, #tpu.memory_space<hbm>>
        %dma_start3A_829 = tpu.memref_squeeze %dma_start3A_828 : memref<1x1x40x125xi32, #tpu.memory_space<hbm>> -> memref<40x125xi32, #tpu.memory_space<hbm>>
        tpu.enqueue_dma source(%dma_start3A_829 : memref<40x125xi32, #tpu.memory_space<hbm>>) target(%arg6 : memref<40x125xi32, #tpu.memory_space<vmem>>) target_semaphore(%run_scoped3A_823 : memref<!tpu.dma_semaphore, #tpu.memory_space<semaphore_mem>>)
        %dma_wait3A = arith.constant 0 : i32
        %dma_wait3A_830 = tpu.memref_slice %arg2[%run_scoped3A, %add3A, %mul3A_798, %dma_wait3A] : memref<2x32x80x125xi32, #tpu.memory_space<hbm>> -> memref<1x1x40x125xi32, #tpu.memory_space<hbm>>
        %dma_wait3A_831 = tpu.memref_squeeze %dma_wait3A_830 : memref<1x1x40x125xi32, #tpu.memory_space<hbm>> -> memref<40x125xi32, #tpu.memory_space<hbm>>
        %dma_wait3A_832 = arith.constant 0 : i32
        %dma_wait3A_833 = tpu.memref_slice %arg2[%run_scoped3A, %add3A, %mul3A_798, %dma_wait3A_832] : memref<2x32x80x125xi32, #tpu.memory_space<hbm>> -> memref<1x1x40x125xi32, #tpu.memory_space<hbm>>
        %dma_wait3A_834 = tpu.memref_squeeze %dma_wait3A_833 : memref<1x1x40x125xi32, #tpu.memory_space<hbm>> -> memref<40x125xi32, #tpu.memory_space<hbm>>
        tpu.wait_dma2 semaphore(%run_scoped3A_823 : memref<!tpu.dma_semaphore, #tpu.memory_space<semaphore_mem>>) src(%dma_wait3A_834 : memref<40x125xi32, #tpu.memory_space<hbm>>) dst(%arg6 : memref<40x125xi32, #tpu.memory_space<vmem>>)
        tpu.yield
      }) : () -> ()
      %mul3A_799 = arith.constant 40 : i32
      %mul3A_800 = arith.muli %scan3A_795, %mul3A_799 : i32
      %run_scoped3A_801 = arith.constant 1 : i32
      "tpu.region"() ({
        %run_scoped3A_823 = tpu.sem_alloc : memref<!tpu.dma_semaphore, #tpu.memory_space<semaphore_mem>>
        %dma_start3A_824 = arith.constant 0 : i32
        %dma_start3A_825 = tpu.memref_slice %arg2[%run_scoped3A_801, %add3A, %mul3A_800, %dma_start3A_824] : memref<2x32x80x125xi32, #tpu.memory_space<hbm>> -> memref<1x1x40x125xi32, #tpu.memory_space<hbm>>
        %dma_start3A_826 = tpu.memref_squeeze %dma_start3A_825 : memref<1x1x40x125xi32, #tpu.memory_space<hbm>> -> memref<40x125xi32, #tpu.memory_space<hbm>>
        %dma_start3A_827 = arith.constant 0 : i32
        %dma_start3A_828 = tpu.memref_slice %arg2[%run_scoped3A_801, %add3A, %mul3A_800, %dma_start3A_827] : memref<2x32x80x125xi32, #tpu.memory_space<hbm>> -> memref<1x1x40x125xi32, #tpu.memory_space<hbm>>
        %dma_start3A_829 = tpu.memref_squeeze %dma_start3A_828 : memref<1x1x40x125xi32, #tpu.memory_space<hbm>> -> memref<40x125xi32, #tpu.memory_space<hbm>>
        tpu.enqueue_dma source(%dma_start3A_829 : memref<40x125xi32, #tpu.memory_space<hbm>>) target(%arg7 : memref<40x125xi32, #tpu.memory_space<vmem>>) target_semaphore(%run_scoped3A_823 : memref<!tpu.dma_semaphore, #tpu.memory_space<semaphore_mem>>)
        %dma_wait3A = arith.constant 0 : i32
        %dma_wait3A_830 = tpu.memref_slice %arg2[%run_scoped3A_801, %add3A, %mul3A_800, %dma_wait3A] : memref<2x32x80x125xi32, #tpu.memory_space<hbm>> -> memref<1x1x40x125xi32, #tpu.memory_space<hbm>>
        %dma_wait3A_831 = tpu.memref_squeeze %dma_wait3A_830 : memref<1x1x40x125xi32, #tpu.memory_space<hbm>> -> memref<40x125xi32, #tpu.memory_space<hbm>>
        %dma_wait3A_832 = arith.constant 0 : i32
        %dma_wait3A_833 = tpu.memref_slice %arg2[%run_scoped3A_801, %add3A, %mul3A_800, %dma_wait3A_832] : memref<2x32x80x125xi32, #tpu.memory_space<hbm>> -> memref<1x1x40x125xi32, #tpu.memory_space<hbm>>
        %dma_wait3A_834 = tpu.memref_squeeze %dma_wait3A_833 : memref<1x1x40x125xi32, #tpu.memory_space<hbm>> -> memref<40x125xi32, #tpu.memory_space<hbm>>
        tpu.wait_dma2 semaphore(%run_scoped3A_823 : memref<!tpu.dma_semaphore, #tpu.memory_space<semaphore_mem>>) src(%dma_wait3A_834 : memref<40x125xi32, #tpu.memory_space<hbm>>) dst(%arg7 : memref<40x125xi32, #tpu.memory_space<vmem>>)
        tpu.yield
      }) : () -> ()
      %dma_start3A = arith.constant 0 : i32
      %dma_start3A_802 = arith.constant 0 : i32
      %dma_start3A_803 = tpu.memref_slice %arg6[%dma_start3A, %dma_start3A_802] : memref<40x125xi32, #tpu.memory_space<vmem>> -> memref<1x125xi32, #tpu.memory_space<vmem>>
      %dma_start3A_804 = tpu.memref_squeeze %dma_start3A_803 : memref<1x125xi32, #tpu.memory_space<vmem>> -> memref<125xi32, #tpu.memory_space<vmem>>
      %dma_start3A_805 = arith.constant 0 : i32
      %dma_start3A_806 = arith.constant 0 : i32
      %dma_start3A_807 = tpu.memref_slice %arg3[%dma_start3A_805, %dma_start3A_806] : memref<10000x128xf32, #tpu.memory_space<hbm>> -> memref<10000x128xf32, #tpu.memory_space<hbm>>
      tpu.enqueue_indirect_dma source(%dma_start3A_807 : memref<10000x128xf32, #tpu.memory_space<hbm>>) target(%arg8 : memref<125x128xf32, #tpu.memory_space<vmem>>) offsets(%dma_start3A_804 : memref<125xi32, #tpu.memory_space<vmem>>) semaphore(%arg12 : memref<!tpu.dma_semaphore, #tpu.memory_space<semaphore_mem>>)
      %dma_start3A_808 = arith.constant 1 : i32
      %dma_start3A_809 = arith.constant 0 : i32
      %dma_start3A_810 = tpu.memref_slice %arg6[%dma_start3A_808, %dma_start3A_809] : memref<40x125xi32, #tpu.memory_space<vmem>> -> memref<1x125xi32, #tpu.memory_space<vmem>>
      %dma_start3A_811 = tpu.memref_squeeze %dma_start3A_810 : memref<1x125xi32, #tpu.memory_space<vmem>> -> memref<125xi32, #tpu.memory_space<vmem>>
      %dma_start3A_812 = arith.constant 0 : i32
      %dma_start3A_813 = arith.constant 0 : i32
      %dma_start3A_814 = tpu.memref_slice %arg3[%dma_start3A_812, %dma_start3A_813] : memref<10000x128xf32, #tpu.memory_space<hbm>> -> memref<10000x128xf32, #tpu.memory_space<hbm>>
      tpu.enqueue_indirect_dma source(%dma_start3A_814 : memref<10000x128xf32, #tpu.memory_space<hbm>>) target(%arg9 : memref<125x128xf32, #tpu.memory_space<vmem>>) offsets(%dma_start3A_811 : memref<125xi32, #tpu.memory_space<vmem>>) semaphore(%arg13 : memref<!tpu.dma_semaphore, #tpu.memory_space<semaphore_mem>>)
      %scan3A_815 = arith.constant 0 : i32
      %scan3A_816 = arith.constant 0 : i32
      %scan3A_817 = arith.constant 20 : i32
      %scan3A_818 = arith.addi %scan3A_816, %scan3A_817 : i32
      %scan3A_819 = arith.constant 1 : i32
      %scan3A_820 = scf.for %scan3A_823 = %scan3A_816 to %scan3A_818 step %scan3A_819 iter_args(%scan3A_824 = %scan3A_815) -> (i32)  : i32 {
        %mul3A_825 = arith.constant 2 : i32
        %mul3A_826 = arith.muli %mul3A_825, %scan3A_823 : i32
        %dma_wait3A = arith.constant 0 : i32
        %dma_wait3A_827 = arith.constant 0 : i32
        %dma_wait3A_828 = tpu.memref_slice %arg6[%dma_wait3A, %dma_wait3A_827] : memref<40x125xi32, #tpu.memory_space<vmem>> -> memref<1x125xi32, #tpu.memory_space<vmem>>
        %dma_wait3A_829 = tpu.memref_squeeze %dma_wait3A_828 : memref<1x125xi32, #tpu.memory_space<vmem>> -> memref<125xi32, #tpu.memory_space<vmem>>
        %dma_wait3A_830 = arith.constant 0 : i32
        %dma_wait3A_831 = arith.constant 0 : i32
        %dma_wait3A_832 = tpu.memref_slice %arg3[%dma_wait3A_830, %dma_wait3A_831] : memref<10000x128xf32, #tpu.memory_space<hbm>> -> memref<10000x128xf32, #tpu.memory_space<hbm>>
        tpu.wait_indirect_dma semaphore(%arg12 : memref<!tpu.dma_semaphore, #tpu.memory_space<semaphore_mem>>) src(%dma_wait3A_832 : memref<10000x128xf32, #tpu.memory_space<hbm>>) dst(%arg8 : memref<125x128xf32, #tpu.memory_space<vmem>>)
        %add3A_833 = arith.constant 0 : i32
        %add3A_834 = arith.addi %mul3A_826, %add3A_833 : i32
        "tpu.region"() ({
          %run_scoped3A_862 = tpu.sem_alloc : memref<!tpu.dma_semaphore, #tpu.memory_space<semaphore_mem>>
          %dma_start3A_863 = arith.constant 0 : i32
          %dma_start3A_864 = tpu.memref_slice %arg7[%add3A_834, %dma_start3A_863] : memref<40x125xi32, #tpu.memory_space<vmem>> -> memref<1x125xi32, #tpu.memory_space<vmem>>
          %dma_start3A_865 = tpu.memref_squeeze %dma_start3A_864 : memref<1x125xi32, #tpu.memory_space<vmem>> -> memref<125xi32, #tpu.memory_space<vmem>>
          %dma_start3A_866 = arith.constant 0 : i32
          %dma_start3A_867 = arith.constant 0 : i32
          %dma_start3A_868 = tpu.memref_slice %arg11[%dma_start3A_866, %dma_start3A_867] : memref<10000x128xf32, #tpu.memory_space<vmem_shared>> -> memref<10000x128xf32, #tpu.memory_space<vmem_shared>>
          tpu.enqueue_indirect_dma source(%arg8 : memref<125x128xf32, #tpu.memory_space<vmem>>) target(%dma_start3A_868 : memref<10000x128xf32, #tpu.memory_space<vmem_shared>>) offsets(%dma_start3A_865 : memref<125xi32, #tpu.memory_space<vmem>>) semaphore(%run_scoped3A_862 : memref<!tpu.dma_semaphore, #tpu.memory_space<semaphore_mem>>) {add = true}
          %dma_wait3A_869 = arith.constant 0 : i32
          %dma_wait3A_870 = tpu.memref_slice %arg7[%add3A_834, %dma_wait3A_869] : memref<40x125xi32, #tpu.memory_space<vmem>> -> memref<1x125xi32, #tpu.memory_space<vmem>>
          %dma_wait3A_871 = tpu.memref_squeeze %dma_wait3A_870 : memref<1x125xi32, #tpu.memory_space<vmem>> -> memref<125xi32, #tpu.memory_space<vmem>>
          %dma_wait3A_872 = arith.constant 0 : i32
          %dma_wait3A_873 = arith.constant 0 : i32
          %dma_wait3A_874 = tpu.memref_slice %arg11[%dma_wait3A_872, %dma_wait3A_873] : memref<10000x128xf32, #tpu.memory_space<vmem_shared>> -> memref<10000x128xf32, #tpu.memory_space<vmem_shared>>
          tpu.wait_indirect_dma semaphore(%run_scoped3A_862 : memref<!tpu.dma_semaphore, #tpu.memory_space<semaphore_mem>>) src(%arg8 : memref<125x128xf32, #tpu.memory_space<vmem>>) dst(%dma_wait3A_874 : memref<10000x128xf32, #tpu.memory_space<vmem_shared>>)
          tpu.yield
        }) : () -> ()
        %add3A_835 = arith.constant 2 : i32
        %add3A_836 = arith.addi %mul3A_826, %add3A_835 : i32
        %add3A_837 = arith.constant 0 : i32
        %add3A_838 = arith.addi %add3A_836, %add3A_837 : i32
        %lt3A = arith.constant 40 : i32
        %lt3A_839 = arith.cmpi slt, %add3A_838, %lt3A : i32
        %convert_element_type3A_840 = arith.extui %lt3A_839 : i1 to i32
        %cond3A_841 = arith.constant 0 : i32
        %cond3A_842 = arith.cmpi ne, %convert_element_type3A_840, %cond3A_841 : i32
        scf.if %cond3A_842 {
          %add3A_862 = arith.constant 2 : i32
          %add3A_863 = arith.addi %mul3A_826, %add3A_862 : i32
          %add3A_864 = arith.constant 0 : i32
          %add3A_865 = arith.addi %add3A_863, %add3A_864 : i32
          %dma_start3A_866 = arith.constant 0 : i32
          %dma_start3A_867 = tpu.memref_slice %arg6[%add3A_865, %dma_start3A_866] : memref<40x125xi32, #tpu.memory_space<vmem>> -> memref<1x125xi32, #tpu.memory_space<vmem>>
          %dma_start3A_868 = tpu.memref_squeeze %dma_start3A_867 : memref<1x125xi32, #tpu.memory_space<vmem>> -> memref<125xi32, #tpu.memory_space<vmem>>
          %dma_start3A_869 = arith.constant 0 : i32
          %dma_start3A_870 = arith.constant 0 : i32
          %dma_start3A_871 = tpu.memref_slice %arg3[%dma_start3A_869, %dma_start3A_870] : memref<10000x128xf32, #tpu.memory_space<hbm>> -> memref<10000x128xf32, #tpu.memory_space<hbm>>
          tpu.enqueue_indirect_dma source(%dma_start3A_871 : memref<10000x128xf32, #tpu.memory_space<hbm>>) target(%arg8 : memref<125x128xf32, #tpu.memory_space<vmem>>) offsets(%dma_start3A_868 : memref<125xi32, #tpu.memory_space<vmem>>) semaphore(%arg12 : memref<!tpu.dma_semaphore, #tpu.memory_space<semaphore_mem>>)
        } else {
        }
        %dma_wait3A_843 = arith.constant 0 : i32
        %dma_wait3A_844 = arith.constant 0 : i32
        %dma_wait3A_845 = tpu.memref_slice %arg6[%dma_wait3A_843, %dma_wait3A_844] : memref<40x125xi32, #tpu.memory_space<vmem>> -> memref<1x125xi32, #tpu.memory_space<vmem>>
        %dma_wait3A_846 = tpu.memref_squeeze %dma_wait3A_845 : memref<1x125xi32, #tpu.memory_space<vmem>> -> memref<125xi32, #tpu.memory_space<vmem>>
        %dma_wait3A_847 = arith.constant 0 : i32
        %dma_wait3A_848 = arith.constant 0 : i32
        %dma_wait3A_849 = tpu.memref_slice %arg3[%dma_wait3A_847, %dma_wait3A_848] : memref<10000x128xf32, #tpu.memory_space<hbm>> -> memref<10000x128xf32, #tpu.memory_space<hbm>>
        tpu.wait_indirect_dma semaphore(%arg13 : memref<!tpu.dma_semaphore, #tpu.memory_space<semaphore_mem>>) src(%dma_wait3A_849 : memref<10000x128xf32, #tpu.memory_space<hbm>>) dst(%arg9 : memref<125x128xf32, #tpu.memory_space<vmem>>)
        %add3A_850 = arith.constant 1 : i32
        %add3A_851 = arith.addi %mul3A_826, %add3A_850 : i32
        "tpu.region"() ({
          %run_scoped3A_862 = tpu.sem_alloc : memref<!tpu.dma_semaphore, #tpu.memory_space<semaphore_mem>>
          %dma_start3A_863 = arith.constant 0 : i32
          %dma_start3A_864 = tpu.memref_slice %arg7[%add3A_851, %dma_start3A_863] : memref<40x125xi32, #tpu.memory_space<vmem>> -> memref<1x125xi32, #tpu.memory_space<vmem>>
          %dma_start3A_865 = tpu.memref_squeeze %dma_start3A_864 : memref<1x125xi32, #tpu.memory_space<vmem>> -> memref<125xi32, #tpu.memory_space<vmem>>
          %dma_start3A_866 = arith.constant 0 : i32
          %dma_start3A_867 = arith.constant 0 : i32
          %dma_start3A_868 = tpu.memref_slice %arg11[%dma_start3A_866, %dma_start3A_867] : memref<10000x128xf32, #tpu.memory_space<vmem_shared>> -> memref<10000x128xf32, #tpu.memory_space<vmem_shared>>
          tpu.enqueue_indirect_dma source(%arg9 : memref<125x128xf32, #tpu.memory_space<vmem>>) target(%dma_start3A_868 : memref<10000x128xf32, #tpu.memory_space<vmem_shared>>) offsets(%dma_start3A_865 : memref<125xi32, #tpu.memory_space<vmem>>) semaphore(%run_scoped3A_862 : memref<!tpu.dma_semaphore, #tpu.memory_space<semaphore_mem>>) {add = true}
          %dma_wait3A_869 = arith.constant 0 : i32
          %dma_wait3A_870 = tpu.memref_slice %arg7[%add3A_851, %dma_wait3A_869] : memref<40x125xi32, #tpu.memory_space<vmem>> -> memref<1x125xi32, #tpu.memory_space<vmem>>
          %dma_wait3A_871 = tpu.memref_squeeze %dma_wait3A_870 : memref<1x125xi32, #tpu.memory_space<vmem>> -> memref<125xi32, #tpu.memory_space<vmem>>
          %dma_wait3A_872 = arith.constant 0 : i32
          %dma_wait3A_873 = arith.constant 0 : i32
          %dma_wait3A_874 = tpu.memref_slice %arg11[%dma_wait3A_872, %dma_wait3A_873] : memref<10000x128xf32, #tpu.memory_space<vmem_shared>> -> memref<10000x128xf32, #tpu.memory_space<vmem_shared>>
          tpu.wait_indirect_dma semaphore(%run_scoped3A_862 : memref<!tpu.dma_semaphore, #tpu.memory_space<semaphore_mem>>) src(%arg9 : memref<125x128xf32, #tpu.memory_space<vmem>>) dst(%dma_wait3A_874 : memref<10000x128xf32, #tpu.memory_space<vmem_shared>>)
          tpu.yield
        }) : () -> ()
        %add3A_852 = arith.constant 2 : i32
        %add3A_853 = arith.addi %mul3A_826, %add3A_852 : i32
        %add3A_854 = arith.constant 1 : i32
        %add3A_855 = arith.addi %add3A_853, %add3A_854 : i32
        %lt3A_856 = arith.constant 40 : i32
        %lt3A_857 = arith.cmpi slt, %add3A_855, %lt3A_856 : i32
        %convert_element_type3A_858 = arith.extui %lt3A_857 : i1 to i32
        %cond3A_859 = arith.constant 0 : i32
        %cond3A_860 = arith.cmpi ne, %convert_element_type3A_858, %cond3A_859 : i32
        scf.if %cond3A_860 {
          %add3A_862 = arith.constant 2 : i32
          %add3A_863 = arith.addi %mul3A_826, %add3A_862 : i32
          %add3A_864 = arith.constant 1 : i32
          %add3A_865 = arith.addi %add3A_863, %add3A_864 : i32
          %dma_start3A_866 = arith.constant 0 : i32
          %dma_start3A_867 = tpu.memref_slice %arg6[%add3A_865, %dma_start3A_866] : memref<40x125xi32, #tpu.memory_space<vmem>> -> memref<1x125xi32, #tpu.memory_space<vmem>>
          %dma_start3A_868 = tpu.memref_squeeze %dma_start3A_867 : memref<1x125xi32, #tpu.memory_space<vmem>> -> memref<125xi32, #tpu.memory_space<vmem>>
          %dma_start3A_869 = arith.constant 0 : i32
          %dma_start3A_870 = arith.constant 0 : i32
          %dma_start3A_871 = tpu.memref_slice %arg3[%dma_start3A_869, %dma_start3A_870] : memref<10000x128xf32, #tpu.memory_space<hbm>> -> memref<10000x128xf32, #tpu.memory_space<hbm>>
          tpu.enqueue_indirect_dma source(%dma_start3A_871 : memref<10000x128xf32, #tpu.memory_space<hbm>>) target(%arg9 : memref<125x128xf32, #tpu.memory_space<vmem>>) offsets(%dma_start3A_868 : memref<125xi32, #tpu.memory_space<vmem>>) semaphore(%arg13 : memref<!tpu.dma_semaphore, #tpu.memory_space<semaphore_mem>>)
        } else {
        }
        %scan3A_861 = arith.constant 0 : i32
        scf.yield %scan3A_861 : i32
      }
      %scan3A_821 = arith.constant 20 : i32
      %scan3A_822 = arith.constant 0 : i32
      scf.yield %scan3A_822 : i32
    }
    %scan3A_783 = arith.constant 2 : i32
    %barrier3A_784 = arith.constant 0 : index
    tpu.barrier barrier_id(%barrier3A_784)
    %eq3A_785 = arith.constant 0 : i32
    %eq3A_786 = arith.cmpi eq, %arg0, %eq3A_785 : i32
    %convert_element_type3A_787 = arith.extui %eq3A_786 : i1 to i32
    %cond3A_788 = arith.constant 0 : i32
    %cond3A_789 = arith.cmpi ne, %convert_element_type3A_787, %cond3A_788 : i32
    scf.if %cond3A_789 {
      %mul3A_795 = arith.constant 624 : i32
      %mul3A_796 = arith.muli %arg1, %mul3A_795 : i32
      "tpu.region"() ({
        %run_scoped3A = tpu.sem_alloc : memref<!tpu.dma_semaphore, #tpu.memory_space<semaphore_mem>>
        %dma_start3A = arith.constant 0 : i32
        %dma_start3A_802 = tpu.memref_slice %arg4[%mul3A_796, %dma_start3A] : memref<10000x128xf32, #tpu.memory_space<hbm>> -> memref<624x128xf32, #tpu.memory_space<hbm>>
        %dma_start3A_803 = arith.constant 0 : i32
        %dma_start3A_804 = tpu.memref_slice %arg11[%mul3A_796, %dma_start3A_803] : memref<10000x128xf32, #tpu.memory_space<vmem_shared>> -> memref<624x128xf32, #tpu.memory_space<vmem_shared>>
        tpu.enqueue_dma source(%dma_start3A_804 : memref<624x128xf32, #tpu.memory_space<vmem_shared>>) target(%dma_start3A_802 : memref<624x128xf32, #tpu.memory_space<hbm>>) target_semaphore(%run_scoped3A : memref<!tpu.dma_semaphore, #tpu.memory_space<semaphore_mem>>)
        %dma_wait3A = arith.constant 0 : i32
        %dma_wait3A_805 = tpu.memref_slice %arg4[%mul3A_796, %dma_wait3A] : memref<10000x128xf32, #tpu.memory_space<hbm>> -> memref<624x128xf32, #tpu.memory_space<hbm>>
        %dma_wait3A_806 = arith.constant 0 : i32
        %dma_wait3A_807 = tpu.memref_slice %arg11[%mul3A_796, %dma_wait3A_806] : memref<10000x128xf32, #tpu.memory_space<vmem_shared>> -> memref<624x128xf32, #tpu.memory_space<vmem_shared>>
        tpu.wait_dma2 semaphore(%run_scoped3A : memref<!tpu.dma_semaphore, #tpu.memory_space<semaphore_mem>>) src(%dma_wait3A_807 : memref<624x128xf32, #tpu.memory_space<vmem_shared>>) dst(%dma_wait3A_805 : memref<624x128xf32, #tpu.memory_space<hbm>>)
        tpu.yield
      }) : () -> ()
      %eq3A_797 = arith.constant 15 : i32
      %eq3A_798 = arith.cmpi eq, %arg1, %eq3A_797 : i32
      %convert_element_type3A_799 = arith.extui %eq3A_798 : i1 to i32
      %cond3A_800 = arith.constant 0 : i32
      %cond3A_801 = arith.cmpi ne, %convert_element_type3A_799, %cond3A_800 : i32
      scf.if %cond3A_801 {
        "tpu.region"() ({
          %run_scoped3A = tpu.sem_alloc : memref<!tpu.dma_semaphore, #tpu.memory_space<semaphore_mem>>
          %dma_start3A = arith.constant 9984 : i32
          %dma_start3A_802 = arith.constant 0 : i32
          %dma_start3A_803 = tpu.memref_slice %arg4[%dma_start3A, %dma_start3A_802] : memref<10000x128xf32, #tpu.memory_space<hbm>> -> memref<16x128xf32, #tpu.memory_space<hbm>>
          %dma_start3A_804 = arith.constant 9984 : i32
          %dma_start3A_805 = arith.constant 0 : i32
          %dma_start3A_806 = tpu.memref_slice %arg11[%dma_start3A_804, %dma_start3A_805] : memref<10000x128xf32, #tpu.memory_space<vmem_shared>> -> memref<16x128xf32, #tpu.memory_space<vmem_shared>>
          tpu.enqueue_dma source(%dma_start3A_806 : memref<16x128xf32, #tpu.memory_space<vmem_shared>>) target(%dma_start3A_803 : memref<16x128xf32, #tpu.memory_space<hbm>>) target_semaphore(%run_scoped3A : memref<!tpu.dma_semaphore, #tpu.memory_space<semaphore_mem>>)
          %dma_wait3A = arith.constant 9984 : i32
          %dma_wait3A_807 = arith.constant 0 : i32
          %dma_wait3A_808 = tpu.memref_slice %arg4[%dma_wait3A, %dma_wait3A_807] : memref<10000x128xf32, #tpu.memory_space<hbm>> -> memref<16x128xf32, #tpu.memory_space<hbm>>
          %dma_wait3A_809 = arith.constant 9984 : i32
          %dma_wait3A_810 = arith.constant 0 : i32
          %dma_wait3A_811 = tpu.memref_slice %arg11[%dma_wait3A_809, %dma_wait3A_810] : memref<10000x128xf32, #tpu.memory_space<vmem_shared>> -> memref<16x128xf32, #tpu.memory_space<vmem_shared>>
          tpu.wait_dma2 semaphore(%run_scoped3A : memref<!tpu.dma_semaphore, #tpu.memory_space<semaphore_mem>>) src(%dma_wait3A_811 : memref<16x128xf32, #tpu.memory_space<vmem_shared>>) dst(%dma_wait3A_808 : memref<16x128xf32, #tpu.memory_space<hbm>>)
          tpu.yield
        }) : () -> ()
      } else {
      }
    } else {
    }
    %eq3A_790 = arith.constant 1 : i32
    %eq3A_791 = arith.cmpi eq, %arg0, %eq3A_790 : i32
    %convert_element_type3A_792 = arith.extui %eq3A_791 : i1 to i32
    %cond3A_793 = arith.constant 0 : i32
    %cond3A_794 = arith.cmpi ne, %convert_element_type3A_792, %cond3A_793 : i32
    scf.if %cond3A_794 {
      %mul3A_795 = arith.constant 624 : i32
      %mul3A_796 = arith.muli %arg1, %mul3A_795 : i32
      "tpu.region"() ({
        %run_scoped3A = tpu.sem_alloc : memref<!tpu.dma_semaphore, #tpu.memory_space<semaphore_mem>>
        %dma_start3A = arith.constant 0 : i32
        %dma_start3A_802 = tpu.memref_slice %arg5[%mul3A_796, %dma_start3A] : memref<10000x128xf32, #tpu.memory_space<hbm>> -> memref<624x128xf32, #tpu.memory_space<hbm>>
        %dma_start3A_803 = arith.constant 0 : i32
        %dma_start3A_804 = tpu.memref_slice %arg11[%mul3A_796, %dma_start3A_803] : memref<10000x128xf32, #tpu.memory_space<vmem_shared>> -> memref<624x128xf32, #tpu.memory_space<vmem_shared>>
        tpu.enqueue_dma source(%dma_start3A_804 : memref<624x128xf32, #tpu.memory_space<vmem_shared>>) target(%dma_start3A_802 : memref<624x128xf32, #tpu.memory_space<hbm>>) target_semaphore(%run_scoped3A : memref<!tpu.dma_semaphore, #tpu.memory_space<semaphore_mem>>)
        %dma_wait3A = arith.constant 0 : i32
        %dma_wait3A_805 = tpu.memref_slice %arg5[%mul3A_796, %dma_wait3A] : memref<10000x128xf32, #tpu.memory_space<hbm>> -> memref<624x128xf32, #tpu.memory_space<hbm>>
        %dma_wait3A_806 = arith.constant 0 : i32
        %dma_wait3A_807 = tpu.memref_slice %arg11[%mul3A_796, %dma_wait3A_806] : memref<10000x128xf32, #tpu.memory_space<vmem_shared>> -> memref<624x128xf32, #tpu.memory_space<vmem_shared>>
        tpu.wait_dma2 semaphore(%run_scoped3A : memref<!tpu.dma_semaphore, #tpu.memory_space<semaphore_mem>>) src(%dma_wait3A_807 : memref<624x128xf32, #tpu.memory_space<vmem_shared>>) dst(%dma_wait3A_805 : memref<624x128xf32, #tpu.memory_space<hbm>>)
        tpu.yield
      }) : () -> ()
      %eq3A_797 = arith.constant 15 : i32
      %eq3A_798 = arith.cmpi eq, %arg1, %eq3A_797 : i32
      %convert_element_type3A_799 = arith.extui %eq3A_798 : i1 to i32
      %cond3A_800 = arith.constant 0 : i32
      %cond3A_801 = arith.cmpi ne, %convert_element_type3A_799, %cond3A_800 : i32
      scf.if %cond3A_801 {
        "tpu.region"() ({
          %run_scoped3A = tpu.sem_alloc : memref<!tpu.dma_semaphore, #tpu.memory_space<semaphore_mem>>
          %dma_start3A = arith.constant 9984 : i32
          %dma_start3A_802 = arith.constant 0 : i32
          %dma_start3A_803 = tpu.memref_slice %arg5[%dma_start3A, %dma_start3A_802] : memref<10000x128xf32, #tpu.memory_space<hbm>> -> memref<16x128xf32, #tpu.memory_space<hbm>>
          %dma_start3A_804 = arith.constant 9984 : i32
          %dma_start3A_805 = arith.constant 0 : i32
          %dma_start3A_806 = tpu.memref_slice %arg11[%dma_start3A_804, %dma_start3A_805] : memref<10000x128xf32, #tpu.memory_space<vmem_shared>> -> memref<16x128xf32, #tpu.memory_space<vmem_shared>>
          tpu.enqueue_dma source(%dma_start3A_806 : memref<16x128xf32, #tpu.memory_space<vmem_shared>>) target(%dma_start3A_803 : memref<16x128xf32, #tpu.memory_space<hbm>>) target_semaphore(%run_scoped3A : memref<!tpu.dma_semaphore, #tpu.memory_space<semaphore_mem>>)
          %dma_wait3A = arith.constant 9984 : i32
          %dma_wait3A_807 = arith.constant 0 : i32
          %dma_wait3A_808 = tpu.memref_slice %arg5[%dma_wait3A, %dma_wait3A_807] : memref<10000x128xf32, #tpu.memory_space<hbm>> -> memref<16x128xf32, #tpu.memory_space<hbm>>
          %dma_wait3A_809 = arith.constant 9984 : i32
          %dma_wait3A_810 = arith.constant 0 : i32
          %dma_wait3A_811 = tpu.memref_slice %arg11[%dma_wait3A_809, %dma_wait3A_810] : memref<10000x128xf32, #tpu.memory_space<vmem_shared>> -> memref<16x128xf32, #tpu.memory_space<vmem_shared>>
          tpu.wait_dma2 semaphore(%run_scoped3A : memref<!tpu.dma_semaphore, #tpu.memory_space<semaphore_mem>>) src(%dma_wait3A_811 : memref<16x128xf32, #tpu.memory_space<vmem_shared>>) dst(%dma_wait3A_808 : memref<16x128xf32, #tpu.memory_space<hbm>>)
          tpu.yield
        }) : () -> ()
      } else {
      }
    } else {
    }
    return
  }
}

#map = affine_map<(d0, d1) -> (0, 0, 0, 0)>
#map1 = affine_map<(d0, d1) -> (0, 0)>
module attributes {stable_mosaic.version = 14 : i64} {
  func.func @deg_kernel(%arg0: i32, %arg1: i32, %arg2: memref<2x32x80x125xi32, #tpu.memory_space<hbm>>, %arg3: memref<10000x16xf32, #tpu.memory_space<hbm>>, %arg4: memref<10000x16xf32, #tpu.memory_space<hbm>>, %arg5: memref<80x125xi32, #tpu.memory_space<vmem>>, %arg6: memref<125x16xf32, #tpu.memory_space<vmem>>, %arg7: memref<16x16xf32, #tpu.memory_space<vmem>>, %arg8: memref<10000x16xf32, #tpu.memory_space<vmem_shared>>) attributes {dimension_semantics = [#tpu.dimension_semantics<core_parallel>, #tpu.dimension_semantics<subcore_parallel>], iteration_bounds = array<i64: 2, 16>, scalar_prefetch = 0 : i64, scratch_operands = 4 : i64, tpu.core_type = #tpu.core_type<sc_vector_subcore>, window_params = [{transform_indices = #map}, {transform_indices = #map1}, {transform_indices = #map1}]} {
    %mul3A = arith.constant 16 : i32
    %mul3A_0 = arith.muli %arg0, %mul3A : i32
    %add3A = arith.addi %mul3A_0, %arg1 : i32
    %broadcast_in_dim3A = arith.constant 1.000000e+00 : f32
    %broadcast_in_dim3A_1 = vector.broadcast %broadcast_in_dim3A : f32 to vector<16xf32>
    %broadcast_in_dim3A_2 = arith.constant 0.000000e+00 : f32
    %broadcast_in_dim3A_3 = vector.broadcast %broadcast_in_dim3A_2 : f32 to vector<16xf32>
    %swap3A = arith.constant 0 : i32
    %swap3A_4 = arith.index_cast %swap3A : i32 to index
    %swap3A_5 = arith.constant 0 : index
    %swap3A_6 = tpu.vector_load %arg6[%swap3A_4, %swap3A_5] {strides = array<i32>} : memref<125x16xf32, #tpu.memory_space<vmem>>, vector<1x16xf32>,
    %swap3A_7 = vector.shape_cast %swap3A_6 : vector<1x16xf32> to vector<16xf32>
    %swap3A_8 = vector.shape_cast %broadcast_in_dim3A_1 : vector<16xf32> to vector<1x16xf32>
    tpu.vector_store %arg6[%swap3A_4, %swap3A_5], %swap3A_8 {strides = array<i32>} : memref<125x16xf32, #tpu.memory_space<vmem>>, vector<1x16xf32>,
    %swap3A_9 = arith.constant 1 : i32
    %swap3A_10 = arith.index_cast %swap3A_9 : i32 to index
    %swap3A_11 = arith.constant 0 : index
    %swap3A_12 = tpu.vector_load %arg6[%swap3A_10, %swap3A_11] {strides = array<i32>} : memref<125x16xf32, #tpu.memory_space<vmem>>, vector<1x16xf32>,
    %swap3A_13 = vector.shape_cast %swap3A_12 : vector<1x16xf32> to vector<16xf32>
    %swap3A_14 = vector.shape_cast %broadcast_in_dim3A_1 : vector<16xf32> to vector<1x16xf32>
    tpu.vector_store %arg6[%swap3A_10, %swap3A_11], %swap3A_14 {strides = array<i32>} : memref<125x16xf32, #tpu.memory_space<vmem>>, vector<1x16xf32>,
    %swap3A_15 = arith.constant 2 : i32
    %swap3A_16 = arith.index_cast %swap3A_15 : i32 to index
    %swap3A_17 = arith.constant 0 : index
    %swap3A_18 = tpu.vector_load %arg6[%swap3A_16, %swap3A_17] {strides = array<i32>} : memref<125x16xf32, #tpu.memory_space<vmem>>, vector<1x16xf32>,
    %swap3A_19 = vector.shape_cast %swap3A_18 : vector<1x16xf32> to vector<16xf32>
    %swap3A_20 = vector.shape_cast %broadcast_in_dim3A_1 : vector<16xf32> to vector<1x16xf32>
    tpu.vector_store %arg6[%swap3A_16, %swap3A_17], %swap3A_20 {strides = array<i32>} : memref<125x16xf32, #tpu.memory_space<vmem>>, vector<1x16xf32>,
    %swap3A_21 = arith.constant 3 : i32
    %swap3A_22 = arith.index_cast %swap3A_21 : i32 to index
    %swap3A_23 = arith.constant 0 : index
    %swap3A_24 = tpu.vector_load %arg6[%swap3A_22, %swap3A_23] {strides = array<i32>} : memref<125x16xf32, #tpu.memory_space<vmem>>, vector<1x16xf32>,
    %swap3A_25 = vector.shape_cast %swap3A_24 : vector<1x16xf32> to vector<16xf32>
    %swap3A_26 = vector.shape_cast %broadcast_in_dim3A_1 : vector<16xf32> to vector<1x16xf32>
    tpu.vector_store %arg6[%swap3A_22, %swap3A_23], %swap3A_26 {strides = array<i32>} : memref<125x16xf32, #tpu.memory_space<vmem>>, vector<1x16xf32>,
    %swap3A_27 = arith.constant 4 : i32
    %swap3A_28 = arith.index_cast %swap3A_27 : i32 to index
    %swap3A_29 = arith.constant 0 : index
    %swap3A_30 = tpu.vector_load %arg6[%swap3A_28, %swap3A_29] {strides = array<i32>} : memref<125x16xf32, #tpu.memory_space<vmem>>, vector<1x16xf32>,
    %swap3A_31 = vector.shape_cast %swap3A_30 : vector<1x16xf32> to vector<16xf32>
    %swap3A_32 = vector.shape_cast %broadcast_in_dim3A_1 : vector<16xf32> to vector<1x16xf32>
    tpu.vector_store %arg6[%swap3A_28, %swap3A_29], %swap3A_32 {strides = array<i32>} : memref<125x16xf32, #tpu.memory_space<vmem>>, vector<1x16xf32>,
    %swap3A_33 = arith.constant 5 : i32
    %swap3A_34 = arith.index_cast %swap3A_33 : i32 to index
    %swap3A_35 = arith.constant 0 : index
    %swap3A_36 = tpu.vector_load %arg6[%swap3A_34, %swap3A_35] {strides = array<i32>} : memref<125x16xf32, #tpu.memory_space<vmem>>, vector<1x16xf32>,
    %swap3A_37 = vector.shape_cast %swap3A_36 : vector<1x16xf32> to vector<16xf32>
    %swap3A_38 = vector.shape_cast %broadcast_in_dim3A_1 : vector<16xf32> to vector<1x16xf32>
    tpu.vector_store %arg6[%swap3A_34, %swap3A_35], %swap3A_38 {strides = array<i32>} : memref<125x16xf32, #tpu.memory_space<vmem>>, vector<1x16xf32>,
    %swap3A_39 = arith.constant 6 : i32
    %swap3A_40 = arith.index_cast %swap3A_39 : i32 to index
    %swap3A_41 = arith.constant 0 : index
    %swap3A_42 = tpu.vector_load %arg6[%swap3A_40, %swap3A_41] {strides = array<i32>} : memref<125x16xf32, #tpu.memory_space<vmem>>, vector<1x16xf32>,
    %swap3A_43 = vector.shape_cast %swap3A_42 : vector<1x16xf32> to vector<16xf32>
    %swap3A_44 = vector.shape_cast %broadcast_in_dim3A_1 : vector<16xf32> to vector<1x16xf32>
    tpu.vector_store %arg6[%swap3A_40, %swap3A_41], %swap3A_44 {strides = array<i32>} : memref<125x16xf32, #tpu.memory_space<vmem>>, vector<1x16xf32>,
    %swap3A_45 = arith.constant 7 : i32
    %swap3A_46 = arith.index_cast %swap3A_45 : i32 to index
    %swap3A_47 = arith.constant 0 : index
    %swap3A_48 = tpu.vector_load %arg6[%swap3A_46, %swap3A_47] {strides = array<i32>} : memref<125x16xf32, #tpu.memory_space<vmem>>, vector<1x16xf32>,
    %swap3A_49 = vector.shape_cast %swap3A_48 : vector<1x16xf32> to vector<16xf32>
    %swap3A_50 = vector.shape_cast %broadcast_in_dim3A_1 : vector<16xf32> to vector<1x16xf32>
    tpu.vector_store %arg6[%swap3A_46, %swap3A_47], %swap3A_50 {strides = array<i32>} : memref<125x16xf32, #tpu.memory_space<vmem>>, vector<1x16xf32>,
    %swap3A_51 = arith.constant 8 : i32
    %swap3A_52 = arith.index_cast %swap3A_51 : i32 to index
    %swap3A_53 = arith.constant 0 : index
    %swap3A_54 = tpu.vector_load %arg6[%swap3A_52, %swap3A_53] {strides = array<i32>} : memref<125x16xf32, #tpu.memory_space<vmem>>, vector<1x16xf32>,
    %swap3A_55 = vector.shape_cast %swap3A_54 : vector<1x16xf32> to vector<16xf32>
    %swap3A_56 = vector.shape_cast %broadcast_in_dim3A_1 : vector<16xf32> to vector<1x16xf32>
    tpu.vector_store %arg6[%swap3A_52, %swap3A_53], %swap3A_56 {strides = array<i32>} : memref<125x16xf32, #tpu.memory_space<vmem>>, vector<1x16xf32>,
    %swap3A_57 = arith.constant 9 : i32
    %swap3A_58 = arith.index_cast %swap3A_57 : i32 to index
    %swap3A_59 = arith.constant 0 : index
    %swap3A_60 = tpu.vector_load %arg6[%swap3A_58, %swap3A_59] {strides = array<i32>} : memref<125x16xf32, #tpu.memory_space<vmem>>, vector<1x16xf32>,
    %swap3A_61 = vector.shape_cast %swap3A_60 : vector<1x16xf32> to vector<16xf32>
    %swap3A_62 = vector.shape_cast %broadcast_in_dim3A_1 : vector<16xf32> to vector<1x16xf32>
    tpu.vector_store %arg6[%swap3A_58, %swap3A_59], %swap3A_62 {strides = array<i32>} : memref<125x16xf32, #tpu.memory_space<vmem>>, vector<1x16xf32>,
    %swap3A_63 = arith.constant 10 : i32
    %swap3A_64 = arith.index_cast %swap3A_63 : i32 to index
    %swap3A_65 = arith.constant 0 : index
    %swap3A_66 = tpu.vector_load %arg6[%swap3A_64, %swap3A_65] {strides = array<i32>} : memref<125x16xf32, #tpu.memory_space<vmem>>, vector<1x16xf32>,
    %swap3A_67 = vector.shape_cast %swap3A_66 : vector<1x16xf32> to vector<16xf32>
    %swap3A_68 = vector.shape_cast %broadcast_in_dim3A_1 : vector<16xf32> to vector<1x16xf32>
    tpu.vector_store %arg6[%swap3A_64, %swap3A_65], %swap3A_68 {strides = array<i32>} : memref<125x16xf32, #tpu.memory_space<vmem>>, vector<1x16xf32>,
    %swap3A_69 = arith.constant 11 : i32
    %swap3A_70 = arith.index_cast %swap3A_69 : i32 to index
    %swap3A_71 = arith.constant 0 : index
    %swap3A_72 = tpu.vector_load %arg6[%swap3A_70, %swap3A_71] {strides = array<i32>} : memref<125x16xf32, #tpu.memory_space<vmem>>, vector<1x16xf32>,
    %swap3A_73 = vector.shape_cast %swap3A_72 : vector<1x16xf32> to vector<16xf32>
    %swap3A_74 = vector.shape_cast %broadcast_in_dim3A_1 : vector<16xf32> to vector<1x16xf32>
    tpu.vector_store %arg6[%swap3A_70, %swap3A_71], %swap3A_74 {strides = array<i32>} : memref<125x16xf32, #tpu.memory_space<vmem>>, vector<1x16xf32>,
    %swap3A_75 = arith.constant 12 : i32
    %swap3A_76 = arith.index_cast %swap3A_75 : i32 to index
    %swap3A_77 = arith.constant 0 : index
    %swap3A_78 = tpu.vector_load %arg6[%swap3A_76, %swap3A_77] {strides = array<i32>} : memref<125x16xf32, #tpu.memory_space<vmem>>, vector<1x16xf32>,
    %swap3A_79 = vector.shape_cast %swap3A_78 : vector<1x16xf32> to vector<16xf32>
    %swap3A_80 = vector.shape_cast %broadcast_in_dim3A_1 : vector<16xf32> to vector<1x16xf32>
    tpu.vector_store %arg6[%swap3A_76, %swap3A_77], %swap3A_80 {strides = array<i32>} : memref<125x16xf32, #tpu.memory_space<vmem>>, vector<1x16xf32>,
    %swap3A_81 = arith.constant 13 : i32
    %swap3A_82 = arith.index_cast %swap3A_81 : i32 to index
    %swap3A_83 = arith.constant 0 : index
    %swap3A_84 = tpu.vector_load %arg6[%swap3A_82, %swap3A_83] {strides = array<i32>} : memref<125x16xf32, #tpu.memory_space<vmem>>, vector<1x16xf32>,
    %swap3A_85 = vector.shape_cast %swap3A_84 : vector<1x16xf32> to vector<16xf32>
    %swap3A_86 = vector.shape_cast %broadcast_in_dim3A_1 : vector<16xf32> to vector<1x16xf32>
    tpu.vector_store %arg6[%swap3A_82, %swap3A_83], %swap3A_86 {strides = array<i32>} : memref<125x16xf32, #tpu.memory_space<vmem>>, vector<1x16xf32>,
    %swap3A_87 = arith.constant 14 : i32
    %swap3A_88 = arith.index_cast %swap3A_87 : i32 to index
    %swap3A_89 = arith.constant 0 : index
    %swap3A_90 = tpu.vector_load %arg6[%swap3A_88, %swap3A_89] {strides = array<i32>} : memref<125x16xf32, #tpu.memory_space<vmem>>, vector<1x16xf32>,
    %swap3A_91 = vector.shape_cast %swap3A_90 : vector<1x16xf32> to vector<16xf32>
    %swap3A_92 = vector.shape_cast %broadcast_in_dim3A_1 : vector<16xf32> to vector<1x16xf32>
    tpu.vector_store %arg6[%swap3A_88, %swap3A_89], %swap3A_92 {strides = array<i32>} : memref<125x16xf32, #tpu.memory_space<vmem>>, vector<1x16xf32>,
    %swap3A_93 = arith.constant 15 : i32
    %swap3A_94 = arith.index_cast %swap3A_93 : i32 to index
    %swap3A_95 = arith.constant 0 : index
    %swap3A_96 = tpu.vector_load %arg6[%swap3A_94, %swap3A_95] {strides = array<i32>} : memref<125x16xf32, #tpu.memory_space<vmem>>, vector<1x16xf32>,
    %swap3A_97 = vector.shape_cast %swap3A_96 : vector<1x16xf32> to vector<16xf32>
    %swap3A_98 = vector.shape_cast %broadcast_in_dim3A_1 : vector<16xf32> to vector<1x16xf32>
    tpu.vector_store %arg6[%swap3A_94, %swap3A_95], %swap3A_98 {strides = array<i32>} : memref<125x16xf32, #tpu.memory_space<vmem>>, vector<1x16xf32>,
    %swap3A_99 = arith.constant 16 : i32
    %swap3A_100 = arith.index_cast %swap3A_99 : i32 to index
    %swap3A_101 = arith.constant 0 : index
    %swap3A_102 = tpu.vector_load %arg6[%swap3A_100, %swap3A_101] {strides = array<i32>} : memref<125x16xf32, #tpu.memory_space<vmem>>, vector<1x16xf32>,
    %swap3A_103 = vector.shape_cast %swap3A_102 : vector<1x16xf32> to vector<16xf32>
    %swap3A_104 = vector.shape_cast %broadcast_in_dim3A_1 : vector<16xf32> to vector<1x16xf32>
    tpu.vector_store %arg6[%swap3A_100, %swap3A_101], %swap3A_104 {strides = array<i32>} : memref<125x16xf32, #tpu.memory_space<vmem>>, vector<1x16xf32>,
    %swap3A_105 = arith.constant 17 : i32
    %swap3A_106 = arith.index_cast %swap3A_105 : i32 to index
    %swap3A_107 = arith.constant 0 : index
    %swap3A_108 = tpu.vector_load %arg6[%swap3A_106, %swap3A_107] {strides = array<i32>} : memref<125x16xf32, #tpu.memory_space<vmem>>, vector<1x16xf32>,
    %swap3A_109 = vector.shape_cast %swap3A_108 : vector<1x16xf32> to vector<16xf32>
    %swap3A_110 = vector.shape_cast %broadcast_in_dim3A_1 : vector<16xf32> to vector<1x16xf32>
    tpu.vector_store %arg6[%swap3A_106, %swap3A_107], %swap3A_110 {strides = array<i32>} : memref<125x16xf32, #tpu.memory_space<vmem>>, vector<1x16xf32>,
    %swap3A_111 = arith.constant 18 : i32
    %swap3A_112 = arith.index_cast %swap3A_111 : i32 to index
    %swap3A_113 = arith.constant 0 : index
    %swap3A_114 = tpu.vector_load %arg6[%swap3A_112, %swap3A_113] {strides = array<i32>} : memref<125x16xf32, #tpu.memory_space<vmem>>, vector<1x16xf32>,
    %swap3A_115 = vector.shape_cast %swap3A_114 : vector<1x16xf32> to vector<16xf32>
    %swap3A_116 = vector.shape_cast %broadcast_in_dim3A_1 : vector<16xf32> to vector<1x16xf32>
    tpu.vector_store %arg6[%swap3A_112, %swap3A_113], %swap3A_116 {strides = array<i32>} : memref<125x16xf32, #tpu.memory_space<vmem>>, vector<1x16xf32>,
    %swap3A_117 = arith.constant 19 : i32
    %swap3A_118 = arith.index_cast %swap3A_117 : i32 to index
    %swap3A_119 = arith.constant 0 : index
    %swap3A_120 = tpu.vector_load %arg6[%swap3A_118, %swap3A_119] {strides = array<i32>} : memref<125x16xf32, #tpu.memory_space<vmem>>, vector<1x16xf32>,
    %swap3A_121 = vector.shape_cast %swap3A_120 : vector<1x16xf32> to vector<16xf32>
    %swap3A_122 = vector.shape_cast %broadcast_in_dim3A_1 : vector<16xf32> to vector<1x16xf32>
    tpu.vector_store %arg6[%swap3A_118, %swap3A_119], %swap3A_122 {strides = array<i32>} : memref<125x16xf32, #tpu.memory_space<vmem>>, vector<1x16xf32>,
    %swap3A_123 = arith.constant 20 : i32
    %swap3A_124 = arith.index_cast %swap3A_123 : i32 to index
    %swap3A_125 = arith.constant 0 : index
    %swap3A_126 = tpu.vector_load %arg6[%swap3A_124, %swap3A_125] {strides = array<i32>} : memref<125x16xf32, #tpu.memory_space<vmem>>, vector<1x16xf32>,
    %swap3A_127 = vector.shape_cast %swap3A_126 : vector<1x16xf32> to vector<16xf32>
    %swap3A_128 = vector.shape_cast %broadcast_in_dim3A_1 : vector<16xf32> to vector<1x16xf32>
    tpu.vector_store %arg6[%swap3A_124, %swap3A_125], %swap3A_128 {strides = array<i32>} : memref<125x16xf32, #tpu.memory_space<vmem>>, vector<1x16xf32>,
    %swap3A_129 = arith.constant 21 : i32
    %swap3A_130 = arith.index_cast %swap3A_129 : i32 to index
    %swap3A_131 = arith.constant 0 : index
    %swap3A_132 = tpu.vector_load %arg6[%swap3A_130, %swap3A_131] {strides = array<i32>} : memref<125x16xf32, #tpu.memory_space<vmem>>, vector<1x16xf32>,
    %swap3A_133 = vector.shape_cast %swap3A_132 : vector<1x16xf32> to vector<16xf32>
    %swap3A_134 = vector.shape_cast %broadcast_in_dim3A_1 : vector<16xf32> to vector<1x16xf32>
    tpu.vector_store %arg6[%swap3A_130, %swap3A_131], %swap3A_134 {strides = array<i32>} : memref<125x16xf32, #tpu.memory_space<vmem>>, vector<1x16xf32>,
    %swap3A_135 = arith.constant 22 : i32
    %swap3A_136 = arith.index_cast %swap3A_135 : i32 to index
    %swap3A_137 = arith.constant 0 : index
    %swap3A_138 = tpu.vector_load %arg6[%swap3A_136, %swap3A_137] {strides = array<i32>} : memref<125x16xf32, #tpu.memory_space<vmem>>, vector<1x16xf32>,
    %swap3A_139 = vector.shape_cast %swap3A_138 : vector<1x16xf32> to vector<16xf32>
    %swap3A_140 = vector.shape_cast %broadcast_in_dim3A_1 : vector<16xf32> to vector<1x16xf32>
    tpu.vector_store %arg6[%swap3A_136, %swap3A_137], %swap3A_140 {strides = array<i32>} : memref<125x16xf32, #tpu.memory_space<vmem>>, vector<1x16xf32>,
    %swap3A_141 = arith.constant 23 : i32
    %swap3A_142 = arith.index_cast %swap3A_141 : i32 to index
    %swap3A_143 = arith.constant 0 : index
    %swap3A_144 = tpu.vector_load %arg6[%swap3A_142, %swap3A_143] {strides = array<i32>} : memref<125x16xf32, #tpu.memory_space<vmem>>, vector<1x16xf32>,
    %swap3A_145 = vector.shape_cast %swap3A_144 : vector<1x16xf32> to vector<16xf32>
    %swap3A_146 = vector.shape_cast %broadcast_in_dim3A_1 : vector<16xf32> to vector<1x16xf32>
    tpu.vector_store %arg6[%swap3A_142, %swap3A_143], %swap3A_146 {strides = array<i32>} : memref<125x16xf32, #tpu.memory_space<vmem>>, vector<1x16xf32>,
    %swap3A_147 = arith.constant 24 : i32
    %swap3A_148 = arith.index_cast %swap3A_147 : i32 to index
    %swap3A_149 = arith.constant 0 : index
    %swap3A_150 = tpu.vector_load %arg6[%swap3A_148, %swap3A_149] {strides = array<i32>} : memref<125x16xf32, #tpu.memory_space<vmem>>, vector<1x16xf32>,
    %swap3A_151 = vector.shape_cast %swap3A_150 : vector<1x16xf32> to vector<16xf32>
    %swap3A_152 = vector.shape_cast %broadcast_in_dim3A_1 : vector<16xf32> to vector<1x16xf32>
    tpu.vector_store %arg6[%swap3A_148, %swap3A_149], %swap3A_152 {strides = array<i32>} : memref<125x16xf32, #tpu.memory_space<vmem>>, vector<1x16xf32>,
    %swap3A_153 = arith.constant 25 : i32
    %swap3A_154 = arith.index_cast %swap3A_153 : i32 to index
    %swap3A_155 = arith.constant 0 : index
    %swap3A_156 = tpu.vector_load %arg6[%swap3A_154, %swap3A_155] {strides = array<i32>} : memref<125x16xf32, #tpu.memory_space<vmem>>, vector<1x16xf32>,
    %swap3A_157 = vector.shape_cast %swap3A_156 : vector<1x16xf32> to vector<16xf32>
    %swap3A_158 = vector.shape_cast %broadcast_in_dim3A_1 : vector<16xf32> to vector<1x16xf32>
    tpu.vector_store %arg6[%swap3A_154, %swap3A_155], %swap3A_158 {strides = array<i32>} : memref<125x16xf32, #tpu.memory_space<vmem>>, vector<1x16xf32>,
    %swap3A_159 = arith.constant 26 : i32
    %swap3A_160 = arith.index_cast %swap3A_159 : i32 to index
    %swap3A_161 = arith.constant 0 : index
    %swap3A_162 = tpu.vector_load %arg6[%swap3A_160, %swap3A_161] {strides = array<i32>} : memref<125x16xf32, #tpu.memory_space<vmem>>, vector<1x16xf32>,
    %swap3A_163 = vector.shape_cast %swap3A_162 : vector<1x16xf32> to vector<16xf32>
    %swap3A_164 = vector.shape_cast %broadcast_in_dim3A_1 : vector<16xf32> to vector<1x16xf32>
    tpu.vector_store %arg6[%swap3A_160, %swap3A_161], %swap3A_164 {strides = array<i32>} : memref<125x16xf32, #tpu.memory_space<vmem>>, vector<1x16xf32>,
    %swap3A_165 = arith.constant 27 : i32
    %swap3A_166 = arith.index_cast %swap3A_165 : i32 to index
    %swap3A_167 = arith.constant 0 : index
    %swap3A_168 = tpu.vector_load %arg6[%swap3A_166, %swap3A_167] {strides = array<i32>} : memref<125x16xf32, #tpu.memory_space<vmem>>, vector<1x16xf32>,
    %swap3A_169 = vector.shape_cast %swap3A_168 : vector<1x16xf32> to vector<16xf32>
    %swap3A_170 = vector.shape_cast %broadcast_in_dim3A_1 : vector<16xf32> to vector<1x16xf32>
    tpu.vector_store %arg6[%swap3A_166, %swap3A_167], %swap3A_170 {strides = array<i32>} : memref<125x16xf32, #tpu.memory_space<vmem>>, vector<1x16xf32>,
    %swap3A_171 = arith.constant 28 : i32
    %swap3A_172 = arith.index_cast %swap3A_171 : i32 to index
    %swap3A_173 = arith.constant 0 : index
    %swap3A_174 = tpu.vector_load %arg6[%swap3A_172, %swap3A_173] {strides = array<i32>} : memref<125x16xf32, #tpu.memory_space<vmem>>, vector<1x16xf32>,
    %swap3A_175 = vector.shape_cast %swap3A_174 : vector<1x16xf32> to vector<16xf32>
    %swap3A_176 = vector.shape_cast %broadcast_in_dim3A_1 : vector<16xf32> to vector<1x16xf32>
    tpu.vector_store %arg6[%swap3A_172, %swap3A_173], %swap3A_176 {strides = array<i32>} : memref<125x16xf32, #tpu.memory_space<vmem>>, vector<1x16xf32>,
    %swap3A_177 = arith.constant 29 : i32
    %swap3A_178 = arith.index_cast %swap3A_177 : i32 to index
    %swap3A_179 = arith.constant 0 : index
    %swap3A_180 = tpu.vector_load %arg6[%swap3A_178, %swap3A_179] {strides = array<i32>} : memref<125x16xf32, #tpu.memory_space<vmem>>, vector<1x16xf32>,
    %swap3A_181 = vector.shape_cast %swap3A_180 : vector<1x16xf32> to vector<16xf32>
    %swap3A_182 = vector.shape_cast %broadcast_in_dim3A_1 : vector<16xf32> to vector<1x16xf32>
    tpu.vector_store %arg6[%swap3A_178, %swap3A_179], %swap3A_182 {strides = array<i32>} : memref<125x16xf32, #tpu.memory_space<vmem>>, vector<1x16xf32>,
    %swap3A_183 = arith.constant 30 : i32
    %swap3A_184 = arith.index_cast %swap3A_183 : i32 to index
    %swap3A_185 = arith.constant 0 : index
    %swap3A_186 = tpu.vector_load %arg6[%swap3A_184, %swap3A_185] {strides = array<i32>} : memref<125x16xf32, #tpu.memory_space<vmem>>, vector<1x16xf32>,
    %swap3A_187 = vector.shape_cast %swap3A_186 : vector<1x16xf32> to vector<16xf32>
    %swap3A_188 = vector.shape_cast %broadcast_in_dim3A_1 : vector<16xf32> to vector<1x16xf32>
    tpu.vector_store %arg6[%swap3A_184, %swap3A_185], %swap3A_188 {strides = array<i32>} : memref<125x16xf32, #tpu.memory_space<vmem>>, vector<1x16xf32>,
    %swap3A_189 = arith.constant 31 : i32
    %swap3A_190 = arith.index_cast %swap3A_189 : i32 to index
    %swap3A_191 = arith.constant 0 : index
    %swap3A_192 = tpu.vector_load %arg6[%swap3A_190, %swap3A_191] {strides = array<i32>} : memref<125x16xf32, #tpu.memory_space<vmem>>, vector<1x16xf32>,
    %swap3A_193 = vector.shape_cast %swap3A_192 : vector<1x16xf32> to vector<16xf32>
    %swap3A_194 = vector.shape_cast %broadcast_in_dim3A_1 : vector<16xf32> to vector<1x16xf32>
    tpu.vector_store %arg6[%swap3A_190, %swap3A_191], %swap3A_194 {strides = array<i32>} : memref<125x16xf32, #tpu.memory_space<vmem>>, vector<1x16xf32>,
    %swap3A_195 = arith.constant 32 : i32
    %swap3A_196 = arith.index_cast %swap3A_195 : i32 to index
    %swap3A_197 = arith.constant 0 : index
    %swap3A_198 = tpu.vector_load %arg6[%swap3A_196, %swap3A_197] {strides = array<i32>} : memref<125x16xf32, #tpu.memory_space<vmem>>, vector<1x16xf32>,
    %swap3A_199 = vector.shape_cast %swap3A_198 : vector<1x16xf32> to vector<16xf32>
    %swap3A_200 = vector.shape_cast %broadcast_in_dim3A_1 : vector<16xf32> to vector<1x16xf32>
    tpu.vector_store %arg6[%swap3A_196, %swap3A_197], %swap3A_200 {strides = array<i32>} : memref<125x16xf32, #tpu.memory_space<vmem>>, vector<1x16xf32>,
    %swap3A_201 = arith.constant 33 : i32
    %swap3A_202 = arith.index_cast %swap3A_201 : i32 to index
    %swap3A_203 = arith.constant 0 : index
    %swap3A_204 = tpu.vector_load %arg6[%swap3A_202, %swap3A_203] {strides = array<i32>} : memref<125x16xf32, #tpu.memory_space<vmem>>, vector<1x16xf32>,
    %swap3A_205 = vector.shape_cast %swap3A_204 : vector<1x16xf32> to vector<16xf32>
    %swap3A_206 = vector.shape_cast %broadcast_in_dim3A_1 : vector<16xf32> to vector<1x16xf32>
    tpu.vector_store %arg6[%swap3A_202, %swap3A_203], %swap3A_206 {strides = array<i32>} : memref<125x16xf32, #tpu.memory_space<vmem>>, vector<1x16xf32>,
    %swap3A_207 = arith.constant 34 : i32
    %swap3A_208 = arith.index_cast %swap3A_207 : i32 to index
    %swap3A_209 = arith.constant 0 : index
    %swap3A_210 = tpu.vector_load %arg6[%swap3A_208, %swap3A_209] {strides = array<i32>} : memref<125x16xf32, #tpu.memory_space<vmem>>, vector<1x16xf32>,
    %swap3A_211 = vector.shape_cast %swap3A_210 : vector<1x16xf32> to vector<16xf32>
    %swap3A_212 = vector.shape_cast %broadcast_in_dim3A_1 : vector<16xf32> to vector<1x16xf32>
    tpu.vector_store %arg6[%swap3A_208, %swap3A_209], %swap3A_212 {strides = array<i32>} : memref<125x16xf32, #tpu.memory_space<vmem>>, vector<1x16xf32>,
    %swap3A_213 = arith.constant 35 : i32
    %swap3A_214 = arith.index_cast %swap3A_213 : i32 to index
    %swap3A_215 = arith.constant 0 : index
    %swap3A_216 = tpu.vector_load %arg6[%swap3A_214, %swap3A_215] {strides = array<i32>} : memref<125x16xf32, #tpu.memory_space<vmem>>, vector<1x16xf32>,
    %swap3A_217 = vector.shape_cast %swap3A_216 : vector<1x16xf32> to vector<16xf32>
    %swap3A_218 = vector.shape_cast %broadcast_in_dim3A_1 : vector<16xf32> to vector<1x16xf32>
    tpu.vector_store %arg6[%swap3A_214, %swap3A_215], %swap3A_218 {strides = array<i32>} : memref<125x16xf32, #tpu.memory_space<vmem>>, vector<1x16xf32>,
    %swap3A_219 = arith.constant 36 : i32
    %swap3A_220 = arith.index_cast %swap3A_219 : i32 to index
    %swap3A_221 = arith.constant 0 : index
    %swap3A_222 = tpu.vector_load %arg6[%swap3A_220, %swap3A_221] {strides = array<i32>} : memref<125x16xf32, #tpu.memory_space<vmem>>, vector<1x16xf32>,
    %swap3A_223 = vector.shape_cast %swap3A_222 : vector<1x16xf32> to vector<16xf32>
    %swap3A_224 = vector.shape_cast %broadcast_in_dim3A_1 : vector<16xf32> to vector<1x16xf32>
    tpu.vector_store %arg6[%swap3A_220, %swap3A_221], %swap3A_224 {strides = array<i32>} : memref<125x16xf32, #tpu.memory_space<vmem>>, vector<1x16xf32>,
    %swap3A_225 = arith.constant 37 : i32
    %swap3A_226 = arith.index_cast %swap3A_225 : i32 to index
    %swap3A_227 = arith.constant 0 : index
    %swap3A_228 = tpu.vector_load %arg6[%swap3A_226, %swap3A_227] {strides = array<i32>} : memref<125x16xf32, #tpu.memory_space<vmem>>, vector<1x16xf32>,
    %swap3A_229 = vector.shape_cast %swap3A_228 : vector<1x16xf32> to vector<16xf32>
    %swap3A_230 = vector.shape_cast %broadcast_in_dim3A_1 : vector<16xf32> to vector<1x16xf32>
    tpu.vector_store %arg6[%swap3A_226, %swap3A_227], %swap3A_230 {strides = array<i32>} : memref<125x16xf32, #tpu.memory_space<vmem>>, vector<1x16xf32>,
    %swap3A_231 = arith.constant 38 : i32
    %swap3A_232 = arith.index_cast %swap3A_231 : i32 to index
    %swap3A_233 = arith.constant 0 : index
    %swap3A_234 = tpu.vector_load %arg6[%swap3A_232, %swap3A_233] {strides = array<i32>} : memref<125x16xf32, #tpu.memory_space<vmem>>, vector<1x16xf32>,
    %swap3A_235 = vector.shape_cast %swap3A_234 : vector<1x16xf32> to vector<16xf32>
    %swap3A_236 = vector.shape_cast %broadcast_in_dim3A_1 : vector<16xf32> to vector<1x16xf32>
    tpu.vector_store %arg6[%swap3A_232, %swap3A_233], %swap3A_236 {strides = array<i32>} : memref<125x16xf32, #tpu.memory_space<vmem>>, vector<1x16xf32>,
    %swap3A_237 = arith.constant 39 : i32
    %swap3A_238 = arith.index_cast %swap3A_237 : i32 to index
    %swap3A_239 = arith.constant 0 : index
    %swap3A_240 = tpu.vector_load %arg6[%swap3A_238, %swap3A_239] {strides = array<i32>} : memref<125x16xf32, #tpu.memory_space<vmem>>, vector<1x16xf32>,
    %swap3A_241 = vector.shape_cast %swap3A_240 : vector<1x16xf32> to vector<16xf32>
    %swap3A_242 = vector.shape_cast %broadcast_in_dim3A_1 : vector<16xf32> to vector<1x16xf32>
    tpu.vector_store %arg6[%swap3A_238, %swap3A_239], %swap3A_242 {strides = array<i32>} : memref<125x16xf32, #tpu.memory_space<vmem>>, vector<1x16xf32>,
    %swap3A_243 = arith.constant 40 : i32
    %swap3A_244 = arith.index_cast %swap3A_243 : i32 to index
    %swap3A_245 = arith.constant 0 : index
    %swap3A_246 = tpu.vector_load %arg6[%swap3A_244, %swap3A_245] {strides = array<i32>} : memref<125x16xf32, #tpu.memory_space<vmem>>, vector<1x16xf32>,
    %swap3A_247 = vector.shape_cast %swap3A_246 : vector<1x16xf32> to vector<16xf32>
    %swap3A_248 = vector.shape_cast %broadcast_in_dim3A_1 : vector<16xf32> to vector<1x16xf32>
    tpu.vector_store %arg6[%swap3A_244, %swap3A_245], %swap3A_248 {strides = array<i32>} : memref<125x16xf32, #tpu.memory_space<vmem>>, vector<1x16xf32>,
    %swap3A_249 = arith.constant 41 : i32
    %swap3A_250 = arith.index_cast %swap3A_249 : i32 to index
    %swap3A_251 = arith.constant 0 : index
    %swap3A_252 = tpu.vector_load %arg6[%swap3A_250, %swap3A_251] {strides = array<i32>} : memref<125x16xf32, #tpu.memory_space<vmem>>, vector<1x16xf32>,
    %swap3A_253 = vector.shape_cast %swap3A_252 : vector<1x16xf32> to vector<16xf32>
    %swap3A_254 = vector.shape_cast %broadcast_in_dim3A_1 : vector<16xf32> to vector<1x16xf32>
    tpu.vector_store %arg6[%swap3A_250, %swap3A_251], %swap3A_254 {strides = array<i32>} : memref<125x16xf32, #tpu.memory_space<vmem>>, vector<1x16xf32>,
    %swap3A_255 = arith.constant 42 : i32
    %swap3A_256 = arith.index_cast %swap3A_255 : i32 to index
    %swap3A_257 = arith.constant 0 : index
    %swap3A_258 = tpu.vector_load %arg6[%swap3A_256, %swap3A_257] {strides = array<i32>} : memref<125x16xf32, #tpu.memory_space<vmem>>, vector<1x16xf32>,
    %swap3A_259 = vector.shape_cast %swap3A_258 : vector<1x16xf32> to vector<16xf32>
    %swap3A_260 = vector.shape_cast %broadcast_in_dim3A_1 : vector<16xf32> to vector<1x16xf32>
    tpu.vector_store %arg6[%swap3A_256, %swap3A_257], %swap3A_260 {strides = array<i32>} : memref<125x16xf32, #tpu.memory_space<vmem>>, vector<1x16xf32>,
    %swap3A_261 = arith.constant 43 : i32
    %swap3A_262 = arith.index_cast %swap3A_261 : i32 to index
    %swap3A_263 = arith.constant 0 : index
    %swap3A_264 = tpu.vector_load %arg6[%swap3A_262, %swap3A_263] {strides = array<i32>} : memref<125x16xf32, #tpu.memory_space<vmem>>, vector<1x16xf32>,
    %swap3A_265 = vector.shape_cast %swap3A_264 : vector<1x16xf32> to vector<16xf32>
    %swap3A_266 = vector.shape_cast %broadcast_in_dim3A_1 : vector<16xf32> to vector<1x16xf32>
    tpu.vector_store %arg6[%swap3A_262, %swap3A_263], %swap3A_266 {strides = array<i32>} : memref<125x16xf32, #tpu.memory_space<vmem>>, vector<1x16xf32>,
    %swap3A_267 = arith.constant 44 : i32
    %swap3A_268 = arith.index_cast %swap3A_267 : i32 to index
    %swap3A_269 = arith.constant 0 : index
    %swap3A_270 = tpu.vector_load %arg6[%swap3A_268, %swap3A_269] {strides = array<i32>} : memref<125x16xf32, #tpu.memory_space<vmem>>, vector<1x16xf32>,
    %swap3A_271 = vector.shape_cast %swap3A_270 : vector<1x16xf32> to vector<16xf32>
    %swap3A_272 = vector.shape_cast %broadcast_in_dim3A_1 : vector<16xf32> to vector<1x16xf32>
    tpu.vector_store %arg6[%swap3A_268, %swap3A_269], %swap3A_272 {strides = array<i32>} : memref<125x16xf32, #tpu.memory_space<vmem>>, vector<1x16xf32>,
    %swap3A_273 = arith.constant 45 : i32
    %swap3A_274 = arith.index_cast %swap3A_273 : i32 to index
    %swap3A_275 = arith.constant 0 : index
    %swap3A_276 = tpu.vector_load %arg6[%swap3A_274, %swap3A_275] {strides = array<i32>} : memref<125x16xf32, #tpu.memory_space<vmem>>, vector<1x16xf32>,
    %swap3A_277 = vector.shape_cast %swap3A_276 : vector<1x16xf32> to vector<16xf32>
    %swap3A_278 = vector.shape_cast %broadcast_in_dim3A_1 : vector<16xf32> to vector<1x16xf32>
    tpu.vector_store %arg6[%swap3A_274, %swap3A_275], %swap3A_278 {strides = array<i32>} : memref<125x16xf32, #tpu.memory_space<vmem>>, vector<1x16xf32>,
    %swap3A_279 = arith.constant 46 : i32
    %swap3A_280 = arith.index_cast %swap3A_279 : i32 to index
    %swap3A_281 = arith.constant 0 : index
    %swap3A_282 = tpu.vector_load %arg6[%swap3A_280, %swap3A_281] {strides = array<i32>} : memref<125x16xf32, #tpu.memory_space<vmem>>, vector<1x16xf32>,
    %swap3A_283 = vector.shape_cast %swap3A_282 : vector<1x16xf32> to vector<16xf32>
    %swap3A_284 = vector.shape_cast %broadcast_in_dim3A_1 : vector<16xf32> to vector<1x16xf32>
    tpu.vector_store %arg6[%swap3A_280, %swap3A_281], %swap3A_284 {strides = array<i32>} : memref<125x16xf32, #tpu.memory_space<vmem>>, vector<1x16xf32>,
    %swap3A_285 = arith.constant 47 : i32
    %swap3A_286 = arith.index_cast %swap3A_285 : i32 to index
    %swap3A_287 = arith.constant 0 : index
    %swap3A_288 = tpu.vector_load %arg6[%swap3A_286, %swap3A_287] {strides = array<i32>} : memref<125x16xf32, #tpu.memory_space<vmem>>, vector<1x16xf32>,
    %swap3A_289 = vector.shape_cast %swap3A_288 : vector<1x16xf32> to vector<16xf32>
    %swap3A_290 = vector.shape_cast %broadcast_in_dim3A_1 : vector<16xf32> to vector<1x16xf32>
    tpu.vector_store %arg6[%swap3A_286, %swap3A_287], %swap3A_290 {strides = array<i32>} : memref<125x16xf32, #tpu.memory_space<vmem>>, vector<1x16xf32>,
    %swap3A_291 = arith.constant 48 : i32
    %swap3A_292 = arith.index_cast %swap3A_291 : i32 to index
    %swap3A_293 = arith.constant 0 : index
    %swap3A_294 = tpu.vector_load %arg6[%swap3A_292, %swap3A_293] {strides = array<i32>} : memref<125x16xf32, #tpu.memory_space<vmem>>, vector<1x16xf32>,
    %swap3A_295 = vector.shape_cast %swap3A_294 : vector<1x16xf32> to vector<16xf32>
    %swap3A_296 = vector.shape_cast %broadcast_in_dim3A_1 : vector<16xf32> to vector<1x16xf32>
    tpu.vector_store %arg6[%swap3A_292, %swap3A_293], %swap3A_296 {strides = array<i32>} : memref<125x16xf32, #tpu.memory_space<vmem>>, vector<1x16xf32>,
    %swap3A_297 = arith.constant 49 : i32
    %swap3A_298 = arith.index_cast %swap3A_297 : i32 to index
    %swap3A_299 = arith.constant 0 : index
    %swap3A_300 = tpu.vector_load %arg6[%swap3A_298, %swap3A_299] {strides = array<i32>} : memref<125x16xf32, #tpu.memory_space<vmem>>, vector<1x16xf32>,
    %swap3A_301 = vector.shape_cast %swap3A_300 : vector<1x16xf32> to vector<16xf32>
    %swap3A_302 = vector.shape_cast %broadcast_in_dim3A_1 : vector<16xf32> to vector<1x16xf32>
    tpu.vector_store %arg6[%swap3A_298, %swap3A_299], %swap3A_302 {strides = array<i32>} : memref<125x16xf32, #tpu.memory_space<vmem>>, vector<1x16xf32>,
    %swap3A_303 = arith.constant 50 : i32
    %swap3A_304 = arith.index_cast %swap3A_303 : i32 to index
    %swap3A_305 = arith.constant 0 : index
    %swap3A_306 = tpu.vector_load %arg6[%swap3A_304, %swap3A_305] {strides = array<i32>} : memref<125x16xf32, #tpu.memory_space<vmem>>, vector<1x16xf32>,
    %swap3A_307 = vector.shape_cast %swap3A_306 : vector<1x16xf32> to vector<16xf32>
    %swap3A_308 = vector.shape_cast %broadcast_in_dim3A_1 : vector<16xf32> to vector<1x16xf32>
    tpu.vector_store %arg6[%swap3A_304, %swap3A_305], %swap3A_308 {strides = array<i32>} : memref<125x16xf32, #tpu.memory_space<vmem>>, vector<1x16xf32>,
    %swap3A_309 = arith.constant 51 : i32
    %swap3A_310 = arith.index_cast %swap3A_309 : i32 to index
    %swap3A_311 = arith.constant 0 : index
    %swap3A_312 = tpu.vector_load %arg6[%swap3A_310, %swap3A_311] {strides = array<i32>} : memref<125x16xf32, #tpu.memory_space<vmem>>, vector<1x16xf32>,
    %swap3A_313 = vector.shape_cast %swap3A_312 : vector<1x16xf32> to vector<16xf32>
    %swap3A_314 = vector.shape_cast %broadcast_in_dim3A_1 : vector<16xf32> to vector<1x16xf32>
    tpu.vector_store %arg6[%swap3A_310, %swap3A_311], %swap3A_314 {strides = array<i32>} : memref<125x16xf32, #tpu.memory_space<vmem>>, vector<1x16xf32>,
    %swap3A_315 = arith.constant 52 : i32
    %swap3A_316 = arith.index_cast %swap3A_315 : i32 to index
    %swap3A_317 = arith.constant 0 : index
    %swap3A_318 = tpu.vector_load %arg6[%swap3A_316, %swap3A_317] {strides = array<i32>} : memref<125x16xf32, #tpu.memory_space<vmem>>, vector<1x16xf32>,
    %swap3A_319 = vector.shape_cast %swap3A_318 : vector<1x16xf32> to vector<16xf32>
    %swap3A_320 = vector.shape_cast %broadcast_in_dim3A_1 : vector<16xf32> to vector<1x16xf32>
    tpu.vector_store %arg6[%swap3A_316, %swap3A_317], %swap3A_320 {strides = array<i32>} : memref<125x16xf32, #tpu.memory_space<vmem>>, vector<1x16xf32>,
    %swap3A_321 = arith.constant 53 : i32
    %swap3A_322 = arith.index_cast %swap3A_321 : i32 to index
    %swap3A_323 = arith.constant 0 : index
    %swap3A_324 = tpu.vector_load %arg6[%swap3A_322, %swap3A_323] {strides = array<i32>} : memref<125x16xf32, #tpu.memory_space<vmem>>, vector<1x16xf32>,
    %swap3A_325 = vector.shape_cast %swap3A_324 : vector<1x16xf32> to vector<16xf32>
    %swap3A_326 = vector.shape_cast %broadcast_in_dim3A_1 : vector<16xf32> to vector<1x16xf32>
    tpu.vector_store %arg6[%swap3A_322, %swap3A_323], %swap3A_326 {strides = array<i32>} : memref<125x16xf32, #tpu.memory_space<vmem>>, vector<1x16xf32>,
    %swap3A_327 = arith.constant 54 : i32
    %swap3A_328 = arith.index_cast %swap3A_327 : i32 to index
    %swap3A_329 = arith.constant 0 : index
    %swap3A_330 = tpu.vector_load %arg6[%swap3A_328, %swap3A_329] {strides = array<i32>} : memref<125x16xf32, #tpu.memory_space<vmem>>, vector<1x16xf32>,
    %swap3A_331 = vector.shape_cast %swap3A_330 : vector<1x16xf32> to vector<16xf32>
    %swap3A_332 = vector.shape_cast %broadcast_in_dim3A_1 : vector<16xf32> to vector<1x16xf32>
    tpu.vector_store %arg6[%swap3A_328, %swap3A_329], %swap3A_332 {strides = array<i32>} : memref<125x16xf32, #tpu.memory_space<vmem>>, vector<1x16xf32>,
    %swap3A_333 = arith.constant 55 : i32
    %swap3A_334 = arith.index_cast %swap3A_333 : i32 to index
    %swap3A_335 = arith.constant 0 : index
    %swap3A_336 = tpu.vector_load %arg6[%swap3A_334, %swap3A_335] {strides = array<i32>} : memref<125x16xf32, #tpu.memory_space<vmem>>, vector<1x16xf32>,
    %swap3A_337 = vector.shape_cast %swap3A_336 : vector<1x16xf32> to vector<16xf32>
    %swap3A_338 = vector.shape_cast %broadcast_in_dim3A_1 : vector<16xf32> to vector<1x16xf32>
    tpu.vector_store %arg6[%swap3A_334, %swap3A_335], %swap3A_338 {strides = array<i32>} : memref<125x16xf32, #tpu.memory_space<vmem>>, vector<1x16xf32>,
    %swap3A_339 = arith.constant 56 : i32
    %swap3A_340 = arith.index_cast %swap3A_339 : i32 to index
    %swap3A_341 = arith.constant 0 : index
    %swap3A_342 = tpu.vector_load %arg6[%swap3A_340, %swap3A_341] {strides = array<i32>} : memref<125x16xf32, #tpu.memory_space<vmem>>, vector<1x16xf32>,
    %swap3A_343 = vector.shape_cast %swap3A_342 : vector<1x16xf32> to vector<16xf32>
    %swap3A_344 = vector.shape_cast %broadcast_in_dim3A_1 : vector<16xf32> to vector<1x16xf32>
    tpu.vector_store %arg6[%swap3A_340, %swap3A_341], %swap3A_344 {strides = array<i32>} : memref<125x16xf32, #tpu.memory_space<vmem>>, vector<1x16xf32>,
    %swap3A_345 = arith.constant 57 : i32
    %swap3A_346 = arith.index_cast %swap3A_345 : i32 to index
    %swap3A_347 = arith.constant 0 : index
    %swap3A_348 = tpu.vector_load %arg6[%swap3A_346, %swap3A_347] {strides = array<i32>} : memref<125x16xf32, #tpu.memory_space<vmem>>, vector<1x16xf32>,
    %swap3A_349 = vector.shape_cast %swap3A_348 : vector<1x16xf32> to vector<16xf32>
    %swap3A_350 = vector.shape_cast %broadcast_in_dim3A_1 : vector<16xf32> to vector<1x16xf32>
    tpu.vector_store %arg6[%swap3A_346, %swap3A_347], %swap3A_350 {strides = array<i32>} : memref<125x16xf32, #tpu.memory_space<vmem>>, vector<1x16xf32>,
    %swap3A_351 = arith.constant 58 : i32
    %swap3A_352 = arith.index_cast %swap3A_351 : i32 to index
    %swap3A_353 = arith.constant 0 : index
    %swap3A_354 = tpu.vector_load %arg6[%swap3A_352, %swap3A_353] {strides = array<i32>} : memref<125x16xf32, #tpu.memory_space<vmem>>, vector<1x16xf32>,
    %swap3A_355 = vector.shape_cast %swap3A_354 : vector<1x16xf32> to vector<16xf32>
    %swap3A_356 = vector.shape_cast %broadcast_in_dim3A_1 : vector<16xf32> to vector<1x16xf32>
    tpu.vector_store %arg6[%swap3A_352, %swap3A_353], %swap3A_356 {strides = array<i32>} : memref<125x16xf32, #tpu.memory_space<vmem>>, vector<1x16xf32>,
    %swap3A_357 = arith.constant 59 : i32
    %swap3A_358 = arith.index_cast %swap3A_357 : i32 to index
    %swap3A_359 = arith.constant 0 : index
    %swap3A_360 = tpu.vector_load %arg6[%swap3A_358, %swap3A_359] {strides = array<i32>} : memref<125x16xf32, #tpu.memory_space<vmem>>, vector<1x16xf32>,
    %swap3A_361 = vector.shape_cast %swap3A_360 : vector<1x16xf32> to vector<16xf32>
    %swap3A_362 = vector.shape_cast %broadcast_in_dim3A_1 : vector<16xf32> to vector<1x16xf32>
    tpu.vector_store %arg6[%swap3A_358, %swap3A_359], %swap3A_362 {strides = array<i32>} : memref<125x16xf32, #tpu.memory_space<vmem>>, vector<1x16xf32>,
    %swap3A_363 = arith.constant 60 : i32
    %swap3A_364 = arith.index_cast %swap3A_363 : i32 to index
    %swap3A_365 = arith.constant 0 : index
    %swap3A_366 = tpu.vector_load %arg6[%swap3A_364, %swap3A_365] {strides = array<i32>} : memref<125x16xf32, #tpu.memory_space<vmem>>, vector<1x16xf32>,
    %swap3A_367 = vector.shape_cast %swap3A_366 : vector<1x16xf32> to vector<16xf32>
    %swap3A_368 = vector.shape_cast %broadcast_in_dim3A_1 : vector<16xf32> to vector<1x16xf32>
    tpu.vector_store %arg6[%swap3A_364, %swap3A_365], %swap3A_368 {strides = array<i32>} : memref<125x16xf32, #tpu.memory_space<vmem>>, vector<1x16xf32>,
    %swap3A_369 = arith.constant 61 : i32
    %swap3A_370 = arith.index_cast %swap3A_369 : i32 to index
    %swap3A_371 = arith.constant 0 : index
    %swap3A_372 = tpu.vector_load %arg6[%swap3A_370, %swap3A_371] {strides = array<i32>} : memref<125x16xf32, #tpu.memory_space<vmem>>, vector<1x16xf32>,
    %swap3A_373 = vector.shape_cast %swap3A_372 : vector<1x16xf32> to vector<16xf32>
    %swap3A_374 = vector.shape_cast %broadcast_in_dim3A_1 : vector<16xf32> to vector<1x16xf32>
    tpu.vector_store %arg6[%swap3A_370, %swap3A_371], %swap3A_374 {strides = array<i32>} : memref<125x16xf32, #tpu.memory_space<vmem>>, vector<1x16xf32>,
    %swap3A_375 = arith.constant 62 : i32
    %swap3A_376 = arith.index_cast %swap3A_375 : i32 to index
    %swap3A_377 = arith.constant 0 : index
    %swap3A_378 = tpu.vector_load %arg6[%swap3A_376, %swap3A_377] {strides = array<i32>} : memref<125x16xf32, #tpu.memory_space<vmem>>, vector<1x16xf32>,
    %swap3A_379 = vector.shape_cast %swap3A_378 : vector<1x16xf32> to vector<16xf32>
    %swap3A_380 = vector.shape_cast %broadcast_in_dim3A_1 : vector<16xf32> to vector<1x16xf32>
    tpu.vector_store %arg6[%swap3A_376, %swap3A_377], %swap3A_380 {strides = array<i32>} : memref<125x16xf32, #tpu.memory_space<vmem>>, vector<1x16xf32>,
    %swap3A_381 = arith.constant 63 : i32
    %swap3A_382 = arith.index_cast %swap3A_381 : i32 to index
    %swap3A_383 = arith.constant 0 : index
    %swap3A_384 = tpu.vector_load %arg6[%swap3A_382, %swap3A_383] {strides = array<i32>} : memref<125x16xf32, #tpu.memory_space<vmem>>, vector<1x16xf32>,
    %swap3A_385 = vector.shape_cast %swap3A_384 : vector<1x16xf32> to vector<16xf32>
    %swap3A_386 = vector.shape_cast %broadcast_in_dim3A_1 : vector<16xf32> to vector<1x16xf32>
    tpu.vector_store %arg6[%swap3A_382, %swap3A_383], %swap3A_386 {strides = array<i32>} : memref<125x16xf32, #tpu.memory_space<vmem>>, vector<1x16xf32>,
    %swap3A_387 = arith.constant 64 : i32
    %swap3A_388 = arith.index_cast %swap3A_387 : i32 to index
    %swap3A_389 = arith.constant 0 : index
    %swap3A_390 = tpu.vector_load %arg6[%swap3A_388, %swap3A_389] {strides = array<i32>} : memref<125x16xf32, #tpu.memory_space<vmem>>, vector<1x16xf32>,
    %swap3A_391 = vector.shape_cast %swap3A_390 : vector<1x16xf32> to vector<16xf32>
    %swap3A_392 = vector.shape_cast %broadcast_in_dim3A_1 : vector<16xf32> to vector<1x16xf32>
    tpu.vector_store %arg6[%swap3A_388, %swap3A_389], %swap3A_392 {strides = array<i32>} : memref<125x16xf32, #tpu.memory_space<vmem>>, vector<1x16xf32>,
    %swap3A_393 = arith.constant 65 : i32
    %swap3A_394 = arith.index_cast %swap3A_393 : i32 to index
    %swap3A_395 = arith.constant 0 : index
    %swap3A_396 = tpu.vector_load %arg6[%swap3A_394, %swap3A_395] {strides = array<i32>} : memref<125x16xf32, #tpu.memory_space<vmem>>, vector<1x16xf32>,
    %swap3A_397 = vector.shape_cast %swap3A_396 : vector<1x16xf32> to vector<16xf32>
    %swap3A_398 = vector.shape_cast %broadcast_in_dim3A_1 : vector<16xf32> to vector<1x16xf32>
    tpu.vector_store %arg6[%swap3A_394, %swap3A_395], %swap3A_398 {strides = array<i32>} : memref<125x16xf32, #tpu.memory_space<vmem>>, vector<1x16xf32>,
    %swap3A_399 = arith.constant 66 : i32
    %swap3A_400 = arith.index_cast %swap3A_399 : i32 to index
    %swap3A_401 = arith.constant 0 : index
    %swap3A_402 = tpu.vector_load %arg6[%swap3A_400, %swap3A_401] {strides = array<i32>} : memref<125x16xf32, #tpu.memory_space<vmem>>, vector<1x16xf32>,
    %swap3A_403 = vector.shape_cast %swap3A_402 : vector<1x16xf32> to vector<16xf32>
    %swap3A_404 = vector.shape_cast %broadcast_in_dim3A_1 : vector<16xf32> to vector<1x16xf32>
    tpu.vector_store %arg6[%swap3A_400, %swap3A_401], %swap3A_404 {strides = array<i32>} : memref<125x16xf32, #tpu.memory_space<vmem>>, vector<1x16xf32>,
    %swap3A_405 = arith.constant 67 : i32
    %swap3A_406 = arith.index_cast %swap3A_405 : i32 to index
    %swap3A_407 = arith.constant 0 : index
    %swap3A_408 = tpu.vector_load %arg6[%swap3A_406, %swap3A_407] {strides = array<i32>} : memref<125x16xf32, #tpu.memory_space<vmem>>, vector<1x16xf32>,
    %swap3A_409 = vector.shape_cast %swap3A_408 : vector<1x16xf32> to vector<16xf32>
    %swap3A_410 = vector.shape_cast %broadcast_in_dim3A_1 : vector<16xf32> to vector<1x16xf32>
    tpu.vector_store %arg6[%swap3A_406, %swap3A_407], %swap3A_410 {strides = array<i32>} : memref<125x16xf32, #tpu.memory_space<vmem>>, vector<1x16xf32>,
    %swap3A_411 = arith.constant 68 : i32
    %swap3A_412 = arith.index_cast %swap3A_411 : i32 to index
    %swap3A_413 = arith.constant 0 : index
    %swap3A_414 = tpu.vector_load %arg6[%swap3A_412, %swap3A_413] {strides = array<i32>} : memref<125x16xf32, #tpu.memory_space<vmem>>, vector<1x16xf32>,
    %swap3A_415 = vector.shape_cast %swap3A_414 : vector<1x16xf32> to vector<16xf32>
    %swap3A_416 = vector.shape_cast %broadcast_in_dim3A_1 : vector<16xf32> to vector<1x16xf32>
    tpu.vector_store %arg6[%swap3A_412, %swap3A_413], %swap3A_416 {strides = array<i32>} : memref<125x16xf32, #tpu.memory_space<vmem>>, vector<1x16xf32>,
    %swap3A_417 = arith.constant 69 : i32
    %swap3A_418 = arith.index_cast %swap3A_417 : i32 to index
    %swap3A_419 = arith.constant 0 : index
    %swap3A_420 = tpu.vector_load %arg6[%swap3A_418, %swap3A_419] {strides = array<i32>} : memref<125x16xf32, #tpu.memory_space<vmem>>, vector<1x16xf32>,
    %swap3A_421 = vector.shape_cast %swap3A_420 : vector<1x16xf32> to vector<16xf32>
    %swap3A_422 = vector.shape_cast %broadcast_in_dim3A_1 : vector<16xf32> to vector<1x16xf32>
    tpu.vector_store %arg6[%swap3A_418, %swap3A_419], %swap3A_422 {strides = array<i32>} : memref<125x16xf32, #tpu.memory_space<vmem>>, vector<1x16xf32>,
    %swap3A_423 = arith.constant 70 : i32
    %swap3A_424 = arith.index_cast %swap3A_423 : i32 to index
    %swap3A_425 = arith.constant 0 : index
    %swap3A_426 = tpu.vector_load %arg6[%swap3A_424, %swap3A_425] {strides = array<i32>} : memref<125x16xf32, #tpu.memory_space<vmem>>, vector<1x16xf32>,
    %swap3A_427 = vector.shape_cast %swap3A_426 : vector<1x16xf32> to vector<16xf32>
    %swap3A_428 = vector.shape_cast %broadcast_in_dim3A_1 : vector<16xf32> to vector<1x16xf32>
    tpu.vector_store %arg6[%swap3A_424, %swap3A_425], %swap3A_428 {strides = array<i32>} : memref<125x16xf32, #tpu.memory_space<vmem>>, vector<1x16xf32>,
    %swap3A_429 = arith.constant 71 : i32
    %swap3A_430 = arith.index_cast %swap3A_429 : i32 to index
    %swap3A_431 = arith.constant 0 : index
    %swap3A_432 = tpu.vector_load %arg6[%swap3A_430, %swap3A_431] {strides = array<i32>} : memref<125x16xf32, #tpu.memory_space<vmem>>, vector<1x16xf32>,
    %swap3A_433 = vector.shape_cast %swap3A_432 : vector<1x16xf32> to vector<16xf32>
    %swap3A_434 = vector.shape_cast %broadcast_in_dim3A_1 : vector<16xf32> to vector<1x16xf32>
    tpu.vector_store %arg6[%swap3A_430, %swap3A_431], %swap3A_434 {strides = array<i32>} : memref<125x16xf32, #tpu.memory_space<vmem>>, vector<1x16xf32>,
    %swap3A_435 = arith.constant 72 : i32
    %swap3A_436 = arith.index_cast %swap3A_435 : i32 to index
    %swap3A_437 = arith.constant 0 : index
    %swap3A_438 = tpu.vector_load %arg6[%swap3A_436, %swap3A_437] {strides = array<i32>} : memref<125x16xf32, #tpu.memory_space<vmem>>, vector<1x16xf32>,
    %swap3A_439 = vector.shape_cast %swap3A_438 : vector<1x16xf32> to vector<16xf32>
    %swap3A_440 = vector.shape_cast %broadcast_in_dim3A_1 : vector<16xf32> to vector<1x16xf32>
    tpu.vector_store %arg6[%swap3A_436, %swap3A_437], %swap3A_440 {strides = array<i32>} : memref<125x16xf32, #tpu.memory_space<vmem>>, vector<1x16xf32>,
    %swap3A_441 = arith.constant 73 : i32
    %swap3A_442 = arith.index_cast %swap3A_441 : i32 to index
    %swap3A_443 = arith.constant 0 : index
    %swap3A_444 = tpu.vector_load %arg6[%swap3A_442, %swap3A_443] {strides = array<i32>} : memref<125x16xf32, #tpu.memory_space<vmem>>, vector<1x16xf32>,
    %swap3A_445 = vector.shape_cast %swap3A_444 : vector<1x16xf32> to vector<16xf32>
    %swap3A_446 = vector.shape_cast %broadcast_in_dim3A_1 : vector<16xf32> to vector<1x16xf32>
    tpu.vector_store %arg6[%swap3A_442, %swap3A_443], %swap3A_446 {strides = array<i32>} : memref<125x16xf32, #tpu.memory_space<vmem>>, vector<1x16xf32>,
    %swap3A_447 = arith.constant 74 : i32
    %swap3A_448 = arith.index_cast %swap3A_447 : i32 to index
    %swap3A_449 = arith.constant 0 : index
    %swap3A_450 = tpu.vector_load %arg6[%swap3A_448, %swap3A_449] {strides = array<i32>} : memref<125x16xf32, #tpu.memory_space<vmem>>, vector<1x16xf32>,
    %swap3A_451 = vector.shape_cast %swap3A_450 : vector<1x16xf32> to vector<16xf32>
    %swap3A_452 = vector.shape_cast %broadcast_in_dim3A_1 : vector<16xf32> to vector<1x16xf32>
    tpu.vector_store %arg6[%swap3A_448, %swap3A_449], %swap3A_452 {strides = array<i32>} : memref<125x16xf32, #tpu.memory_space<vmem>>, vector<1x16xf32>,
    %swap3A_453 = arith.constant 75 : i32
    %swap3A_454 = arith.index_cast %swap3A_453 : i32 to index
    %swap3A_455 = arith.constant 0 : index
    %swap3A_456 = tpu.vector_load %arg6[%swap3A_454, %swap3A_455] {strides = array<i32>} : memref<125x16xf32, #tpu.memory_space<vmem>>, vector<1x16xf32>,
    %swap3A_457 = vector.shape_cast %swap3A_456 : vector<1x16xf32> to vector<16xf32>
    %swap3A_458 = vector.shape_cast %broadcast_in_dim3A_1 : vector<16xf32> to vector<1x16xf32>
    tpu.vector_store %arg6[%swap3A_454, %swap3A_455], %swap3A_458 {strides = array<i32>} : memref<125x16xf32, #tpu.memory_space<vmem>>, vector<1x16xf32>,
    %swap3A_459 = arith.constant 76 : i32
    %swap3A_460 = arith.index_cast %swap3A_459 : i32 to index
    %swap3A_461 = arith.constant 0 : index
    %swap3A_462 = tpu.vector_load %arg6[%swap3A_460, %swap3A_461] {strides = array<i32>} : memref<125x16xf32, #tpu.memory_space<vmem>>, vector<1x16xf32>,
    %swap3A_463 = vector.shape_cast %swap3A_462 : vector<1x16xf32> to vector<16xf32>
    %swap3A_464 = vector.shape_cast %broadcast_in_dim3A_1 : vector<16xf32> to vector<1x16xf32>
    tpu.vector_store %arg6[%swap3A_460, %swap3A_461], %swap3A_464 {strides = array<i32>} : memref<125x16xf32, #tpu.memory_space<vmem>>, vector<1x16xf32>,
    %swap3A_465 = arith.constant 77 : i32
    %swap3A_466 = arith.index_cast %swap3A_465 : i32 to index
    %swap3A_467 = arith.constant 0 : index
    %swap3A_468 = tpu.vector_load %arg6[%swap3A_466, %swap3A_467] {strides = array<i32>} : memref<125x16xf32, #tpu.memory_space<vmem>>, vector<1x16xf32>,
    %swap3A_469 = vector.shape_cast %swap3A_468 : vector<1x16xf32> to vector<16xf32>
    %swap3A_470 = vector.shape_cast %broadcast_in_dim3A_1 : vector<16xf32> to vector<1x16xf32>
    tpu.vector_store %arg6[%swap3A_466, %swap3A_467], %swap3A_470 {strides = array<i32>} : memref<125x16xf32, #tpu.memory_space<vmem>>, vector<1x16xf32>,
    %swap3A_471 = arith.constant 78 : i32
    %swap3A_472 = arith.index_cast %swap3A_471 : i32 to index
    %swap3A_473 = arith.constant 0 : index
    %swap3A_474 = tpu.vector_load %arg6[%swap3A_472, %swap3A_473] {strides = array<i32>} : memref<125x16xf32, #tpu.memory_space<vmem>>, vector<1x16xf32>,
    %swap3A_475 = vector.shape_cast %swap3A_474 : vector<1x16xf32> to vector<16xf32>
    %swap3A_476 = vector.shape_cast %broadcast_in_dim3A_1 : vector<16xf32> to vector<1x16xf32>
    tpu.vector_store %arg6[%swap3A_472, %swap3A_473], %swap3A_476 {strides = array<i32>} : memref<125x16xf32, #tpu.memory_space<vmem>>, vector<1x16xf32>,
    %swap3A_477 = arith.constant 79 : i32
    %swap3A_478 = arith.index_cast %swap3A_477 : i32 to index
    %swap3A_479 = arith.constant 0 : index
    %swap3A_480 = tpu.vector_load %arg6[%swap3A_478, %swap3A_479] {strides = array<i32>} : memref<125x16xf32, #tpu.memory_space<vmem>>, vector<1x16xf32>,
    %swap3A_481 = vector.shape_cast %swap3A_480 : vector<1x16xf32> to vector<16xf32>
    %swap3A_482 = vector.shape_cast %broadcast_in_dim3A_1 : vector<16xf32> to vector<1x16xf32>
    tpu.vector_store %arg6[%swap3A_478, %swap3A_479], %swap3A_482 {strides = array<i32>} : memref<125x16xf32, #tpu.memory_space<vmem>>, vector<1x16xf32>,
    %swap3A_483 = arith.constant 80 : i32
    %swap3A_484 = arith.index_cast %swap3A_483 : i32 to index
    %swap3A_485 = arith.constant 0 : index
    %swap3A_486 = tpu.vector_load %arg6[%swap3A_484, %swap3A_485] {strides = array<i32>} : memref<125x16xf32, #tpu.memory_space<vmem>>, vector<1x16xf32>,
    %swap3A_487 = vector.shape_cast %swap3A_486 : vector<1x16xf32> to vector<16xf32>
    %swap3A_488 = vector.shape_cast %broadcast_in_dim3A_1 : vector<16xf32> to vector<1x16xf32>
    tpu.vector_store %arg6[%swap3A_484, %swap3A_485], %swap3A_488 {strides = array<i32>} : memref<125x16xf32, #tpu.memory_space<vmem>>, vector<1x16xf32>,
    %swap3A_489 = arith.constant 81 : i32
    %swap3A_490 = arith.index_cast %swap3A_489 : i32 to index
    %swap3A_491 = arith.constant 0 : index
    %swap3A_492 = tpu.vector_load %arg6[%swap3A_490, %swap3A_491] {strides = array<i32>} : memref<125x16xf32, #tpu.memory_space<vmem>>, vector<1x16xf32>,
    %swap3A_493 = vector.shape_cast %swap3A_492 : vector<1x16xf32> to vector<16xf32>
    %swap3A_494 = vector.shape_cast %broadcast_in_dim3A_1 : vector<16xf32> to vector<1x16xf32>
    tpu.vector_store %arg6[%swap3A_490, %swap3A_491], %swap3A_494 {strides = array<i32>} : memref<125x16xf32, #tpu.memory_space<vmem>>, vector<1x16xf32>,
    %swap3A_495 = arith.constant 82 : i32
    %swap3A_496 = arith.index_cast %swap3A_495 : i32 to index
    %swap3A_497 = arith.constant 0 : index
    %swap3A_498 = tpu.vector_load %arg6[%swap3A_496, %swap3A_497] {strides = array<i32>} : memref<125x16xf32, #tpu.memory_space<vmem>>, vector<1x16xf32>,
    %swap3A_499 = vector.shape_cast %swap3A_498 : vector<1x16xf32> to vector<16xf32>
    %swap3A_500 = vector.shape_cast %broadcast_in_dim3A_1 : vector<16xf32> to vector<1x16xf32>
    tpu.vector_store %arg6[%swap3A_496, %swap3A_497], %swap3A_500 {strides = array<i32>} : memref<125x16xf32, #tpu.memory_space<vmem>>, vector<1x16xf32>,
    %swap3A_501 = arith.constant 83 : i32
    %swap3A_502 = arith.index_cast %swap3A_501 : i32 to index
    %swap3A_503 = arith.constant 0 : index
    %swap3A_504 = tpu.vector_load %arg6[%swap3A_502, %swap3A_503] {strides = array<i32>} : memref<125x16xf32, #tpu.memory_space<vmem>>, vector<1x16xf32>,
    %swap3A_505 = vector.shape_cast %swap3A_504 : vector<1x16xf32> to vector<16xf32>
    %swap3A_506 = vector.shape_cast %broadcast_in_dim3A_1 : vector<16xf32> to vector<1x16xf32>
    tpu.vector_store %arg6[%swap3A_502, %swap3A_503], %swap3A_506 {strides = array<i32>} : memref<125x16xf32, #tpu.memory_space<vmem>>, vector<1x16xf32>,
    %swap3A_507 = arith.constant 84 : i32
    %swap3A_508 = arith.index_cast %swap3A_507 : i32 to index
    %swap3A_509 = arith.constant 0 : index
    %swap3A_510 = tpu.vector_load %arg6[%swap3A_508, %swap3A_509] {strides = array<i32>} : memref<125x16xf32, #tpu.memory_space<vmem>>, vector<1x16xf32>,
    %swap3A_511 = vector.shape_cast %swap3A_510 : vector<1x16xf32> to vector<16xf32>
    %swap3A_512 = vector.shape_cast %broadcast_in_dim3A_1 : vector<16xf32> to vector<1x16xf32>
    tpu.vector_store %arg6[%swap3A_508, %swap3A_509], %swap3A_512 {strides = array<i32>} : memref<125x16xf32, #tpu.memory_space<vmem>>, vector<1x16xf32>,
    %swap3A_513 = arith.constant 85 : i32
    %swap3A_514 = arith.index_cast %swap3A_513 : i32 to index
    %swap3A_515 = arith.constant 0 : index
    %swap3A_516 = tpu.vector_load %arg6[%swap3A_514, %swap3A_515] {strides = array<i32>} : memref<125x16xf32, #tpu.memory_space<vmem>>, vector<1x16xf32>,
    %swap3A_517 = vector.shape_cast %swap3A_516 : vector<1x16xf32> to vector<16xf32>
    %swap3A_518 = vector.shape_cast %broadcast_in_dim3A_1 : vector<16xf32> to vector<1x16xf32>
    tpu.vector_store %arg6[%swap3A_514, %swap3A_515], %swap3A_518 {strides = array<i32>} : memref<125x16xf32, #tpu.memory_space<vmem>>, vector<1x16xf32>,
    %swap3A_519 = arith.constant 86 : i32
    %swap3A_520 = arith.index_cast %swap3A_519 : i32 to index
    %swap3A_521 = arith.constant 0 : index
    %swap3A_522 = tpu.vector_load %arg6[%swap3A_520, %swap3A_521] {strides = array<i32>} : memref<125x16xf32, #tpu.memory_space<vmem>>, vector<1x16xf32>,
    %swap3A_523 = vector.shape_cast %swap3A_522 : vector<1x16xf32> to vector<16xf32>
    %swap3A_524 = vector.shape_cast %broadcast_in_dim3A_1 : vector<16xf32> to vector<1x16xf32>
    tpu.vector_store %arg6[%swap3A_520, %swap3A_521], %swap3A_524 {strides = array<i32>} : memref<125x16xf32, #tpu.memory_space<vmem>>, vector<1x16xf32>,
    %swap3A_525 = arith.constant 87 : i32
    %swap3A_526 = arith.index_cast %swap3A_525 : i32 to index
    %swap3A_527 = arith.constant 0 : index
    %swap3A_528 = tpu.vector_load %arg6[%swap3A_526, %swap3A_527] {strides = array<i32>} : memref<125x16xf32, #tpu.memory_space<vmem>>, vector<1x16xf32>,
    %swap3A_529 = vector.shape_cast %swap3A_528 : vector<1x16xf32> to vector<16xf32>
    %swap3A_530 = vector.shape_cast %broadcast_in_dim3A_1 : vector<16xf32> to vector<1x16xf32>
    tpu.vector_store %arg6[%swap3A_526, %swap3A_527], %swap3A_530 {strides = array<i32>} : memref<125x16xf32, #tpu.memory_space<vmem>>, vector<1x16xf32>,
    %swap3A_531 = arith.constant 88 : i32
    %swap3A_532 = arith.index_cast %swap3A_531 : i32 to index
    %swap3A_533 = arith.constant 0 : index
    %swap3A_534 = tpu.vector_load %arg6[%swap3A_532, %swap3A_533] {strides = array<i32>} : memref<125x16xf32, #tpu.memory_space<vmem>>, vector<1x16xf32>,
    %swap3A_535 = vector.shape_cast %swap3A_534 : vector<1x16xf32> to vector<16xf32>
    %swap3A_536 = vector.shape_cast %broadcast_in_dim3A_1 : vector<16xf32> to vector<1x16xf32>
    tpu.vector_store %arg6[%swap3A_532, %swap3A_533], %swap3A_536 {strides = array<i32>} : memref<125x16xf32, #tpu.memory_space<vmem>>, vector<1x16xf32>,
    %swap3A_537 = arith.constant 89 : i32
    %swap3A_538 = arith.index_cast %swap3A_537 : i32 to index
    %swap3A_539 = arith.constant 0 : index
    %swap3A_540 = tpu.vector_load %arg6[%swap3A_538, %swap3A_539] {strides = array<i32>} : memref<125x16xf32, #tpu.memory_space<vmem>>, vector<1x16xf32>,
    %swap3A_541 = vector.shape_cast %swap3A_540 : vector<1x16xf32> to vector<16xf32>
    %swap3A_542 = vector.shape_cast %broadcast_in_dim3A_1 : vector<16xf32> to vector<1x16xf32>
    tpu.vector_store %arg6[%swap3A_538, %swap3A_539], %swap3A_542 {strides = array<i32>} : memref<125x16xf32, #tpu.memory_space<vmem>>, vector<1x16xf32>,
    %swap3A_543 = arith.constant 90 : i32
    %swap3A_544 = arith.index_cast %swap3A_543 : i32 to index
    %swap3A_545 = arith.constant 0 : index
    %swap3A_546 = tpu.vector_load %arg6[%swap3A_544, %swap3A_545] {strides = array<i32>} : memref<125x16xf32, #tpu.memory_space<vmem>>, vector<1x16xf32>,
    %swap3A_547 = vector.shape_cast %swap3A_546 : vector<1x16xf32> to vector<16xf32>
    %swap3A_548 = vector.shape_cast %broadcast_in_dim3A_1 : vector<16xf32> to vector<1x16xf32>
    tpu.vector_store %arg6[%swap3A_544, %swap3A_545], %swap3A_548 {strides = array<i32>} : memref<125x16xf32, #tpu.memory_space<vmem>>, vector<1x16xf32>,
    %swap3A_549 = arith.constant 91 : i32
    %swap3A_550 = arith.index_cast %swap3A_549 : i32 to index
    %swap3A_551 = arith.constant 0 : index
    %swap3A_552 = tpu.vector_load %arg6[%swap3A_550, %swap3A_551] {strides = array<i32>} : memref<125x16xf32, #tpu.memory_space<vmem>>, vector<1x16xf32>,
    %swap3A_553 = vector.shape_cast %swap3A_552 : vector<1x16xf32> to vector<16xf32>
    %swap3A_554 = vector.shape_cast %broadcast_in_dim3A_1 : vector<16xf32> to vector<1x16xf32>
    tpu.vector_store %arg6[%swap3A_550, %swap3A_551], %swap3A_554 {strides = array<i32>} : memref<125x16xf32, #tpu.memory_space<vmem>>, vector<1x16xf32>,
    %swap3A_555 = arith.constant 92 : i32
    %swap3A_556 = arith.index_cast %swap3A_555 : i32 to index
    %swap3A_557 = arith.constant 0 : index
    %swap3A_558 = tpu.vector_load %arg6[%swap3A_556, %swap3A_557] {strides = array<i32>} : memref<125x16xf32, #tpu.memory_space<vmem>>, vector<1x16xf32>,
    %swap3A_559 = vector.shape_cast %swap3A_558 : vector<1x16xf32> to vector<16xf32>
    %swap3A_560 = vector.shape_cast %broadcast_in_dim3A_1 : vector<16xf32> to vector<1x16xf32>
    tpu.vector_store %arg6[%swap3A_556, %swap3A_557], %swap3A_560 {strides = array<i32>} : memref<125x16xf32, #tpu.memory_space<vmem>>, vector<1x16xf32>,
    %swap3A_561 = arith.constant 93 : i32
    %swap3A_562 = arith.index_cast %swap3A_561 : i32 to index
    %swap3A_563 = arith.constant 0 : index
    %swap3A_564 = tpu.vector_load %arg6[%swap3A_562, %swap3A_563] {strides = array<i32>} : memref<125x16xf32, #tpu.memory_space<vmem>>, vector<1x16xf32>,
    %swap3A_565 = vector.shape_cast %swap3A_564 : vector<1x16xf32> to vector<16xf32>
    %swap3A_566 = vector.shape_cast %broadcast_in_dim3A_1 : vector<16xf32> to vector<1x16xf32>
    tpu.vector_store %arg6[%swap3A_562, %swap3A_563], %swap3A_566 {strides = array<i32>} : memref<125x16xf32, #tpu.memory_space<vmem>>, vector<1x16xf32>,
    %swap3A_567 = arith.constant 94 : i32
    %swap3A_568 = arith.index_cast %swap3A_567 : i32 to index
    %swap3A_569 = arith.constant 0 : index
    %swap3A_570 = tpu.vector_load %arg6[%swap3A_568, %swap3A_569] {strides = array<i32>} : memref<125x16xf32, #tpu.memory_space<vmem>>, vector<1x16xf32>,
    %swap3A_571 = vector.shape_cast %swap3A_570 : vector<1x16xf32> to vector<16xf32>
    %swap3A_572 = vector.shape_cast %broadcast_in_dim3A_1 : vector<16xf32> to vector<1x16xf32>
    tpu.vector_store %arg6[%swap3A_568, %swap3A_569], %swap3A_572 {strides = array<i32>} : memref<125x16xf32, #tpu.memory_space<vmem>>, vector<1x16xf32>,
    %swap3A_573 = arith.constant 95 : i32
    %swap3A_574 = arith.index_cast %swap3A_573 : i32 to index
    %swap3A_575 = arith.constant 0 : index
    %swap3A_576 = tpu.vector_load %arg6[%swap3A_574, %swap3A_575] {strides = array<i32>} : memref<125x16xf32, #tpu.memory_space<vmem>>, vector<1x16xf32>,
    %swap3A_577 = vector.shape_cast %swap3A_576 : vector<1x16xf32> to vector<16xf32>
    %swap3A_578 = vector.shape_cast %broadcast_in_dim3A_1 : vector<16xf32> to vector<1x16xf32>
    tpu.vector_store %arg6[%swap3A_574, %swap3A_575], %swap3A_578 {strides = array<i32>} : memref<125x16xf32, #tpu.memory_space<vmem>>, vector<1x16xf32>,
    %swap3A_579 = arith.constant 96 : i32
    %swap3A_580 = arith.index_cast %swap3A_579 : i32 to index
    %swap3A_581 = arith.constant 0 : index
    %swap3A_582 = tpu.vector_load %arg6[%swap3A_580, %swap3A_581] {strides = array<i32>} : memref<125x16xf32, #tpu.memory_space<vmem>>, vector<1x16xf32>,
    %swap3A_583 = vector.shape_cast %swap3A_582 : vector<1x16xf32> to vector<16xf32>
    %swap3A_584 = vector.shape_cast %broadcast_in_dim3A_1 : vector<16xf32> to vector<1x16xf32>
    tpu.vector_store %arg6[%swap3A_580, %swap3A_581], %swap3A_584 {strides = array<i32>} : memref<125x16xf32, #tpu.memory_space<vmem>>, vector<1x16xf32>,
    %swap3A_585 = arith.constant 97 : i32
    %swap3A_586 = arith.index_cast %swap3A_585 : i32 to index
    %swap3A_587 = arith.constant 0 : index
    %swap3A_588 = tpu.vector_load %arg6[%swap3A_586, %swap3A_587] {strides = array<i32>} : memref<125x16xf32, #tpu.memory_space<vmem>>, vector<1x16xf32>,
    %swap3A_589 = vector.shape_cast %swap3A_588 : vector<1x16xf32> to vector<16xf32>
    %swap3A_590 = vector.shape_cast %broadcast_in_dim3A_1 : vector<16xf32> to vector<1x16xf32>
    tpu.vector_store %arg6[%swap3A_586, %swap3A_587], %swap3A_590 {strides = array<i32>} : memref<125x16xf32, #tpu.memory_space<vmem>>, vector<1x16xf32>,
    %swap3A_591 = arith.constant 98 : i32
    %swap3A_592 = arith.index_cast %swap3A_591 : i32 to index
    %swap3A_593 = arith.constant 0 : index
    %swap3A_594 = tpu.vector_load %arg6[%swap3A_592, %swap3A_593] {strides = array<i32>} : memref<125x16xf32, #tpu.memory_space<vmem>>, vector<1x16xf32>,
    %swap3A_595 = vector.shape_cast %swap3A_594 : vector<1x16xf32> to vector<16xf32>
    %swap3A_596 = vector.shape_cast %broadcast_in_dim3A_1 : vector<16xf32> to vector<1x16xf32>
    tpu.vector_store %arg6[%swap3A_592, %swap3A_593], %swap3A_596 {strides = array<i32>} : memref<125x16xf32, #tpu.memory_space<vmem>>, vector<1x16xf32>,
    %swap3A_597 = arith.constant 99 : i32
    %swap3A_598 = arith.index_cast %swap3A_597 : i32 to index
    %swap3A_599 = arith.constant 0 : index
    %swap3A_600 = tpu.vector_load %arg6[%swap3A_598, %swap3A_599] {strides = array<i32>} : memref<125x16xf32, #tpu.memory_space<vmem>>, vector<1x16xf32>,
    %swap3A_601 = vector.shape_cast %swap3A_600 : vector<1x16xf32> to vector<16xf32>
    %swap3A_602 = vector.shape_cast %broadcast_in_dim3A_1 : vector<16xf32> to vector<1x16xf32>
    tpu.vector_store %arg6[%swap3A_598, %swap3A_599], %swap3A_602 {strides = array<i32>} : memref<125x16xf32, #tpu.memory_space<vmem>>, vector<1x16xf32>,
    %swap3A_603 = arith.constant 100 : i32
    %swap3A_604 = arith.index_cast %swap3A_603 : i32 to index
    %swap3A_605 = arith.constant 0 : index
    %swap3A_606 = tpu.vector_load %arg6[%swap3A_604, %swap3A_605] {strides = array<i32>} : memref<125x16xf32, #tpu.memory_space<vmem>>, vector<1x16xf32>,
    %swap3A_607 = vector.shape_cast %swap3A_606 : vector<1x16xf32> to vector<16xf32>
    %swap3A_608 = vector.shape_cast %broadcast_in_dim3A_1 : vector<16xf32> to vector<1x16xf32>
    tpu.vector_store %arg6[%swap3A_604, %swap3A_605], %swap3A_608 {strides = array<i32>} : memref<125x16xf32, #tpu.memory_space<vmem>>, vector<1x16xf32>,
    %swap3A_609 = arith.constant 101 : i32
    %swap3A_610 = arith.index_cast %swap3A_609 : i32 to index
    %swap3A_611 = arith.constant 0 : index
    %swap3A_612 = tpu.vector_load %arg6[%swap3A_610, %swap3A_611] {strides = array<i32>} : memref<125x16xf32, #tpu.memory_space<vmem>>, vector<1x16xf32>,
    %swap3A_613 = vector.shape_cast %swap3A_612 : vector<1x16xf32> to vector<16xf32>
    %swap3A_614 = vector.shape_cast %broadcast_in_dim3A_1 : vector<16xf32> to vector<1x16xf32>
    tpu.vector_store %arg6[%swap3A_610, %swap3A_611], %swap3A_614 {strides = array<i32>} : memref<125x16xf32, #tpu.memory_space<vmem>>, vector<1x16xf32>,
    %swap3A_615 = arith.constant 102 : i32
    %swap3A_616 = arith.index_cast %swap3A_615 : i32 to index
    %swap3A_617 = arith.constant 0 : index
    %swap3A_618 = tpu.vector_load %arg6[%swap3A_616, %swap3A_617] {strides = array<i32>} : memref<125x16xf32, #tpu.memory_space<vmem>>, vector<1x16xf32>,
    %swap3A_619 = vector.shape_cast %swap3A_618 : vector<1x16xf32> to vector<16xf32>
    %swap3A_620 = vector.shape_cast %broadcast_in_dim3A_1 : vector<16xf32> to vector<1x16xf32>
    tpu.vector_store %arg6[%swap3A_616, %swap3A_617], %swap3A_620 {strides = array<i32>} : memref<125x16xf32, #tpu.memory_space<vmem>>, vector<1x16xf32>,
    %swap3A_621 = arith.constant 103 : i32
    %swap3A_622 = arith.index_cast %swap3A_621 : i32 to index
    %swap3A_623 = arith.constant 0 : index
    %swap3A_624 = tpu.vector_load %arg6[%swap3A_622, %swap3A_623] {strides = array<i32>} : memref<125x16xf32, #tpu.memory_space<vmem>>, vector<1x16xf32>,
    %swap3A_625 = vector.shape_cast %swap3A_624 : vector<1x16xf32> to vector<16xf32>
    %swap3A_626 = vector.shape_cast %broadcast_in_dim3A_1 : vector<16xf32> to vector<1x16xf32>
    tpu.vector_store %arg6[%swap3A_622, %swap3A_623], %swap3A_626 {strides = array<i32>} : memref<125x16xf32, #tpu.memory_space<vmem>>, vector<1x16xf32>,
    %swap3A_627 = arith.constant 104 : i32
    %swap3A_628 = arith.index_cast %swap3A_627 : i32 to index
    %swap3A_629 = arith.constant 0 : index
    %swap3A_630 = tpu.vector_load %arg6[%swap3A_628, %swap3A_629] {strides = array<i32>} : memref<125x16xf32, #tpu.memory_space<vmem>>, vector<1x16xf32>,
    %swap3A_631 = vector.shape_cast %swap3A_630 : vector<1x16xf32> to vector<16xf32>
    %swap3A_632 = vector.shape_cast %broadcast_in_dim3A_1 : vector<16xf32> to vector<1x16xf32>
    tpu.vector_store %arg6[%swap3A_628, %swap3A_629], %swap3A_632 {strides = array<i32>} : memref<125x16xf32, #tpu.memory_space<vmem>>, vector<1x16xf32>,
    %swap3A_633 = arith.constant 105 : i32
    %swap3A_634 = arith.index_cast %swap3A_633 : i32 to index
    %swap3A_635 = arith.constant 0 : index
    %swap3A_636 = tpu.vector_load %arg6[%swap3A_634, %swap3A_635] {strides = array<i32>} : memref<125x16xf32, #tpu.memory_space<vmem>>, vector<1x16xf32>,
    %swap3A_637 = vector.shape_cast %swap3A_636 : vector<1x16xf32> to vector<16xf32>
    %swap3A_638 = vector.shape_cast %broadcast_in_dim3A_1 : vector<16xf32> to vector<1x16xf32>
    tpu.vector_store %arg6[%swap3A_634, %swap3A_635], %swap3A_638 {strides = array<i32>} : memref<125x16xf32, #tpu.memory_space<vmem>>, vector<1x16xf32>,
    %swap3A_639 = arith.constant 106 : i32
    %swap3A_640 = arith.index_cast %swap3A_639 : i32 to index
    %swap3A_641 = arith.constant 0 : index
    %swap3A_642 = tpu.vector_load %arg6[%swap3A_640, %swap3A_641] {strides = array<i32>} : memref<125x16xf32, #tpu.memory_space<vmem>>, vector<1x16xf32>,
    %swap3A_643 = vector.shape_cast %swap3A_642 : vector<1x16xf32> to vector<16xf32>
    %swap3A_644 = vector.shape_cast %broadcast_in_dim3A_1 : vector<16xf32> to vector<1x16xf32>
    tpu.vector_store %arg6[%swap3A_640, %swap3A_641], %swap3A_644 {strides = array<i32>} : memref<125x16xf32, #tpu.memory_space<vmem>>, vector<1x16xf32>,
    %swap3A_645 = arith.constant 107 : i32
    %swap3A_646 = arith.index_cast %swap3A_645 : i32 to index
    %swap3A_647 = arith.constant 0 : index
    %swap3A_648 = tpu.vector_load %arg6[%swap3A_646, %swap3A_647] {strides = array<i32>} : memref<125x16xf32, #tpu.memory_space<vmem>>, vector<1x16xf32>,
    %swap3A_649 = vector.shape_cast %swap3A_648 : vector<1x16xf32> to vector<16xf32>
    %swap3A_650 = vector.shape_cast %broadcast_in_dim3A_1 : vector<16xf32> to vector<1x16xf32>
    tpu.vector_store %arg6[%swap3A_646, %swap3A_647], %swap3A_650 {strides = array<i32>} : memref<125x16xf32, #tpu.memory_space<vmem>>, vector<1x16xf32>,
    %swap3A_651 = arith.constant 108 : i32
    %swap3A_652 = arith.index_cast %swap3A_651 : i32 to index
    %swap3A_653 = arith.constant 0 : index
    %swap3A_654 = tpu.vector_load %arg6[%swap3A_652, %swap3A_653] {strides = array<i32>} : memref<125x16xf32, #tpu.memory_space<vmem>>, vector<1x16xf32>,
    %swap3A_655 = vector.shape_cast %swap3A_654 : vector<1x16xf32> to vector<16xf32>
    %swap3A_656 = vector.shape_cast %broadcast_in_dim3A_1 : vector<16xf32> to vector<1x16xf32>
    tpu.vector_store %arg6[%swap3A_652, %swap3A_653], %swap3A_656 {strides = array<i32>} : memref<125x16xf32, #tpu.memory_space<vmem>>, vector<1x16xf32>,
    %swap3A_657 = arith.constant 109 : i32
    %swap3A_658 = arith.index_cast %swap3A_657 : i32 to index
    %swap3A_659 = arith.constant 0 : index
    %swap3A_660 = tpu.vector_load %arg6[%swap3A_658, %swap3A_659] {strides = array<i32>} : memref<125x16xf32, #tpu.memory_space<vmem>>, vector<1x16xf32>,
    %swap3A_661 = vector.shape_cast %swap3A_660 : vector<1x16xf32> to vector<16xf32>
    %swap3A_662 = vector.shape_cast %broadcast_in_dim3A_1 : vector<16xf32> to vector<1x16xf32>
    tpu.vector_store %arg6[%swap3A_658, %swap3A_659], %swap3A_662 {strides = array<i32>} : memref<125x16xf32, #tpu.memory_space<vmem>>, vector<1x16xf32>,
    %swap3A_663 = arith.constant 110 : i32
    %swap3A_664 = arith.index_cast %swap3A_663 : i32 to index
    %swap3A_665 = arith.constant 0 : index
    %swap3A_666 = tpu.vector_load %arg6[%swap3A_664, %swap3A_665] {strides = array<i32>} : memref<125x16xf32, #tpu.memory_space<vmem>>, vector<1x16xf32>,
    %swap3A_667 = vector.shape_cast %swap3A_666 : vector<1x16xf32> to vector<16xf32>
    %swap3A_668 = vector.shape_cast %broadcast_in_dim3A_1 : vector<16xf32> to vector<1x16xf32>
    tpu.vector_store %arg6[%swap3A_664, %swap3A_665], %swap3A_668 {strides = array<i32>} : memref<125x16xf32, #tpu.memory_space<vmem>>, vector<1x16xf32>,
    %swap3A_669 = arith.constant 111 : i32
    %swap3A_670 = arith.index_cast %swap3A_669 : i32 to index
    %swap3A_671 = arith.constant 0 : index
    %swap3A_672 = tpu.vector_load %arg6[%swap3A_670, %swap3A_671] {strides = array<i32>} : memref<125x16xf32, #tpu.memory_space<vmem>>, vector<1x16xf32>,
    %swap3A_673 = vector.shape_cast %swap3A_672 : vector<1x16xf32> to vector<16xf32>
    %swap3A_674 = vector.shape_cast %broadcast_in_dim3A_1 : vector<16xf32> to vector<1x16xf32>
    tpu.vector_store %arg6[%swap3A_670, %swap3A_671], %swap3A_674 {strides = array<i32>} : memref<125x16xf32, #tpu.memory_space<vmem>>, vector<1x16xf32>,
    %swap3A_675 = arith.constant 112 : i32
    %swap3A_676 = arith.index_cast %swap3A_675 : i32 to index
    %swap3A_677 = arith.constant 0 : index
    %swap3A_678 = tpu.vector_load %arg6[%swap3A_676, %swap3A_677] {strides = array<i32>} : memref<125x16xf32, #tpu.memory_space<vmem>>, vector<1x16xf32>,
    %swap3A_679 = vector.shape_cast %swap3A_678 : vector<1x16xf32> to vector<16xf32>
    %swap3A_680 = vector.shape_cast %broadcast_in_dim3A_1 : vector<16xf32> to vector<1x16xf32>
    tpu.vector_store %arg6[%swap3A_676, %swap3A_677], %swap3A_680 {strides = array<i32>} : memref<125x16xf32, #tpu.memory_space<vmem>>, vector<1x16xf32>,
    %swap3A_681 = arith.constant 113 : i32
    %swap3A_682 = arith.index_cast %swap3A_681 : i32 to index
    %swap3A_683 = arith.constant 0 : index
    %swap3A_684 = tpu.vector_load %arg6[%swap3A_682, %swap3A_683] {strides = array<i32>} : memref<125x16xf32, #tpu.memory_space<vmem>>, vector<1x16xf32>,
    %swap3A_685 = vector.shape_cast %swap3A_684 : vector<1x16xf32> to vector<16xf32>
    %swap3A_686 = vector.shape_cast %broadcast_in_dim3A_1 : vector<16xf32> to vector<1x16xf32>
    tpu.vector_store %arg6[%swap3A_682, %swap3A_683], %swap3A_686 {strides = array<i32>} : memref<125x16xf32, #tpu.memory_space<vmem>>, vector<1x16xf32>,
    %swap3A_687 = arith.constant 114 : i32
    %swap3A_688 = arith.index_cast %swap3A_687 : i32 to index
    %swap3A_689 = arith.constant 0 : index
    %swap3A_690 = tpu.vector_load %arg6[%swap3A_688, %swap3A_689] {strides = array<i32>} : memref<125x16xf32, #tpu.memory_space<vmem>>, vector<1x16xf32>,
    %swap3A_691 = vector.shape_cast %swap3A_690 : vector<1x16xf32> to vector<16xf32>
    %swap3A_692 = vector.shape_cast %broadcast_in_dim3A_1 : vector<16xf32> to vector<1x16xf32>
    tpu.vector_store %arg6[%swap3A_688, %swap3A_689], %swap3A_692 {strides = array<i32>} : memref<125x16xf32, #tpu.memory_space<vmem>>, vector<1x16xf32>,
    %swap3A_693 = arith.constant 115 : i32
    %swap3A_694 = arith.index_cast %swap3A_693 : i32 to index
    %swap3A_695 = arith.constant 0 : index
    %swap3A_696 = tpu.vector_load %arg6[%swap3A_694, %swap3A_695] {strides = array<i32>} : memref<125x16xf32, #tpu.memory_space<vmem>>, vector<1x16xf32>,
    %swap3A_697 = vector.shape_cast %swap3A_696 : vector<1x16xf32> to vector<16xf32>
    %swap3A_698 = vector.shape_cast %broadcast_in_dim3A_1 : vector<16xf32> to vector<1x16xf32>
    tpu.vector_store %arg6[%swap3A_694, %swap3A_695], %swap3A_698 {strides = array<i32>} : memref<125x16xf32, #tpu.memory_space<vmem>>, vector<1x16xf32>,
    %swap3A_699 = arith.constant 116 : i32
    %swap3A_700 = arith.index_cast %swap3A_699 : i32 to index
    %swap3A_701 = arith.constant 0 : index
    %swap3A_702 = tpu.vector_load %arg6[%swap3A_700, %swap3A_701] {strides = array<i32>} : memref<125x16xf32, #tpu.memory_space<vmem>>, vector<1x16xf32>,
    %swap3A_703 = vector.shape_cast %swap3A_702 : vector<1x16xf32> to vector<16xf32>
    %swap3A_704 = vector.shape_cast %broadcast_in_dim3A_1 : vector<16xf32> to vector<1x16xf32>
    tpu.vector_store %arg6[%swap3A_700, %swap3A_701], %swap3A_704 {strides = array<i32>} : memref<125x16xf32, #tpu.memory_space<vmem>>, vector<1x16xf32>,
    %swap3A_705 = arith.constant 117 : i32
    %swap3A_706 = arith.index_cast %swap3A_705 : i32 to index
    %swap3A_707 = arith.constant 0 : index
    %swap3A_708 = tpu.vector_load %arg6[%swap3A_706, %swap3A_707] {strides = array<i32>} : memref<125x16xf32, #tpu.memory_space<vmem>>, vector<1x16xf32>,
    %swap3A_709 = vector.shape_cast %swap3A_708 : vector<1x16xf32> to vector<16xf32>
    %swap3A_710 = vector.shape_cast %broadcast_in_dim3A_1 : vector<16xf32> to vector<1x16xf32>
    tpu.vector_store %arg6[%swap3A_706, %swap3A_707], %swap3A_710 {strides = array<i32>} : memref<125x16xf32, #tpu.memory_space<vmem>>, vector<1x16xf32>,
    %swap3A_711 = arith.constant 118 : i32
    %swap3A_712 = arith.index_cast %swap3A_711 : i32 to index
    %swap3A_713 = arith.constant 0 : index
    %swap3A_714 = tpu.vector_load %arg6[%swap3A_712, %swap3A_713] {strides = array<i32>} : memref<125x16xf32, #tpu.memory_space<vmem>>, vector<1x16xf32>,
    %swap3A_715 = vector.shape_cast %swap3A_714 : vector<1x16xf32> to vector<16xf32>
    %swap3A_716 = vector.shape_cast %broadcast_in_dim3A_1 : vector<16xf32> to vector<1x16xf32>
    tpu.vector_store %arg6[%swap3A_712, %swap3A_713], %swap3A_716 {strides = array<i32>} : memref<125x16xf32, #tpu.memory_space<vmem>>, vector<1x16xf32>,
    %swap3A_717 = arith.constant 119 : i32
    %swap3A_718 = arith.index_cast %swap3A_717 : i32 to index
    %swap3A_719 = arith.constant 0 : index
    %swap3A_720 = tpu.vector_load %arg6[%swap3A_718, %swap3A_719] {strides = array<i32>} : memref<125x16xf32, #tpu.memory_space<vmem>>, vector<1x16xf32>,
    %swap3A_721 = vector.shape_cast %swap3A_720 : vector<1x16xf32> to vector<16xf32>
    %swap3A_722 = vector.shape_cast %broadcast_in_dim3A_1 : vector<16xf32> to vector<1x16xf32>
    tpu.vector_store %arg6[%swap3A_718, %swap3A_719], %swap3A_722 {strides = array<i32>} : memref<125x16xf32, #tpu.memory_space<vmem>>, vector<1x16xf32>,
    %swap3A_723 = arith.constant 120 : i32
    %swap3A_724 = arith.index_cast %swap3A_723 : i32 to index
    %swap3A_725 = arith.constant 0 : index
    %swap3A_726 = tpu.vector_load %arg6[%swap3A_724, %swap3A_725] {strides = array<i32>} : memref<125x16xf32, #tpu.memory_space<vmem>>, vector<1x16xf32>,
    %swap3A_727 = vector.shape_cast %swap3A_726 : vector<1x16xf32> to vector<16xf32>
    %swap3A_728 = vector.shape_cast %broadcast_in_dim3A_1 : vector<16xf32> to vector<1x16xf32>
    tpu.vector_store %arg6[%swap3A_724, %swap3A_725], %swap3A_728 {strides = array<i32>} : memref<125x16xf32, #tpu.memory_space<vmem>>, vector<1x16xf32>,
    %swap3A_729 = arith.constant 121 : i32
    %swap3A_730 = arith.index_cast %swap3A_729 : i32 to index
    %swap3A_731 = arith.constant 0 : index
    %swap3A_732 = tpu.vector_load %arg6[%swap3A_730, %swap3A_731] {strides = array<i32>} : memref<125x16xf32, #tpu.memory_space<vmem>>, vector<1x16xf32>,
    %swap3A_733 = vector.shape_cast %swap3A_732 : vector<1x16xf32> to vector<16xf32>
    %swap3A_734 = vector.shape_cast %broadcast_in_dim3A_1 : vector<16xf32> to vector<1x16xf32>
    tpu.vector_store %arg6[%swap3A_730, %swap3A_731], %swap3A_734 {strides = array<i32>} : memref<125x16xf32, #tpu.memory_space<vmem>>, vector<1x16xf32>,
    %swap3A_735 = arith.constant 122 : i32
    %swap3A_736 = arith.index_cast %swap3A_735 : i32 to index
    %swap3A_737 = arith.constant 0 : index
    %swap3A_738 = tpu.vector_load %arg6[%swap3A_736, %swap3A_737] {strides = array<i32>} : memref<125x16xf32, #tpu.memory_space<vmem>>, vector<1x16xf32>,
    %swap3A_739 = vector.shape_cast %swap3A_738 : vector<1x16xf32> to vector<16xf32>
    %swap3A_740 = vector.shape_cast %broadcast_in_dim3A_1 : vector<16xf32> to vector<1x16xf32>
    tpu.vector_store %arg6[%swap3A_736, %swap3A_737], %swap3A_740 {strides = array<i32>} : memref<125x16xf32, #tpu.memory_space<vmem>>, vector<1x16xf32>,
    %swap3A_741 = arith.constant 123 : i32
    %swap3A_742 = arith.index_cast %swap3A_741 : i32 to index
    %swap3A_743 = arith.constant 0 : index
    %swap3A_744 = tpu.vector_load %arg6[%swap3A_742, %swap3A_743] {strides = array<i32>} : memref<125x16xf32, #tpu.memory_space<vmem>>, vector<1x16xf32>,
    %swap3A_745 = vector.shape_cast %swap3A_744 : vector<1x16xf32> to vector<16xf32>
    %swap3A_746 = vector.shape_cast %broadcast_in_dim3A_1 : vector<16xf32> to vector<1x16xf32>
    tpu.vector_store %arg6[%swap3A_742, %swap3A_743], %swap3A_746 {strides = array<i32>} : memref<125x16xf32, #tpu.memory_space<vmem>>, vector<1x16xf32>,
    %swap3A_747 = arith.constant 124 : i32
    %swap3A_748 = arith.index_cast %swap3A_747 : i32 to index
    %swap3A_749 = arith.constant 0 : index
    %swap3A_750 = tpu.vector_load %arg6[%swap3A_748, %swap3A_749] {strides = array<i32>} : memref<125x16xf32, #tpu.memory_space<vmem>>, vector<1x16xf32>,
    %swap3A_751 = vector.shape_cast %swap3A_750 : vector<1x16xf32> to vector<16xf32>
    %swap3A_752 = vector.shape_cast %broadcast_in_dim3A_1 : vector<16xf32> to vector<1x16xf32>
    tpu.vector_store %arg6[%swap3A_748, %swap3A_749], %swap3A_752 {strides = array<i32>} : memref<125x16xf32, #tpu.memory_space<vmem>>, vector<1x16xf32>,
    %swap3A_753 = arith.constant 0 : i32
    %swap3A_754 = arith.index_cast %swap3A_753 : i32 to index
    %swap3A_755 = arith.constant 0 : index
    %swap3A_756 = tpu.vector_load %arg7[%swap3A_754, %swap3A_755] {strides = array<i32>} : memref<16x16xf32, #tpu.memory_space<vmem>>, vector<1x16xf32>,
    %swap3A_757 = vector.shape_cast %swap3A_756 : vector<1x16xf32> to vector<16xf32>
    %swap3A_758 = vector.shape_cast %broadcast_in_dim3A_3 : vector<16xf32> to vector<1x16xf32>
    tpu.vector_store %arg7[%swap3A_754, %swap3A_755], %swap3A_758 {strides = array<i32>} : memref<16x16xf32, #tpu.memory_space<vmem>>, vector<1x16xf32>,
    %swap3A_759 = arith.constant 1 : i32
    %swap3A_760 = arith.index_cast %swap3A_759 : i32 to index
    %swap3A_761 = arith.constant 0 : index
    %swap3A_762 = tpu.vector_load %arg7[%swap3A_760, %swap3A_761] {strides = array<i32>} : memref<16x16xf32, #tpu.memory_space<vmem>>, vector<1x16xf32>,
    %swap3A_763 = vector.shape_cast %swap3A_762 : vector<1x16xf32> to vector<16xf32>
    %swap3A_764 = vector.shape_cast %broadcast_in_dim3A_3 : vector<16xf32> to vector<1x16xf32>
    tpu.vector_store %arg7[%swap3A_760, %swap3A_761], %swap3A_764 {strides = array<i32>} : memref<16x16xf32, #tpu.memory_space<vmem>>, vector<1x16xf32>,
    %swap3A_765 = arith.constant 2 : i32
    %swap3A_766 = arith.index_cast %swap3A_765 : i32 to index
    %swap3A_767 = arith.constant 0 : index
    %swap3A_768 = tpu.vector_load %arg7[%swap3A_766, %swap3A_767] {strides = array<i32>} : memref<16x16xf32, #tpu.memory_space<vmem>>, vector<1x16xf32>,
    %swap3A_769 = vector.shape_cast %swap3A_768 : vector<1x16xf32> to vector<16xf32>
    %swap3A_770 = vector.shape_cast %broadcast_in_dim3A_3 : vector<16xf32> to vector<1x16xf32>
    tpu.vector_store %arg7[%swap3A_766, %swap3A_767], %swap3A_770 {strides = array<i32>} : memref<16x16xf32, #tpu.memory_space<vmem>>, vector<1x16xf32>,
    %swap3A_771 = arith.constant 3 : i32
    %swap3A_772 = arith.index_cast %swap3A_771 : i32 to index
    %swap3A_773 = arith.constant 0 : index
    %swap3A_774 = tpu.vector_load %arg7[%swap3A_772, %swap3A_773] {strides = array<i32>} : memref<16x16xf32, #tpu.memory_space<vmem>>, vector<1x16xf32>,
    %swap3A_775 = vector.shape_cast %swap3A_774 : vector<1x16xf32> to vector<16xf32>
    %swap3A_776 = vector.shape_cast %broadcast_in_dim3A_3 : vector<16xf32> to vector<1x16xf32>
    tpu.vector_store %arg7[%swap3A_772, %swap3A_773], %swap3A_776 {strides = array<i32>} : memref<16x16xf32, #tpu.memory_space<vmem>>, vector<1x16xf32>,
    %swap3A_777 = arith.constant 4 : i32
    %swap3A_778 = arith.index_cast %swap3A_777 : i32 to index
    %swap3A_779 = arith.constant 0 : index
    %swap3A_780 = tpu.vector_load %arg7[%swap3A_778, %swap3A_779] {strides = array<i32>} : memref<16x16xf32, #tpu.memory_space<vmem>>, vector<1x16xf32>,
    %swap3A_781 = vector.shape_cast %swap3A_780 : vector<1x16xf32> to vector<16xf32>
    %swap3A_782 = vector.shape_cast %broadcast_in_dim3A_3 : vector<16xf32> to vector<1x16xf32>
    tpu.vector_store %arg7[%swap3A_778, %swap3A_779], %swap3A_782 {strides = array<i32>} : memref<16x16xf32, #tpu.memory_space<vmem>>, vector<1x16xf32>,
    %swap3A_783 = arith.constant 5 : i32
    %swap3A_784 = arith.index_cast %swap3A_783 : i32 to index
    %swap3A_785 = arith.constant 0 : index
    %swap3A_786 = tpu.vector_load %arg7[%swap3A_784, %swap3A_785] {strides = array<i32>} : memref<16x16xf32, #tpu.memory_space<vmem>>, vector<1x16xf32>,
    %swap3A_787 = vector.shape_cast %swap3A_786 : vector<1x16xf32> to vector<16xf32>
    %swap3A_788 = vector.shape_cast %broadcast_in_dim3A_3 : vector<16xf32> to vector<1x16xf32>
    tpu.vector_store %arg7[%swap3A_784, %swap3A_785], %swap3A_788 {strides = array<i32>} : memref<16x16xf32, #tpu.memory_space<vmem>>, vector<1x16xf32>,
    %swap3A_789 = arith.constant 6 : i32
    %swap3A_790 = arith.index_cast %swap3A_789 : i32 to index
    %swap3A_791 = arith.constant 0 : index
    %swap3A_792 = tpu.vector_load %arg7[%swap3A_790, %swap3A_791] {strides = array<i32>} : memref<16x16xf32, #tpu.memory_space<vmem>>, vector<1x16xf32>,
    %swap3A_793 = vector.shape_cast %swap3A_792 : vector<1x16xf32> to vector<16xf32>
    %swap3A_794 = vector.shape_cast %broadcast_in_dim3A_3 : vector<16xf32> to vector<1x16xf32>
    tpu.vector_store %arg7[%swap3A_790, %swap3A_791], %swap3A_794 {strides = array<i32>} : memref<16x16xf32, #tpu.memory_space<vmem>>, vector<1x16xf32>,
    %swap3A_795 = arith.constant 7 : i32
    %swap3A_796 = arith.index_cast %swap3A_795 : i32 to index
    %swap3A_797 = arith.constant 0 : index
    %swap3A_798 = tpu.vector_load %arg7[%swap3A_796, %swap3A_797] {strides = array<i32>} : memref<16x16xf32, #tpu.memory_space<vmem>>, vector<1x16xf32>,
    %swap3A_799 = vector.shape_cast %swap3A_798 : vector<1x16xf32> to vector<16xf32>
    %swap3A_800 = vector.shape_cast %broadcast_in_dim3A_3 : vector<16xf32> to vector<1x16xf32>
    tpu.vector_store %arg7[%swap3A_796, %swap3A_797], %swap3A_800 {strides = array<i32>} : memref<16x16xf32, #tpu.memory_space<vmem>>, vector<1x16xf32>,
    %swap3A_801 = arith.constant 8 : i32
    %swap3A_802 = arith.index_cast %swap3A_801 : i32 to index
    %swap3A_803 = arith.constant 0 : index
    %swap3A_804 = tpu.vector_load %arg7[%swap3A_802, %swap3A_803] {strides = array<i32>} : memref<16x16xf32, #tpu.memory_space<vmem>>, vector<1x16xf32>,
    %swap3A_805 = vector.shape_cast %swap3A_804 : vector<1x16xf32> to vector<16xf32>
    %swap3A_806 = vector.shape_cast %broadcast_in_dim3A_3 : vector<16xf32> to vector<1x16xf32>
    tpu.vector_store %arg7[%swap3A_802, %swap3A_803], %swap3A_806 {strides = array<i32>} : memref<16x16xf32, #tpu.memory_space<vmem>>, vector<1x16xf32>,
    %swap3A_807 = arith.constant 9 : i32
    %swap3A_808 = arith.index_cast %swap3A_807 : i32 to index
    %swap3A_809 = arith.constant 0 : index
    %swap3A_810 = tpu.vector_load %arg7[%swap3A_808, %swap3A_809] {strides = array<i32>} : memref<16x16xf32, #tpu.memory_space<vmem>>, vector<1x16xf32>,
    %swap3A_811 = vector.shape_cast %swap3A_810 : vector<1x16xf32> to vector<16xf32>
    %swap3A_812 = vector.shape_cast %broadcast_in_dim3A_3 : vector<16xf32> to vector<1x16xf32>
    tpu.vector_store %arg7[%swap3A_808, %swap3A_809], %swap3A_812 {strides = array<i32>} : memref<16x16xf32, #tpu.memory_space<vmem>>, vector<1x16xf32>,
    %swap3A_813 = arith.constant 10 : i32
    %swap3A_814 = arith.index_cast %swap3A_813 : i32 to index
    %swap3A_815 = arith.constant 0 : index
    %swap3A_816 = tpu.vector_load %arg7[%swap3A_814, %swap3A_815] {strides = array<i32>} : memref<16x16xf32, #tpu.memory_space<vmem>>, vector<1x16xf32>,
    %swap3A_817 = vector.shape_cast %swap3A_816 : vector<1x16xf32> to vector<16xf32>
    %swap3A_818 = vector.shape_cast %broadcast_in_dim3A_3 : vector<16xf32> to vector<1x16xf32>
    tpu.vector_store %arg7[%swap3A_814, %swap3A_815], %swap3A_818 {strides = array<i32>} : memref<16x16xf32, #tpu.memory_space<vmem>>, vector<1x16xf32>,
    %swap3A_819 = arith.constant 11 : i32
    %swap3A_820 = arith.index_cast %swap3A_819 : i32 to index
    %swap3A_821 = arith.constant 0 : index
    %swap3A_822 = tpu.vector_load %arg7[%swap3A_820, %swap3A_821] {strides = array<i32>} : memref<16x16xf32, #tpu.memory_space<vmem>>, vector<1x16xf32>,
    %swap3A_823 = vector.shape_cast %swap3A_822 : vector<1x16xf32> to vector<16xf32>
    %swap3A_824 = vector.shape_cast %broadcast_in_dim3A_3 : vector<16xf32> to vector<1x16xf32>
    tpu.vector_store %arg7[%swap3A_820, %swap3A_821], %swap3A_824 {strides = array<i32>} : memref<16x16xf32, #tpu.memory_space<vmem>>, vector<1x16xf32>,
    %swap3A_825 = arith.constant 12 : i32
    %swap3A_826 = arith.index_cast %swap3A_825 : i32 to index
    %swap3A_827 = arith.constant 0 : index
    %swap3A_828 = tpu.vector_load %arg7[%swap3A_826, %swap3A_827] {strides = array<i32>} : memref<16x16xf32, #tpu.memory_space<vmem>>, vector<1x16xf32>,
    %swap3A_829 = vector.shape_cast %swap3A_828 : vector<1x16xf32> to vector<16xf32>
    %swap3A_830 = vector.shape_cast %broadcast_in_dim3A_3 : vector<16xf32> to vector<1x16xf32>
    tpu.vector_store %arg7[%swap3A_826, %swap3A_827], %swap3A_830 {strides = array<i32>} : memref<16x16xf32, #tpu.memory_space<vmem>>, vector<1x16xf32>,
    %swap3A_831 = arith.constant 13 : i32
    %swap3A_832 = arith.index_cast %swap3A_831 : i32 to index
    %swap3A_833 = arith.constant 0 : index
    %swap3A_834 = tpu.vector_load %arg7[%swap3A_832, %swap3A_833] {strides = array<i32>} : memref<16x16xf32, #tpu.memory_space<vmem>>, vector<1x16xf32>,
    %swap3A_835 = vector.shape_cast %swap3A_834 : vector<1x16xf32> to vector<16xf32>
    %swap3A_836 = vector.shape_cast %broadcast_in_dim3A_3 : vector<16xf32> to vector<1x16xf32>
    tpu.vector_store %arg7[%swap3A_832, %swap3A_833], %swap3A_836 {strides = array<i32>} : memref<16x16xf32, #tpu.memory_space<vmem>>, vector<1x16xf32>,
    %swap3A_837 = arith.constant 14 : i32
    %swap3A_838 = arith.index_cast %swap3A_837 : i32 to index
    %swap3A_839 = arith.constant 0 : index
    %swap3A_840 = tpu.vector_load %arg7[%swap3A_838, %swap3A_839] {strides = array<i32>} : memref<16x16xf32, #tpu.memory_space<vmem>>, vector<1x16xf32>,
    %swap3A_841 = vector.shape_cast %swap3A_840 : vector<1x16xf32> to vector<16xf32>
    %swap3A_842 = vector.shape_cast %broadcast_in_dim3A_3 : vector<16xf32> to vector<1x16xf32>
    tpu.vector_store %arg7[%swap3A_838, %swap3A_839], %swap3A_842 {strides = array<i32>} : memref<16x16xf32, #tpu.memory_space<vmem>>, vector<1x16xf32>,
    %swap3A_843 = arith.constant 15 : i32
    %swap3A_844 = arith.index_cast %swap3A_843 : i32 to index
    %swap3A_845 = arith.constant 0 : index
    %swap3A_846 = tpu.vector_load %arg7[%swap3A_844, %swap3A_845] {strides = array<i32>} : memref<16x16xf32, #tpu.memory_space<vmem>>, vector<1x16xf32>,
    %swap3A_847 = vector.shape_cast %swap3A_846 : vector<1x16xf32> to vector<16xf32>
    %swap3A_848 = vector.shape_cast %broadcast_in_dim3A_3 : vector<16xf32> to vector<1x16xf32>
    tpu.vector_store %arg7[%swap3A_844, %swap3A_845], %swap3A_848 {strides = array<i32>} : memref<16x16xf32, #tpu.memory_space<vmem>>, vector<1x16xf32>,
    %run_scoped3A = arith.constant 1 : i32
    "tpu.region"() ({
      %run_scoped3A_875 = tpu.sem_alloc : memref<!tpu.dma_semaphore, #tpu.memory_space<semaphore_mem>>
      %dma_start3A = arith.constant 0 : i32
      %dma_start3A_876 = arith.constant 0 : i32
      %dma_start3A_877 = tpu.memref_slice %arg2[%run_scoped3A, %add3A, %dma_start3A, %dma_start3A_876] : memref<2x32x80x125xi32, #tpu.memory_space<hbm>> -> memref<1x1x80x125xi32, #tpu.memory_space<hbm>>
      %dma_start3A_878 = tpu.memref_squeeze %dma_start3A_877 : memref<1x1x80x125xi32, #tpu.memory_space<hbm>> -> memref<80x125xi32, #tpu.memory_space<hbm>>
      %dma_start3A_879 = arith.constant 0 : i32
      %dma_start3A_880 = arith.constant 0 : i32
      %dma_start3A_881 = tpu.memref_slice %arg2[%run_scoped3A, %add3A, %dma_start3A_879, %dma_start3A_880] : memref<2x32x80x125xi32, #tpu.memory_space<hbm>> -> memref<1x1x80x125xi32, #tpu.memory_space<hbm>>
      %dma_start3A_882 = tpu.memref_squeeze %dma_start3A_881 : memref<1x1x80x125xi32, #tpu.memory_space<hbm>> -> memref<80x125xi32, #tpu.memory_space<hbm>>
      tpu.enqueue_dma source(%dma_start3A_882 : memref<80x125xi32, #tpu.memory_space<hbm>>) target(%arg5 : memref<80x125xi32, #tpu.memory_space<vmem>>) target_semaphore(%run_scoped3A_875 : memref<!tpu.dma_semaphore, #tpu.memory_space<semaphore_mem>>)
      %dma_wait3A = arith.constant 0 : i32
      %dma_wait3A_883 = arith.constant 0 : i32
      %dma_wait3A_884 = tpu.memref_slice %arg2[%run_scoped3A, %add3A, %dma_wait3A, %dma_wait3A_883] : memref<2x32x80x125xi32, #tpu.memory_space<hbm>> -> memref<1x1x80x125xi32, #tpu.memory_space<hbm>>
      %dma_wait3A_885 = tpu.memref_squeeze %dma_wait3A_884 : memref<1x1x80x125xi32, #tpu.memory_space<hbm>> -> memref<80x125xi32, #tpu.memory_space<hbm>>
      %dma_wait3A_886 = arith.constant 0 : i32
      %dma_wait3A_887 = arith.constant 0 : i32
      %dma_wait3A_888 = tpu.memref_slice %arg2[%run_scoped3A, %add3A, %dma_wait3A_886, %dma_wait3A_887] : memref<2x32x80x125xi32, #tpu.memory_space<hbm>> -> memref<1x1x80x125xi32, #tpu.memory_space<hbm>>
      %dma_wait3A_889 = tpu.memref_squeeze %dma_wait3A_888 : memref<1x1x80x125xi32, #tpu.memory_space<hbm>> -> memref<80x125xi32, #tpu.memory_space<hbm>>
      tpu.wait_dma2 semaphore(%run_scoped3A_875 : memref<!tpu.dma_semaphore, #tpu.memory_space<semaphore_mem>>) src(%dma_wait3A_889 : memref<80x125xi32, #tpu.memory_space<hbm>>) dst(%arg5 : memref<80x125xi32, #tpu.memory_space<vmem>>)
      tpu.yield
    }) : () -> ()
    %scan3A = arith.constant 0 : i32
    %scan3A_849 = arith.constant 0 : i32
    %scan3A_850 = arith.constant 39 : i32
    %scan3A_851 = arith.addi %scan3A_849, %scan3A_850 : i32
    %scan3A_852 = arith.constant 1 : i32
    %scan3A_853 = scf.for %scan3A_875 = %scan3A_849 to %scan3A_851 step %scan3A_852 iter_args(%scan3A_876 = %scan3A) -> (i32)  : i32 {
      %mul3A_877 = arith.constant 624 : i32
      %mul3A_878 = arith.muli %arg1, %mul3A_877 : i32
      %mul3A_879 = arith.constant 16 : i32
      %mul3A_880 = arith.muli %scan3A_875, %mul3A_879 : i32
      %add3A_881 = arith.addi %mul3A_878, %mul3A_880 : i32
      "tpu.region"() ({
        %run_scoped3A_883 = tpu.sem_alloc : memref<!tpu.dma_semaphore, #tpu.memory_space<semaphore_mem>>
        %dma_start3A = arith.constant 0 : i32
        %dma_start3A_884 = tpu.memref_slice %arg8[%add3A_881, %dma_start3A] : memref<10000x16xf32, #tpu.memory_space<vmem_shared>> -> memref<16x16xf32, #tpu.memory_space<vmem_shared>>
        %dma_start3A_885 = arith.constant 0 : i32
        %dma_start3A_886 = tpu.memref_slice %arg8[%add3A_881, %dma_start3A_885] : memref<10000x16xf32, #tpu.memory_space<vmem_shared>> -> memref<16x16xf32, #tpu.memory_space<vmem_shared>>
        tpu.enqueue_dma source(%arg7 : memref<16x16xf32, #tpu.memory_space<vmem>>) target(%dma_start3A_886 : memref<16x16xf32, #tpu.memory_space<vmem_shared>>) target_semaphore(%run_scoped3A_883 : memref<!tpu.dma_semaphore, #tpu.memory_space<semaphore_mem>>)
        %dma_wait3A = arith.constant 0 : i32
        %dma_wait3A_887 = tpu.memref_slice %arg8[%add3A_881, %dma_wait3A] : memref<10000x16xf32, #tpu.memory_space<vmem_shared>> -> memref<16x16xf32, #tpu.memory_space<vmem_shared>>
        %dma_wait3A_888 = arith.constant 0 : i32
        %dma_wait3A_889 = tpu.memref_slice %arg8[%add3A_881, %dma_wait3A_888] : memref<10000x16xf32, #tpu.memory_space<vmem_shared>> -> memref<16x16xf32, #tpu.memory_space<vmem_shared>>
        tpu.wait_dma2 semaphore(%run_scoped3A_883 : memref<!tpu.dma_semaphore, #tpu.memory_space<semaphore_mem>>) src(%arg7 : memref<16x16xf32, #tpu.memory_space<vmem>>) dst(%dma_wait3A_889 : memref<16x16xf32, #tpu.memory_space<vmem_shared>>)
        tpu.yield
      }) : () -> ()
      %scan3A_882 = arith.constant 0 : i32
      scf.yield %scan3A_882 : i32
    }
    %scan3A_854 = arith.constant 39 : i32
    %eq3A = arith.constant 15 : i32
    %eq3A_855 = arith.cmpi eq, %arg1, %eq3A : i32
    %convert_element_type3A = arith.extui %eq3A_855 : i1 to i32
    %cond3A = arith.constant 0 : i32
    %cond3A_856 = arith.cmpi ne, %convert_element_type3A, %cond3A : i32
    scf.if %cond3A_856 {
      "tpu.region"() ({
        %run_scoped3A_875 = tpu.sem_alloc : memref<!tpu.dma_semaphore, #tpu.memory_space<semaphore_mem>>
        %dma_start3A = arith.constant 0 : i32
        %dma_start3A_876 = arith.constant 0 : i32
        %dma_start3A_877 = tpu.memref_slice %arg7[%dma_start3A, %dma_start3A_876] : memref<16x16xf32, #tpu.memory_space<vmem>> -> memref<16x16xf32, #tpu.memory_space<vmem>>
        %dma_start3A_878 = arith.constant 9984 : i32
        %dma_start3A_879 = arith.constant 0 : i32
        %dma_start3A_880 = tpu.memref_slice %arg8[%dma_start3A_878, %dma_start3A_879] : memref<10000x16xf32, #tpu.memory_space<vmem_shared>> -> memref<16x16xf32, #tpu.memory_space<vmem_shared>>
        %dma_start3A_881 = arith.constant 9984 : i32
        %dma_start3A_882 = arith.constant 0 : i32
        %dma_start3A_883 = tpu.memref_slice %arg8[%dma_start3A_881, %dma_start3A_882] : memref<10000x16xf32, #tpu.memory_space<vmem_shared>> -> memref<16x16xf32, #tpu.memory_space<vmem_shared>>
        %dma_start3A_884 = arith.constant 0 : i32
        %dma_start3A_885 = arith.constant 0 : i32
        %dma_start3A_886 = tpu.memref_slice %arg7[%dma_start3A_884, %dma_start3A_885] : memref<16x16xf32, #tpu.memory_space<vmem>> -> memref<16x16xf32, #tpu.memory_space<vmem>>
        tpu.enqueue_dma source(%dma_start3A_886 : memref<16x16xf32, #tpu.memory_space<vmem>>) target(%dma_start3A_883 : memref<16x16xf32, #tpu.memory_space<vmem_shared>>) target_semaphore(%run_scoped3A_875 : memref<!tpu.dma_semaphore, #tpu.memory_space<semaphore_mem>>)
        %dma_wait3A = arith.constant 0 : i32
        %dma_wait3A_887 = arith.constant 0 : i32
        %dma_wait3A_888 = tpu.memref_slice %arg7[%dma_wait3A, %dma_wait3A_887] : memref<16x16xf32, #tpu.memory_space<vmem>> -> memref<16x16xf32, #tpu.memory_space<vmem>>
        %dma_wait3A_889 = arith.constant 9984 : i32
        %dma_wait3A_890 = arith.constant 0 : i32
        %dma_wait3A_891 = tpu.memref_slice %arg8[%dma_wait3A_889, %dma_wait3A_890] : memref<10000x16xf32, #tpu.memory_space<vmem_shared>> -> memref<16x16xf32, #tpu.memory_space<vmem_shared>>
        %dma_wait3A_892 = arith.constant 9984 : i32
        %dma_wait3A_893 = arith.constant 0 : i32
        %dma_wait3A_894 = tpu.memref_slice %arg8[%dma_wait3A_892, %dma_wait3A_893] : memref<10000x16xf32, #tpu.memory_space<vmem_shared>> -> memref<16x16xf32, #tpu.memory_space<vmem_shared>>
        %dma_wait3A_895 = arith.constant 0 : i32
        %dma_wait3A_896 = arith.constant 0 : i32
        %dma_wait3A_897 = tpu.memref_slice %arg7[%dma_wait3A_895, %dma_wait3A_896] : memref<16x16xf32, #tpu.memory_space<vmem>> -> memref<16x16xf32, #tpu.memory_space<vmem>>
        tpu.wait_dma2 semaphore(%run_scoped3A_875 : memref<!tpu.dma_semaphore, #tpu.memory_space<semaphore_mem>>) src(%dma_wait3A_897 : memref<16x16xf32, #tpu.memory_space<vmem>>) dst(%dma_wait3A_894 : memref<16x16xf32, #tpu.memory_space<vmem_shared>>)
        tpu.yield
      }) : () -> ()
    } else {
    }
    %barrier3A = arith.constant 0 : index
    tpu.barrier barrier_id(%barrier3A)
    %scan3A_857 = arith.constant 0 : i32
    %scan3A_858 = arith.constant 0 : i32
    %scan3A_859 = arith.constant 80 : i32
    %scan3A_860 = arith.addi %scan3A_858, %scan3A_859 : i32
    %scan3A_861 = arith.constant 1 : i32
    %scan3A_862 = scf.for %scan3A_875 = %scan3A_858 to %scan3A_860 step %scan3A_861 iter_args(%scan3A_876 = %scan3A_857) -> (i32)  : i32 {
      "tpu.region"() ({
        %run_scoped3A_878 = tpu.sem_alloc : memref<!tpu.dma_semaphore, #tpu.memory_space<semaphore_mem>>
        %dma_start3A = arith.constant 0 : i32
        %dma_start3A_879 = tpu.memref_slice %arg5[%scan3A_875, %dma_start3A] : memref<80x125xi32, #tpu.memory_space<vmem>> -> memref<1x125xi32, #tpu.memory_space<vmem>>
        %dma_start3A_880 = tpu.memref_squeeze %dma_start3A_879 : memref<1x125xi32, #tpu.memory_space<vmem>> -> memref<125xi32, #tpu.memory_space<vmem>>
        %dma_start3A_881 = arith.constant 0 : i32
        %dma_start3A_882 = arith.constant 0 : i32
        %dma_start3A_883 = tpu.memref_slice %arg8[%dma_start3A_881, %dma_start3A_882] : memref<10000x16xf32, #tpu.memory_space<vmem_shared>> -> memref<10000x16xf32, #tpu.memory_space<vmem_shared>>
        tpu.enqueue_indirect_dma source(%arg6 : memref<125x16xf32, #tpu.memory_space<vmem>>) target(%dma_start3A_883 : memref<10000x16xf32, #tpu.memory_space<vmem_shared>>) offsets(%dma_start3A_880 : memref<125xi32, #tpu.memory_space<vmem>>) semaphore(%run_scoped3A_878 : memref<!tpu.dma_semaphore, #tpu.memory_space<semaphore_mem>>) {add = true}
        %dma_wait3A = arith.constant 0 : i32
        %dma_wait3A_884 = tpu.memref_slice %arg5[%scan3A_875, %dma_wait3A] : memref<80x125xi32, #tpu.memory_space<vmem>> -> memref<1x125xi32, #tpu.memory_space<vmem>>
        %dma_wait3A_885 = tpu.memref_squeeze %dma_wait3A_884 : memref<1x125xi32, #tpu.memory_space<vmem>> -> memref<125xi32, #tpu.memory_space<vmem>>
        %dma_wait3A_886 = arith.constant 0 : i32
        %dma_wait3A_887 = arith.constant 0 : i32
        %dma_wait3A_888 = tpu.memref_slice %arg8[%dma_wait3A_886, %dma_wait3A_887] : memref<10000x16xf32, #tpu.memory_space<vmem_shared>> -> memref<10000x16xf32, #tpu.memory_space<vmem_shared>>
        tpu.wait_indirect_dma semaphore(%run_scoped3A_878 : memref<!tpu.dma_semaphore, #tpu.memory_space<semaphore_mem>>) src(%arg6 : memref<125x16xf32, #tpu.memory_space<vmem>>) dst(%dma_wait3A_888 : memref<10000x16xf32, #tpu.memory_space<vmem_shared>>)
        tpu.yield
      }) : () -> ()
      %scan3A_877 = arith.constant 0 : i32
      scf.yield %scan3A_877 : i32
    }
    %scan3A_863 = arith.constant 80 : i32
    %barrier3A_864 = arith.constant 0 : index
    tpu.barrier barrier_id(%barrier3A_864)
    %eq3A_865 = arith.constant 0 : i32
    %eq3A_866 = arith.cmpi eq, %arg0, %eq3A_865 : i32
    %convert_element_type3A_867 = arith.extui %eq3A_866 : i1 to i32
    %cond3A_868 = arith.constant 0 : i32
    %cond3A_869 = arith.cmpi ne, %convert_element_type3A_867, %cond3A_868 : i32
    scf.if %cond3A_869 {
      %mul3A_875 = arith.constant 624 : i32
      %mul3A_876 = arith.muli %arg1, %mul3A_875 : i32
      "tpu.region"() ({
        %run_scoped3A_882 = tpu.sem_alloc : memref<!tpu.dma_semaphore, #tpu.memory_space<semaphore_mem>>
        %dma_start3A = arith.constant 0 : i32
        %dma_start3A_883 = tpu.memref_slice %arg3[%mul3A_876, %dma_start3A] : memref<10000x16xf32, #tpu.memory_space<hbm>> -> memref<624x16xf32, #tpu.memory_space<hbm>>
        %dma_start3A_884 = arith.constant 0 : i32
        %dma_start3A_885 = tpu.memref_slice %arg8[%mul3A_876, %dma_start3A_884] : memref<10000x16xf32, #tpu.memory_space<vmem_shared>> -> memref<624x16xf32, #tpu.memory_space<vmem_shared>>
        tpu.enqueue_dma source(%dma_start3A_885 : memref<624x16xf32, #tpu.memory_space<vmem_shared>>) target(%dma_start3A_883 : memref<624x16xf32, #tpu.memory_space<hbm>>) target_semaphore(%run_scoped3A_882 : memref<!tpu.dma_semaphore, #tpu.memory_space<semaphore_mem>>)
        %dma_wait3A = arith.constant 0 : i32
        %dma_wait3A_886 = tpu.memref_slice %arg3[%mul3A_876, %dma_wait3A] : memref<10000x16xf32, #tpu.memory_space<hbm>> -> memref<624x16xf32, #tpu.memory_space<hbm>>
        %dma_wait3A_887 = arith.constant 0 : i32
        %dma_wait3A_888 = tpu.memref_slice %arg8[%mul3A_876, %dma_wait3A_887] : memref<10000x16xf32, #tpu.memory_space<vmem_shared>> -> memref<624x16xf32, #tpu.memory_space<vmem_shared>>
        tpu.wait_dma2 semaphore(%run_scoped3A_882 : memref<!tpu.dma_semaphore, #tpu.memory_space<semaphore_mem>>) src(%dma_wait3A_888 : memref<624x16xf32, #tpu.memory_space<vmem_shared>>) dst(%dma_wait3A_886 : memref<624x16xf32, #tpu.memory_space<hbm>>)
        tpu.yield
      }) : () -> ()
      %eq3A_877 = arith.constant 15 : i32
      %eq3A_878 = arith.cmpi eq, %arg1, %eq3A_877 : i32
      %convert_element_type3A_879 = arith.extui %eq3A_878 : i1 to i32
      %cond3A_880 = arith.constant 0 : i32
      %cond3A_881 = arith.cmpi ne, %convert_element_type3A_879, %cond3A_880 : i32
      scf.if %cond3A_881 {
        "tpu.region"() ({
          %run_scoped3A_882 = tpu.sem_alloc : memref<!tpu.dma_semaphore, #tpu.memory_space<semaphore_mem>>
          %dma_start3A = arith.constant 9984 : i32
          %dma_start3A_883 = arith.constant 0 : i32
          %dma_start3A_884 = tpu.memref_slice %arg3[%dma_start3A, %dma_start3A_883] : memref<10000x16xf32, #tpu.memory_space<hbm>> -> memref<16x16xf32, #tpu.memory_space<hbm>>
          %dma_start3A_885 = arith.constant 9984 : i32
          %dma_start3A_886 = arith.constant 0 : i32
          %dma_start3A_887 = tpu.memref_slice %arg8[%dma_start3A_885, %dma_start3A_886] : memref<10000x16xf32, #tpu.memory_space<vmem_shared>> -> memref<16x16xf32, #tpu.memory_space<vmem_shared>>
          tpu.enqueue_dma source(%dma_start3A_887 : memref<16x16xf32, #tpu.memory_space<vmem_shared>>) target(%dma_start3A_884 : memref<16x16xf32, #tpu.memory_space<hbm>>) target_semaphore(%run_scoped3A_882 : memref<!tpu.dma_semaphore, #tpu.memory_space<semaphore_mem>>)
          %dma_wait3A = arith.constant 9984 : i32
          %dma_wait3A_888 = arith.constant 0 : i32
          %dma_wait3A_889 = tpu.memref_slice %arg3[%dma_wait3A, %dma_wait3A_888] : memref<10000x16xf32, #tpu.memory_space<hbm>> -> memref<16x16xf32, #tpu.memory_space<hbm>>
          %dma_wait3A_890 = arith.constant 9984 : i32
          %dma_wait3A_891 = arith.constant 0 : i32
          %dma_wait3A_892 = tpu.memref_slice %arg8[%dma_wait3A_890, %dma_wait3A_891] : memref<10000x16xf32, #tpu.memory_space<vmem_shared>> -> memref<16x16xf32, #tpu.memory_space<vmem_shared>>
          tpu.wait_dma2 semaphore(%run_scoped3A_882 : memref<!tpu.dma_semaphore, #tpu.memory_space<semaphore_mem>>) src(%dma_wait3A_892 : memref<16x16xf32, #tpu.memory_space<vmem_shared>>) dst(%dma_wait3A_889 : memref<16x16xf32, #tpu.memory_space<hbm>>)
          tpu.yield
        }) : () -> ()
      } else {
      }
    } else {
    }
    %eq3A_870 = arith.constant 1 : i32
    %eq3A_871 = arith.cmpi eq, %arg0, %eq3A_870 : i32
    %convert_element_type3A_872 = arith.extui %eq3A_871 : i1 to i32
    %cond3A_873 = arith.constant 0 : i32
    %cond3A_874 = arith.cmpi ne, %convert_element_type3A_872, %cond3A_873 : i32
    scf.if %cond3A_874 {
      %mul3A_875 = arith.constant 624 : i32
      %mul3A_876 = arith.muli %arg1, %mul3A_875 : i32
      "tpu.region"() ({
        %run_scoped3A_882 = tpu.sem_alloc : memref<!tpu.dma_semaphore, #tpu.memory_space<semaphore_mem>>
        %dma_start3A = arith.constant 0 : i32
        %dma_start3A_883 = tpu.memref_slice %arg4[%mul3A_876, %dma_start3A] : memref<10000x16xf32, #tpu.memory_space<hbm>> -> memref<624x16xf32, #tpu.memory_space<hbm>>
        %dma_start3A_884 = arith.constant 0 : i32
        %dma_start3A_885 = tpu.memref_slice %arg8[%mul3A_876, %dma_start3A_884] : memref<10000x16xf32, #tpu.memory_space<vmem_shared>> -> memref<624x16xf32, #tpu.memory_space<vmem_shared>>
        tpu.enqueue_dma source(%dma_start3A_885 : memref<624x16xf32, #tpu.memory_space<vmem_shared>>) target(%dma_start3A_883 : memref<624x16xf32, #tpu.memory_space<hbm>>) target_semaphore(%run_scoped3A_882 : memref<!tpu.dma_semaphore, #tpu.memory_space<semaphore_mem>>)
        %dma_wait3A = arith.constant 0 : i32
        %dma_wait3A_886 = tpu.memref_slice %arg4[%mul3A_876, %dma_wait3A] : memref<10000x16xf32, #tpu.memory_space<hbm>> -> memref<624x16xf32, #tpu.memory_space<hbm>>
        %dma_wait3A_887 = arith.constant 0 : i32
        %dma_wait3A_888 = tpu.memref_slice %arg8[%mul3A_876, %dma_wait3A_887] : memref<10000x16xf32, #tpu.memory_space<vmem_shared>> -> memref<624x16xf32, #tpu.memory_space<vmem_shared>>
        tpu.wait_dma2 semaphore(%run_scoped3A_882 : memref<!tpu.dma_semaphore, #tpu.memory_space<semaphore_mem>>) src(%dma_wait3A_888 : memref<624x16xf32, #tpu.memory_space<vmem_shared>>) dst(%dma_wait3A_886 : memref<624x16xf32, #tpu.memory_space<hbm>>)
        tpu.yield
      }) : () -> ()
      %eq3A_877 = arith.constant 15 : i32
      %eq3A_878 = arith.cmpi eq, %arg1, %eq3A_877 : i32
      %convert_element_type3A_879 = arith.extui %eq3A_878 : i1 to i32
      %cond3A_880 = arith.constant 0 : i32
      %cond3A_881 = arith.cmpi ne, %convert_element_type3A_879, %cond3A_880 : i32
      scf.if %cond3A_881 {
        "tpu.region"() ({
          %run_scoped3A_882 = tpu.sem_alloc : memref<!tpu.dma_semaphore, #tpu.memory_space<semaphore_mem>>
          %dma_start3A = arith.constant 9984 : i32
          %dma_start3A_883 = arith.constant 0 : i32
          %dma_start3A_884 = tpu.memref_slice %arg4[%dma_start3A, %dma_start3A_883] : memref<10000x16xf32, #tpu.memory_space<hbm>> -> memref<16x16xf32, #tpu.memory_space<hbm>>
          %dma_start3A_885 = arith.constant 9984 : i32
          %dma_start3A_886 = arith.constant 0 : i32
          %dma_start3A_887 = tpu.memref_slice %arg8[%dma_start3A_885, %dma_start3A_886] : memref<10000x16xf32, #tpu.memory_space<vmem_shared>> -> memref<16x16xf32, #tpu.memory_space<vmem_shared>>
          tpu.enqueue_dma source(%dma_start3A_887 : memref<16x16xf32, #tpu.memory_space<vmem_shared>>) target(%dma_start3A_884 : memref<16x16xf32, #tpu.memory_space<hbm>>) target_semaphore(%run_scoped3A_882 : memref<!tpu.dma_semaphore, #tpu.memory_space<semaphore_mem>>)
          %dma_wait3A = arith.constant 9984 : i32
          %dma_wait3A_888 = arith.constant 0 : i32
          %dma_wait3A_889 = tpu.memref_slice %arg4[%dma_wait3A, %dma_wait3A_888] : memref<10000x16xf32, #tpu.memory_space<hbm>> -> memref<16x16xf32, #tpu.memory_space<hbm>>
          %dma_wait3A_890 = arith.constant 9984 : i32
          %dma_wait3A_891 = arith.constant 0 : i32
          %dma_wait3A_892 = tpu.memref_slice %arg8[%dma_wait3A_890, %dma_wait3A_891] : memref<10000x16xf32, #tpu.memory_space<vmem_shared>> -> memref<16x16xf32, #tpu.memory_space<vmem_shared>>
          tpu.wait_dma2 semaphore(%run_scoped3A_882 : memref<!tpu.dma_semaphore, #tpu.memory_space<semaphore_mem>>) src(%dma_wait3A_892 : memref<16x16xf32, #tpu.memory_space<vmem_shared>>) dst(%dma_wait3A_889 : memref<16x16xf32, #tpu.memory_space<hbm>>)
          tpu.yield
        }) : () -> ()
      } else {
      }
    } else {
    }
    return
  }
}

module attributes {stable_mosaic.version = 14 : i64} {
  func.func @_matmul_tc(%arg0: i32, %arg1: memref<2000x128xf32, #tpu.memory_space<vmem>>, %arg2: memref<128x128xf32, #tpu.memory_space<vmem>>, %arg3: memref<2000x128xf32, #tpu.memory_space<vmem>>) attributes {dimension_semantics = [#tpu.dimension_semantics<arbitrary>], iteration_bounds = array<i64: 5>, scalar_prefetch = 0 : i64, scratch_operands = 0 : i64, tpu.core_type = #tpu.core_type<tc>, window_params = [{transform_indices = @transform_0, window_bounds = array<i64: 2000, 128>}, {pipeline_mode = #tpu.pipeline_mode<synchronous>, transform_indices = @transform_1, window_bounds = array<i64: 128, 128>}, {transform_indices = @transform_2, window_bounds = array<i64: 2000, 128>}]} {
    %get3A = arith.constant 0 : index
    %get3A_0 = arith.constant 0 : index
    %get3A_1 = vector.load %arg1[%get3A, %get3A_0] : memref<2000x128xf32, #tpu.memory_space<vmem>>, vector<2000x128xf32>
    %get3A_2 = arith.constant 0 : index
    %get3A_3 = arith.constant 0 : index
    %get3A_4 = vector.load %arg2[%get3A_2, %get3A_3] : memref<128x128xf32, #tpu.memory_space<vmem>>, vector<128x128xf32>
    %dot_general3A = arith.constant dense<0.000000e+00> : vector<2000x128xf32>
    %dot_general3A_5 = tpu.matmul %get3A_1, %get3A_4, %dot_general3A {dimension_numbers = #tpu.dot_dimension_numbers<[1], [0], [0], [1], [0, 0, 1, 1], [], []>, transpose_lhs_hint = false} : vector<2000x128xf32>, vector<128x128xf32>, vector<2000x128xf32> -> vector<2000x128xf32>
    %swap3A = arith.constant 0 : index
    %swap3A_6 = arith.constant 0 : index
    %swap3A_7 = vector.load %arg3[%swap3A, %swap3A_6] : memref<2000x128xf32, #tpu.memory_space<vmem>>, vector<2000x128xf32>
    tpu.vector_store %arg3[%swap3A, %swap3A_6], %dot_general3A_5 {strides = array<i32>} : memref<2000x128xf32, #tpu.memory_space<vmem>>, vector<2000x128xf32>,
    return
  }
  func.func @transform_0(%arg0: i32) -> (i32, i32) {
    %c0_i32 = arith.constant 0 : i32
    %c0_i32_0 = arith.constant 0 : i32
    return %arg0, %c0_i32 : i32, i32
  }
  func.func @transform_1(%arg0: i32) -> (i32, i32) {
    %c0_i32 = arith.constant 0 : i32
    %c0_i32_0 = arith.constant 0 : i32
    %c0_i32_1 = arith.constant 0 : i32
    return %c0_i32, %c0_i32_0 : i32, i32
  }
  func.func @transform_2(%arg0: i32) -> (i32, i32) {
    %c0_i32 = arith.constant 0 : i32
    %c0_i32_0 = arith.constant 0 : i32
    return %arg0, %c0_i32 : i32, i32
  }
}

module attributes {stable_mosaic.version = 14 : i64} {
  func.func @_dinv_scale_tc(%arg0: i32, %arg1: memref<2000x16xf32, #tpu.memory_space<vmem>>, %arg2: memref<2000x16xf32, #tpu.memory_space<vmem>>, %arg3: memref<2000x128xf32, #tpu.memory_space<vmem>>, %arg4: memref<2000x1xf32, #tpu.memory_space<vmem>>, %arg5: memref<2000x128xf32, #tpu.memory_space<vmem>>) attributes {dimension_semantics = [#tpu.dimension_semantics<arbitrary>], iteration_bounds = array<i64: 5>, scalar_prefetch = 0 : i64, scratch_operands = 0 : i64, tpu.core_type = #tpu.core_type<tc>, window_params = [{transform_indices = @transform_0, window_bounds = array<i64: 2000, 16>}, {transform_indices = @transform_1, window_bounds = array<i64: 2000, 16>}, {transform_indices = @transform_2, window_bounds = array<i64: 2000, 128>}, {transform_indices = @transform_3, window_bounds = array<i64: 2000, 1>}, {transform_indices = @transform_4, window_bounds = array<i64: 2000, 128>}]} {
    %get3A = arith.constant 0 : index
    %get3A_0 = arith.constant 0 : index
    %get3A_1 = vector.load %arg1[%get3A, %get3A_0] : memref<2000x16xf32, #tpu.memory_space<vmem>>, vector<2000x1xf32>
    %add3A = arith.constant 1.000000e+00 : f32
    %add3A_2 = vector.broadcast %add3A : f32 to vector<2000x1xf32>
    %add3A_3 = arith.addf %add3A_2, %get3A_1 : vector<2000x1xf32>
    %get3A_4 = arith.constant 0 : index
    %get3A_5 = arith.constant 0 : index
    %get3A_6 = vector.load %arg2[%get3A_4, %get3A_5] : memref<2000x16xf32, #tpu.memory_space<vmem>>, vector<2000x1xf32>
    %add3A_7 = arith.addf %add3A_3, %get3A_6 : vector<2000x1xf32>
    %rsqrt3A = math.rsqrt %add3A_7 : vector<2000x1xf32>
    %swap3A = arith.constant 0 : index
    %swap3A_8 = arith.constant 0 : index
    %swap3A_9 = vector.load %arg4[%swap3A, %swap3A_8] : memref<2000x1xf32, #tpu.memory_space<vmem>>, vector<2000x1xf32>
    tpu.vector_store %arg4[%swap3A, %swap3A_8], %rsqrt3A {strides = array<i32>} : memref<2000x1xf32, #tpu.memory_space<vmem>>, vector<2000x1xf32>,
    %get3A_10 = arith.constant 0 : index
    %get3A_11 = arith.constant 0 : index
    %get3A_12 = vector.load %arg3[%get3A_10, %get3A_11] : memref<2000x128xf32, #tpu.memory_space<vmem>>, vector<2000x128xf32>
    %mul3A = vector.broadcast %rsqrt3A : vector<2000x1xf32> to vector<2000x128xf32>
    %mul3A_13 = arith.mulf %get3A_12, %mul3A : vector<2000x128xf32>
    %swap3A_14 = arith.constant 0 : index
    %swap3A_15 = arith.constant 0 : index
    %swap3A_16 = vector.load %arg5[%swap3A_14, %swap3A_15] : memref<2000x128xf32, #tpu.memory_space<vmem>>, vector<2000x128xf32>
    tpu.vector_store %arg5[%swap3A_14, %swap3A_15], %mul3A_13 {strides = array<i32>} : memref<2000x128xf32, #tpu.memory_space<vmem>>, vector<2000x128xf32>,
    return
  }
  func.func @transform_0(%arg0: i32) -> (i32, i32) {
    %c0_i32 = arith.constant 0 : i32
    %c0_i32_0 = arith.constant 0 : i32
    return %arg0, %c0_i32 : i32, i32
  }
  func.func @transform_1(%arg0: i32) -> (i32, i32) {
    %c0_i32 = arith.constant 0 : i32
    %c0_i32_0 = arith.constant 0 : i32
    return %arg0, %c0_i32 : i32, i32
  }
  func.func @transform_2(%arg0: i32) -> (i32, i32) {
    %c0_i32 = arith.constant 0 : i32
    %c0_i32_0 = arith.constant 0 : i32
    return %arg0, %c0_i32 : i32, i32
  }
  func.func @transform_3(%arg0: i32) -> (i32, i32) {
    %c0_i32 = arith.constant 0 : i32
    %c0_i32_0 = arith.constant 0 : i32
    return %arg0, %c0_i32 : i32, i32
  }
  func.func @transform_4(%arg0: i32) -> (i32, i32) {
    %c0_i32 = arith.constant 0 : i32
    %c0_i32_0 = arith.constant 0 : i32
    return %arg0, %c0_i32 : i32, i32
  }
}

module attributes {stable_mosaic.version = 14 : i64} {
  func.func @_combine_tc(%arg0: i32, %arg1: memref<2000x128xf32, #tpu.memory_space<vmem>>, %arg2: memref<2000x128xf32, #tpu.memory_space<vmem>>, %arg3: memref<2000x128xf32, #tpu.memory_space<vmem>>, %arg4: memref<2000x1xf32, #tpu.memory_space<vmem>>, %arg5: memref<1x128xf32, #tpu.memory_space<vmem>>, %arg6: memref<2000x128xf32, #tpu.memory_space<vmem>>) attributes {dimension_semantics = [#tpu.dimension_semantics<arbitrary>], iteration_bounds = array<i64: 5>, scalar_prefetch = 0 : i64, scratch_operands = 0 : i64, tpu.core_type = #tpu.core_type<tc>, window_params = [{transform_indices = @transform_0, window_bounds = array<i64: 2000, 128>}, {transform_indices = @transform_1, window_bounds = array<i64: 2000, 128>}, {transform_indices = @transform_2, window_bounds = array<i64: 2000, 128>}, {transform_indices = @transform_3, window_bounds = array<i64: 2000, 1>}, {pipeline_mode = #tpu.pipeline_mode<synchronous>, transform_indices = @transform_4, window_bounds = array<i64: 1, 128>}, {transform_indices = @transform_5, window_bounds = array<i64: 2000, 128>}]} {
    %get3A = arith.constant 0 : index
    %get3A_0 = arith.constant 0 : index
    %get3A_1 = vector.load %arg1[%get3A, %get3A_0] : memref<2000x128xf32, #tpu.memory_space<vmem>>, vector<2000x128xf32>
    %get3A_2 = arith.constant 0 : index
    %get3A_3 = arith.constant 0 : index
    %get3A_4 = vector.load %arg2[%get3A_2, %get3A_3] : memref<2000x128xf32, #tpu.memory_space<vmem>>, vector<2000x128xf32>
    %add3A = arith.addf %get3A_1, %get3A_4 : vector<2000x128xf32>
    %get3A_5 = arith.constant 0 : index
    %get3A_6 = arith.constant 0 : index
    %get3A_7 = vector.load %arg3[%get3A_5, %get3A_6] : memref<2000x128xf32, #tpu.memory_space<vmem>>, vector<2000x128xf32>
    %add3A_8 = arith.addf %add3A, %get3A_7 : vector<2000x128xf32>
    %get3A_9 = arith.constant 0 : index
    %get3A_10 = arith.constant 0 : index
    %get3A_11 = vector.load %arg4[%get3A_9, %get3A_10] : memref<2000x1xf32, #tpu.memory_space<vmem>>, vector<2000x1xf32>
    %mul3A = vector.broadcast %get3A_11 : vector<2000x1xf32> to vector<2000x128xf32>
    %mul3A_12 = arith.mulf %mul3A, %add3A_8 : vector<2000x128xf32>
    %get3A_13 = arith.constant 0 : index
    %get3A_14 = arith.constant 0 : index
    %get3A_15 = vector.load %arg5[%get3A_13, %get3A_14] : memref<1x128xf32, #tpu.memory_space<vmem>>, vector<1x128xf32>
    %add3A_16 = vector.broadcast %get3A_15 : vector<1x128xf32> to vector<2000x128xf32>
    %add3A_17 = arith.addf %mul3A_12, %add3A_16 : vector<2000x128xf32>
    %swap3A = arith.constant 0 : index
    %swap3A_18 = arith.constant 0 : index
    %swap3A_19 = vector.load %arg6[%swap3A, %swap3A_18] : memref<2000x128xf32, #tpu.memory_space<vmem>>, vector<2000x128xf32>
    tpu.vector_store %arg6[%swap3A, %swap3A_18], %add3A_17 {strides = array<i32>} : memref<2000x128xf32, #tpu.memory_space<vmem>>, vector<2000x128xf32>,
    return
  }
  func.func @transform_0(%arg0: i32) -> (i32, i32) {
    %c0_i32 = arith.constant 0 : i32
    %c0_i32_0 = arith.constant 0 : i32
    return %arg0, %c0_i32 : i32, i32
  }
  func.func @transform_1(%arg0: i32) -> (i32, i32) {
    %c0_i32 = arith.constant 0 : i32
    %c0_i32_0 = arith.constant 0 : i32
    return %arg0, %c0_i32 : i32, i32
  }
  func.func @transform_2(%arg0: i32) -> (i32, i32) {
    %c0_i32 = arith.constant 0 : i32
    %c0_i32_0 = arith.constant 0 : i32
    return %arg0, %c0_i32 : i32, i32
  }
  func.func @transform_3(%arg0: i32) -> (i32, i32) {
    %c0_i32 = arith.constant 0 : i32
    %c0_i32_0 = arith.constant 0 : i32
    return %arg0, %c0_i32 : i32, i32
  }
  func.func @transform_4(%arg0: i32) -> (i32, i32) {
    %c0_i32 = arith.constant 0 : i32
    %c0_i32_0 = arith.constant 0 : i32
    %c0_i32_1 = arith.constant 0 : i32
    return %c0_i32, %c0_i32_0 : i32, i32
  }
  func.func @transform_5(%arg0: i32) -> (i32, i32) {
    %c0_i32 = arith.constant 0 : i32
    %c0_i32_0 = arith.constant 0 : i32
    return %arg0, %c0_i32 : i32, i32
  }
}

</mosaic_0001>

<sc_bundles>
// kernel: kernel.10.cloned.1.call-start
scs
__scs_entry_jumppad:
0x0: {  	(pc) =	sbr.rel $0x88, $3  }
0x1: {  	(tag) =	ssettag $0x0;
	lr =	simm.s32 $0x1  }
0x2: {  	[smem:$0x3F9D] =	sst lr;
	_ =	strace $0xD0000000  }
0x3: {  	_ = 	snop  }
0x4: {  	_ = 	snop  }
0x5: {  	_ = 	snop  }
0x6: {  	_ = 	snop  }
0x7: {  	_ = 	snop  }
__scs_overlays_trampoline_lowered:
0x8: {  	[smem:$0x3FAC] =	sst s0  }
0x9: {  	[smem:$0x3FAD] =	sst s1  }
0xa: {  	[smem:$0x3FAE] =	sst s2  }
0xb: {  	[smem:$0x3FAF] =	sst s3  }
0xc: {  	[smem:$0x3FB0] =	sst s4  }
0xd: {  	[smem:$0x3FB1] =	sst s5  }
0xe: {  	[smem:$0x3FB2] =	sst s6  }
0xf: {  	[smem:$0x3FB3] =	sst s7  }
0x10: {  	[smem:$0x3FB4] =	sst s8  }
0x11: {  	[smem:$0x3FB5] =	sst s9;
	s0 =	simm.s32 @!p0 $0x0  }
0x12: {  	s1 =	sld [smem:$0x3F9B];
	s0 =	simm.s32 @p0 $0x1  }
0x13: {  	[smem:$0x3FB6] =	sst s0;
	s0 =	simm.s32 @!p1 $0x0  }
0x14: {  	s2 =	sld [smem:$0x3F9A];
	s0 =	simm.s32 @p1 $0x1  }
0x15: {  	[smem:$0x3FB7] =	sst s0;
	s0 =	simm.s32 @!p2 $0x0  }
0x16: {  	s3 =	sld [smem:$0x3FDB];
	s0 =	simm.s32 @p2 $0x1  }
0x17: {  	s4 =	simm.s32 $0x1BF5;
	[smem:$0x3FB9] =	sst s0  }
0x18: {  	s0 =	sld [smem:$0x3F9C];
	_ =	swait.ge [sflag:s4], $0x0  }
0x19: {  	s7 =	sld [smem:$0x3F9D]  }
0x1a: {  	s8 =	sadd.s32 $0xFFFFE003, lr  }
0x1b: {  	s9 =	sadd.s32 $0xFFFFFEF7, lr;
	s5 =	simm.s32 $0xFFFFFFFF;
	p2 =	slt.u32 s8, $0xFFFFF086  }
0x1c: {  	p1 =	slt.u32 s9, $0xF7A;
	s5 =	simm.s32 @!p2 $0x0  }
0x1d: {  	s5 =	simm.s32 @p1 $0x1;
	p0 =	seq.s32 s7, s2  }
0x1e: {  	s7 =	smul.u32 @!p0 $0xF7A, s2;
	p2 =	seq.s32 @!p0 s5, $0x0  }
0x1f: {  	s9 =	smul.u32 $0xF7A, s1;
	s8 =	simm.s32 @!p0 $0x1BF5;
	p2 =	por !p2, p0  }
0x20: {  	[sflag:s8] =	ssyncset.s32 @!p0 $0xFFFFF086;
	s6 =	sadd.s32 @!p0 s3, s7;
	s7 =	simm.s32 @!p0 $0x108  }
0x21: {  	s3 =	sadd.s32 s3, s9;
	s6 =	sadd.s32 @!p0 $0x88, s6;
	s7 =	simm.s32 @p2 $0x1082  }
0x22: {  	[simem:s7], [sflag:s8] =	dma.local @!p0 [hbm:s6], $0xF7A  }
0x23: {  	s9 =	sor.u32 $0xD0000000, s2;
	s6 =	simm.s32 $0x108;
	_ =	swait.ge @!p0 [sflag:s8], $0x0  }
0x24: {  	s3 =	sadd.s32 $0x88, s3;
	s6 =	simm.s32 @!p1 $0x1082;
	[sflag:s4] =	ssyncset.s32 $0xFFFFF086  }
0x25: {  	[simem:s6], [sflag:s4] =	dma.local [hbm:s3], $0xF7A  }
0x26: {  	[smem:$0x3F9D] =	sst s1;
	(tag) =	ssettag s2;
	_ =	strace s9  }
0x27: {  	s1 =	sld [smem:$0x3FAD]  }
0x28: {  	s2 =	sld [smem:$0x3FAE]  }
0x29: {  	s4 =	sld [smem:$0x3FB0]  }
0x2a: {  	p0 =	seq.s32 s5, $0x0;
	s5 =	sld [smem:$0x3FB1]  }
0x2b: {  	s6 =	sld [smem:$0x3FB2]  }
0x2c: {  	s7 =	sld [smem:$0x3FB3]  }
0x2d: {  	s3 =	simm.s32 $0x108;
	s8 =	sld [smem:$0x3FB4]  }
0x2e: {  	s3 =	simm.s32 @!p0 $0x1082;
	s9 =	sld [smem:$0x3FB5]  }
0x2f: {  	lr =	sadd.s32 s0, s3;
	s0 =	sld [smem:$0x3FAC]  }
0x30: {  	s3 =	sld [smem:$0x3FAF]  }
0x31: {  	[smem:$0x3FB8] =	sst s10  }
0x32: {  	s10 =	sld [smem:$0x3FB6];
	_ =	sdelay $0x3  }
0x33: {  	p0 =	seq.s32 s10, $0x1;
	s10 =	sld [smem:$0x3FB8];
	_ =	sdelay $0x3  }
0x34: {  	[smem:$0x3FB8] =	sst s10  }
0x35: {  	s10 =	sld [smem:$0x3FB7];
	_ =	sdelay $0x3  }
0x36: {  	p1 =	seq.s32 s10, $0x1;
	s10 =	sld [smem:$0x3FB8];
	_ =	sdelay $0x3  }
0x37: {  	[smem:$0x3FB8] =	sst s10  }
0x38: {  	s10 =	sld [smem:$0x3FB9]  }
0x39: {  	_ = 	snop;
	(pc) =	sbr.ind lr, $3  }
0x3a: {  	_ = 	snop  }
0x3b: {  	_ = 	snop  }
0x3c: {  	p2 =	seq.s32 s10, $0x1;
	s10 =	sld [smem:$0x3FB8]  }
0x3d: {  	_ =	shalt  }
0x3e: {  	_ =	shalt  }
0x3f: {  	_ =	shalt  }
0x40: {  	_ =	shalt  }
0x41: {  	_ =	shalt  }
0x42: {  	_ =	shalt  }
0x43: {  	_ =	shalt  }
0x44: {  	_ =	shalt  }
0x45: {  	_ =	shalt  }
0x46: {  	_ =	shalt  }
0x47: {  	_ =	shalt  }
0x48: {  	_ =	shalt  }
0x49: {  	_ =	shalt  }
0x4a: {  	_ =	shalt  }
0x4b: {  	_ =	shalt  }
0x4c: {  	_ =	shalt  }
0x4d: {  	_ =	shalt  }
0x4e: {  	_ =	shalt  }
0x4f: {  	_ =	shalt  }
0x50: {  	_ =	shalt  }
0x51: {  	_ =	shalt  }
0x52: {  	_ =	shalt  }
0x53: {  	_ =	shalt  }
0x54: {  	_ =	shalt  }
0x55: {  	_ =	shalt  }
0x56: {  	_ =	shalt  }
0x57: {  	_ =	shalt  }
0x58: {  	_ =	shalt  }
0x59: {  	_ =	shalt  }
0x5a: {  	_ =	shalt  }
0x5b: {  	_ =	shalt  }
0x5c: {  	_ =	shalt  }
0x5d: {  	_ =	shalt  }
0x5e: {  	_ =	shalt  }
0x5f: {  	_ =	shalt  }
0x60: {  	_ =	shalt  }
0x61: {  	_ =	shalt  }
0x62: {  	_ =	shalt  }
0x63: {  	_ =	shalt  }
0x64: {  	_ =	shalt  }
0x65: {  	_ =	shalt  }
0x66: {  	_ =	shalt  }
0x67: {  	_ =	shalt  }
0x68: {  	_ =	shalt  }
0x69: {  	_ =	shalt  }
0x6a: {  	_ =	shalt  }
0x6b: {  	_ =	shalt  }
0x6c: {  	_ =	shalt  }
0x6d: {  	_ =	shalt  }
0x6e: {  	_ =	shalt  }
0x6f: {  	_ =	shalt  }
0x70: {  	_ =	shalt  }
0x71: {  	_ =	shalt  }
0x72: {  	_ =	shalt  }
0x73: {  	_ =	shalt  }
0x74: {  	_ =	shalt  }
0x75: {  	_ =	shalt  }
0x76: {  	_ =	shalt  }
0x77: {  	_ =	shalt  }
0x78: {  	_ =	shalt  }
0x79: {  	_ =	shalt  }
0x7a: {  	_ =	shalt  }
0x7b: {  	_ =	shalt  }
0x7c: {  	_ =	shalt  }
0x7d: {  	_ =	shalt  }
0x7e: {  	_ =	shalt  }
0x7f: {  	_ =	shalt  }
0x80: {  	_ =	shalt  }
0x81: {  	_ =	shalt  }
0x82: {  	_ =	shalt  }
0x83: {  	_ =	shalt  }
0x84: {  	_ =	shalt  }
0x85: {  	_ =	shalt  }
0x86: {  	_ =	shalt  }
0x87: {  	_ =	shalt  }
.Lfunc_end0:
.L_simem_size_0:
called_computation.1_lowered:
.L_overlay_start_0:
0x88: {  	s2 =	sld [smem:$0x3FD9]  }
0x89: {  	s3 =	sld [smem:$0x3FFE];
	_ =	sdelay $0x1  }
0x8a: {  	s1 =	srdreg.scid  }
0x8b: {  	s0 =	sand.u32 $0x1, s1  }
0x8c: {  	s17 =	sshll.u32 s0, $0xA;
	s2 =	sadd.s32 s3, s2  }
0x8d: {  	s2 =	sadd.s32 s2, s17  }
0x8e: {  	[smem:$0x3FC4] =	sst s2  }
0x8f: {  	_ = 	snop  }
0x90: {  	s2 =	sld [smem:$0x3FD0];
	(tm) =	ssettm $0x1  }
0x91: {  	s18 =	sld [smem:$0x3FFB];
	_ =	sdelay $0x3  }
0x92: {  	_ =	strace s18  }
0x93: {  	s3 =	sld [smem:$0x3FFC];
	_ =	sdelay $0x3  }
0x94: {  	_ =	strace s3  }
0x95: {  	s3 =	sld [smem:$0x3FFD];
	_ =	sdelay $0x3  }
0x96: {  	_ =	strace s3  }
0x97: {  	_ =	strace $0x8FFFFFFF  }
0x98: {  	s19 =	sld [smem:$0x3FDB];
	_ =	sdelay $0x1  }
0x99: {  	s4 =	simm.s32 $_scs_section_size  }
0x9a: {  	s5 =	simm.s32 $_size__tile_overlayer_lowered;
	s6 =	simm.s32 $_tile_overlayer_lowered  }
0x9b: {  	s22 =	simm.s32 $0x1BFF;
	s21 =	sshll.u32 s6, $0x1;
	s3 =	sadd.s32 s4, s19  }
0x9c: {  	s7 =	simm.s32 $0x0;
	s20 =	sshll.u32 s5, $0x1;
	s5 =	sadd.s32 s21, s3  }
0x9d: {  	[timem:s7], [sflag:s22] =	dma.local [hbm:s5], s20  }
0x9e: {  	_ =	swait.ge [sflag:s22], s20  }
0x9f: {  	s4 =	ssub.s32 $0x0, s20;
	[sflag:s22] =	ssyncset.done $0x0  }
0xa0: {  	[sflag:s22] =	ssyncadd.s32 s4;
	_ =	sdelay $0x1  }
0xa1: {  	s23 =	simm.s32 $0x1B8B  }
0xa2: {  	_ =	swait.ge [sflag:s23], $0x1  }
0xa3: {  	[sflag:s23] =	ssyncset.done $0x0  }
0xa4: {  	s25 =	simm.s32 $0x1B8E;
	s24 =	sld [smem:$0x3FFE];
	[sflag:s23] =	ssyncadd.s32 $0xFFFFFFFF  }
0xa5: {  	s26 =	simm.s32 $execute0_lowered;
	[smem:$0x3FD2] =	sst s25  }
0xa6: {  	s5 =	sshll.u32 s26, $0x1;
	_ =	strace $0x80000049;
	[dreg:$0x1] =	wrdreg $0xFFFFFFFF  }
0xa7: {  	s28 =	simm.s32 $_size_execute0_lowered;
	s3 =	sadd.s32 s3, s5;
	[dreg:$0x0] =	wrdreg $0x0  }
0xa8: {  	s5 =	sshll.u32 s28, $0x1;
	[dreg:$0x2] =	wrdreg s3  }
0xa9: {  	[dreg:$0x3] =	wrdreg s5  }
0xaa: {  	[dreg:$0x4] =	wrdreg $0xC0  }
0xab: {  	_ =	task [dreg:s7], $0x5FFFF  }
0xac: {  	[dreg:$0x1] =	wrdreg $0xFFFFFFFF  }
0xad: {  	[dreg:$0x0] =	wrdreg $0x60  }
0xae: {  	[dreg:$0x2] =	wrdreg s24  }
0xaf: {  	[dreg:$0x3] =	wrdreg s2  }
0xb0: {  	[dreg:$0x4] =	wrdreg $0xB0000  }
0xb1: {  	[dreg:$0x5] =	wrdreg $0x9  }
0xb2: {  	_ =	task.clear_ibuf [dreg:s7], $0x6FFFF;
	_ =	strace $0x90000049  }
0xb3: {  	s29 =	simm.s32 $0x9;
	_ =	strace $0x8000004B  }
0xb4: {  	_ =	swait.ge [sflag:s29], $0x1  }
0xb5: {  	[sflag:s29] =	ssyncadd.s32 $0xFFFFFFFF  }
0xb6: {  	_ =	strace $0x9000004B  }
0xb7: {  	_ =	sfence  }
0xb8: {  	s30 =	sld [smem:$0x0];
	_ =	sdelay $0x2  }
0xb9: {  	s31 =	sshll.u32 s1, $0xD;
	s1 =	sshrl.u32 s1, $0x2  }
0xba: {  	s3 =	sand.u32 $0x4000, s31;
	s1 =	sadd.s32 s1, s30  }
0xbb: {  	s0 =	sor.u32 s3, s0;
	s1 =	sshll.u32 s1, $0x11  }
0xbc: {  	s0 =	sor.u32 s1, s0  }
0xbd: {  	s0 =	sadd.s32 $0x8F2B, s0  }
0xbe: {  	[sflag:s0] =	ssyncadd.remote.s32 $0x1  }
0xbf: {  	_ =	sfence.sel $0xFFFF  }
0xc0: {  	[dreg:$0x0] =	wrdreg $0xFFFFFFFF;
	(pc) =	sbr.abs _section_cstart, $3  }
0xc1: {  	[dreg:$0x1] =	wrdreg $0xFFFFFFFF  }
0xc2: {  	_ =	task.clear_ibuf [dreg:s7], $0x2FFFF;
	_ =	strace $0x9FFFFFFF  }
0xc3: {  	(tm) =	ssettm $0x7FFFFFFF  }
tec
execute0_lowered:
.L_overlay_start_1:
0x0: {  	(tag) =	ssettag $0x1  }
0x1: {  	s6 =	rddreg [dreg:$0x0]  }
0x2: {  	s2 =	rddreg [dreg:$0x1]  }
0x3: {  	s0 =	srdreg.scid;
	s3 =	rddreg [dreg:$0x2];
	s4 =	simm.s32 $0x0  }
0x4: {  	s16 =	simm.s32 $0xA800;
	s17 =	simm.s32 $0x3;
	s18 =	simm.s32 $0x1400  }
0x5: {  	s19 =	simm.s32 $0x7D;
	s20 =	simm.s32 $0x2800;
	s21 =	simm.s32 $0x80  }
0x6: {  	s22 =	simm.s32 $0x6800;
	s23 =	simm.s32 $0x1;
	s24 =	simm.s32 $0x2  }
0x7: {  	s25 =	simm.s32 $0x2700;
	s9 =	sand.u32 $0x1, s0;
	s0 =	stileid.u32  }
0x8: {  	s26 =	simm.s32 $0x2780;
	[smem:$0x7FF] =	sst s4;
	s7 =	smul.u32 $0x4E000, s0  }
0x9: {  	s1 =	sshll.u32 s9, $0x4;
	s8 =	ssub.s32 $0x2, s9;
	s11 =	smul.u32 $0x2700, s0  }
0xa: {  	p0 =	seq.s32 s9, $0x1;
	p1 =	sne.s32 s0, $0xF;
	s1 =	sor.u32 s0, s1  }
0xb: {  	p2 =	seq.s32 s0, $0xF;
	s10 =	sshrl.u32 s8, $0x1;
	s5 =	smul.u32 $0x2800, s1  }
0xc: {  	s1 =	rddreg [dreg:$0x3];
	_ =	strace $0x8000004A;
	s7 =	sshrl.u32 s7, $0x2  }
.Ltmp0:
0xd: {  	s12 =	ssub.s32 s8, s10;
	s5 =	sshrl.u32 s5, $0x3;
	(pc) =	sbr.rel .LBB2_1-.Ltmp0, $4  }
0xe: {  	s8 =	sadd.s32 $0x138000, s3;
	s15 =	sadd.s32 s5, s6;
	s5 =	sadd.s32 $0x16C00, s6  }
0xf: {  	s7 =	sadd.s32 s7, s3;
	s6 =	sadd.s32 $0x3DE00, s6;
	s9 =	sadd.s32 s5, s11  }
0x10: {  	s10 =	sadd.s32 s6, s11;
	s11 =	smax.u32 s12, $0x1;
	s12 =	sadd.s32 $0x2C00, s15  }
0x11: {  	v0 =	vimm.f32 $0.0e+00;
	s13 =	sadd.s32 $0xCC00, s15;
	s14 =	sadd.s32 $0x2E80, s15;
	s15 =	sadd.s32 $0xCE80, s15  }
.LBB2_10:
0x12: {  	s29 =	sadd.s32 $0x27000, s29;
	s30 =	sshrl.u32 s8, $0x3  }
0x13: {  	[hbm:s29], [sflag:s28] =	dma.local [spmem:s30], $0x100  }
0x14: {  	_ =	swait.ge [sflag:s17], $0x100  }
0x15: {  	[sflag:s17] =	ssyncset.done $0x0  }
0x16: {  	[sflag:s17] =	ssyncadd.s32 $0xFFFFFF00  }
.LBB2_11:
0x17: {  	s4 =	sadd.s32 $0x1, s4  }
0x18: {  	p3 =	sne.s32 s4, s11  }
.Ltmp1:
0x19: {  	_ = 	snop;
	(pc) =	sbr.rel @!p3 .LBB2_12-.Ltmp1, $1  }
0x1a: {  	_ =	sdelay $0x3  }
.LBB2_1:
0x1b: {  	[tilespmem:$0xA800] =	vst v0  }
0x1c: {  	[tilespmem:$0xA810] =	vst v0  }
0x1d: {  	[tilespmem:$0xA820] =	vst v0  }
0x1e: {  	[tilespmem:$0xA830] =	vst v0  }
0x1f: {  	[tilespmem:$0xA840] =	vst v0  }
0x20: {  	[tilespmem:$0xA850] =	vst v0  }
0x21: {  	[tilespmem:$0xA860] =	vst v0  }
0x22: {  	[tilespmem:$0xA870] =	vst v0  }
0x23: {  	[tilespmem:$0xA880] =	vst v0  }
0x24: {  	[tilespmem:$0xA890] =	vst v0  }
0x25: {  	[tilespmem:$0xA8A0] =	vst v0  }
0x26: {  	[tilespmem:$0xA8B0] =	vst v0  }
0x27: {  	[tilespmem:$0xA8C0] =	vst v0  }
0x28: {  	[tilespmem:$0xA8D0] =	vst v0  }
0x29: {  	[tilespmem:$0xA8E0] =	vst v0  }
0x2a: {  	[tilespmem:$0xA8F0] =	vst v0  }
0x2b: {  	[tilespmem:$0xA900] =	vst v0  }
0x2c: {  	[tilespmem:$0xA910] =	vst v0  }
0x2d: {  	[tilespmem:$0xA920] =	vst v0  }
0x2e: {  	[tilespmem:$0xA930] =	vst v0  }
0x2f: {  	[tilespmem:$0xA940] =	vst v0  }
0x30: {  	[tilespmem:$0xA950] =	vst v0  }
0x31: {  	[tilespmem:$0xA960] =	vst v0  }
0x32: {  	[tilespmem:$0xA970] =	vst v0  }
0x33: {  	[tilespmem:$0xA980] =	vst v0  }
0x34: {  	[tilespmem:$0xA990] =	vst v0  }
0x35: {  	[tilespmem:$0xA9A0] =	vst v0  }
0x36: {  	[tilespmem:$0xA9B0] =	vst v0  }
0x37: {  	[tilespmem:$0xA9C0] =	vst v0  }
0x38: {  	[tilespmem:$0xA9D0] =	vst v0  }
0x39: {  	[tilespmem:$0xA9E0] =	vst v0  }
0x3a: {  	[tilespmem:$0xA9F0] =	vst v0  }
0x3b: {  	[tilespmem:$0xAA00] =	vst v0  }
0x3c: {  	[tilespmem:$0xAA10] =	vst v0  }
0x3d: {  	[tilespmem:$0xAA20] =	vst v0  }
0x3e: {  	[tilespmem:$0xAA30] =	vst v0  }
0x3f: {  	[tilespmem:$0xAA40] =	vst v0  }
0x40: {  	[tilespmem:$0xAA50] =	vst v0  }
0x41: {  	[tilespmem:$0xAA60] =	vst v0  }
0x42: {  	[tilespmem:$0xAA70] =	vst v0  }
0x43: {  	[tilespmem:$0xAA80] =	vst v0  }
0x44: {  	[tilespmem:$0xAA90] =	vst v0  }
0x45: {  	[tilespmem:$0xAAA0] =	vst v0  }
0x46: {  	[tilespmem:$0xAAB0] =	vst v0  }
0x47: {  	[tilespmem:$0xAAC0] =	vst v0  }
0x48: {  	[tilespmem:$0xAAD0] =	vst v0  }
0x49: {  	[tilespmem:$0xAAE0] =	vst v0  }
0x4a: {  	[tilespmem:$0xAAF0] =	vst v0  }
0x4b: {  	[tilespmem:$0xAB00] =	vst v0  }
0x4c: {  	[tilespmem:$0xAB10] =	vst v0  }
0x4d: {  	[tilespmem:$0xAB20] =	vst v0  }
0x4e: {  	[tilespmem:$0xAB30] =	vst v0  }
0x4f: {  	[tilespmem:$0xAB40] =	vst v0  }
0x50: {  	[tilespmem:$0xAB50] =	vst v0  }
0x51: {  	[tilespmem:$0xAB60] =	vst v0  }
0x52: {  	[tilespmem:$0xAB70] =	vst v0  }
0x53: {  	[tilespmem:$0xAB80] =	vst v0  }
0x54: {  	[tilespmem:$0xAB90] =	vst v0  }
0x55: {  	[tilespmem:$0xABA0] =	vst v0  }
0x56: {  	[tilespmem:$0xABB0] =	vst v0  }
0x57: {  	[tilespmem:$0xABC0] =	vst v0  }
0x58: {  	[tilespmem:$0xABD0] =	vst v0  }
0x59: {  	[tilespmem:$0xABE0] =	vst v0  }
0x5a: {  	[tilespmem:$0xABF0] =	vst v0  }
0x5b: {  	[tilespmem:$0xAC00] =	vst v0  }
0x5c: {  	[tilespmem:$0xAC10] =	vst v0  }
0x5d: {  	[tilespmem:$0xAC20] =	vst v0  }
0x5e: {  	[tilespmem:$0xAC30] =	vst v0  }
0x5f: {  	[tilespmem:$0xAC40] =	vst v0  }
0x60: {  	[tilespmem:$0xAC50] =	vst v0  }
0x61: {  	[tilespmem:$0xAC60] =	vst v0  }
0x62: {  	[tilespmem:$0xAC70] =	vst v0  }
0x63: {  	[tilespmem:$0xAC80] =	vst v0  }
0x64: {  	[tilespmem:$0xAC90] =	vst v0  }
0x65: {  	[tilespmem:$0xACA0] =	vst v0  }
0x66: {  	[tilespmem:$0xACB0] =	vst v0  }
0x67: {  	[tilespmem:$0xACC0] =	vst v0  }
0x68: {  	[tilespmem:$0xACD0] =	vst v0  }
0x69: {  	[tilespmem:$0xACE0] =	vst v0  }
0x6a: {  	[tilespmem:$0xACF0] =	vst v0  }
0x6b: {  	[tilespmem:$0xAD00] =	vst v0  }
0x6c: {  	[tilespmem:$0xAD10] =	vst v0  }
0x6d: {  	[tilespmem:$0xAD20] =	vst v0  }
0x6e: {  	[tilespmem:$0xAD30] =	vst v0  }
0x6f: {  	[tilespmem:$0xAD40] =	vst v0  }
0x70: {  	[tilespmem:$0xAD50] =	vst v0  }
0x71: {  	[tilespmem:$0xAD60] =	vst v0  }
0x72: {  	[tilespmem:$0xAD70] =	vst v0  }
0x73: {  	[tilespmem:$0xAD80] =	vst v0  }
0x74: {  	[tilespmem:$0xAD90] =	vst v0  }
0x75: {  	[tilespmem:$0xADA0] =	vst v0  }
0x76: {  	[tilespmem:$0xADB0] =	vst v0  }
0x77: {  	[tilespmem:$0xADC0] =	vst v0  }
0x78: {  	[tilespmem:$0xADD0] =	vst v0  }
0x79: {  	[tilespmem:$0xADE0] =	vst v0  }
0x7a: {  	[tilespmem:$0xADF0] =	vst v0  }
0x7b: {  	[tilespmem:$0xAE00] =	vst v0  }
0x7c: {  	[tilespmem:$0xAE10] =	vst v0  }
0x7d: {  	[tilespmem:$0xAE20] =	vst v0  }
0x7e: {  	[tilespmem:$0xAE30] =	vst v0  }
0x7f: {  	[tilespmem:$0xAE40] =	vst v0  }
0x80: {  	[tilespmem:$0xAE50] =	vst v0  }
0x81: {  	[tilespmem:$0xAE60] =	vst v0  }
0x82: {  	[tilespmem:$0xAE70] =	vst v0  }
0x83: {  	[tilespmem:$0xAE80] =	vst v0  }
0x84: {  	[tilespmem:$0xAE90] =	vst v0  }
0x85: {  	[tilespmem:$0xAEA0] =	vst v0  }
0x86: {  	[tilespmem:$0xAEB0] =	vst v0  }
0x87: {  	[tilespmem:$0xAEC0] =	vst v0  }
0x88: {  	[tilespmem:$0xAED0] =	vst v0  }
0x89: {  	[tilespmem:$0xAEE0] =	vst v0  }
0x8a: {  	[tilespmem:$0xAEF0] =	vst v0  }
0x8b: {  	[tilespmem:$0xAF00] =	vst v0  }
0x8c: {  	[tilespmem:$0xAF10] =	vst v0  }
0x8d: {  	[tilespmem:$0xAF20] =	vst v0  }
0x8e: {  	[tilespmem:$0xAF30] =	vst v0  }
0x8f: {  	[tilespmem:$0xAF40] =	vst v0  }
0x90: {  	[tilespmem:$0xAF50] =	vst v0  }
0x91: {  	[tilespmem:$0xAF60] =	vst v0  }
0x92: {  	[tilespmem:$0xAF70] =	vst v0  }
0x93: {  	[tilespmem:$0xAF80] =	vst v0  }
0x94: {  	[tilespmem:$0xAF90] =	vst v0  }
0x95: {  	[tilespmem:$0xAFA0] =	vst v0  }
0x96: {  	[tilespmem:$0xAFB0] =	vst v0  }
0x97: {  	[tilespmem:$0xAFC0] =	vst v0  }
0x98: {  	[tilespmem:$0xAFD0] =	vst v0  }
0x99: {  	[tilespmem:$0xAFE0] =	vst v0  }
0x9a: {  	[tilespmem:$0xAFF0] =	vst v0;
	s28 =	sadd.s32 $0x0, s7  }
0x9b: {  	[spmem:s28] =	stream.linear.scatter [tilespmem:s16], [sflag:$0x3], $0x800, $0x38;
	[tilespmem:$0x1E880] =	vst v63  }
0x9c: {  	s28 =	simm.s32 $0x2000;
	_ =	swait.ge [sflag:s17], $0x800  }
.LBB2_2:
0x9d: {  	s29 =	sshra.s32 s28, $0x2;
	[sflag:s17] =	ssyncset.done $0x0;
	p3 =	sne.s32 s28, $0x4C000  }
.Ltmp2:
0x9e: {  	s29 =	sadd.s32 s29, s7;
	[sflag:s17] =	ssyncadd.s32 $0xFFFFF800;
	(pc) =	sbr.rel @p3 .LBB2_2-.Ltmp2, $3  }
0x9f: {  	[spmem:s29] =	stream.linear.scatter [tilespmem:s16], [sflag:$0x3], $0x800, $0x38;
	[tilespmem:$0x1E880] =	vst v63  }
0xa0: {  	s28 =	sadd.s32 $0x2000, s28;
	_ =	sdelay $0x1  }
0xa1: {  	_ =	swait.ge [sflag:s17], $0x800  }
0xa2: {  	[sflag:s17] =	ssyncset.done $0x0  }
0xa3: {  	s28 =	simm.s32 @!p1 $0xA800;
	[sflag:s17] =	ssyncadd.s32 $0xFFFFF800  }
0xa4: {  	[spmem:s8] =	stream.linear.scatter @!p1 [tilespmem:s28], [sflag:$0x3], $0x800, $0x38;
	[tilespmem:$0x1E880] =	vst v63  }
0xa5: {  	s28 =	simm.s32 @!p1 $0x3  }
0xa6: {  	_ =	swait.ge @!p1 [sflag:s28], $0x800  }
0xa7: {  	[sflag:s28] =	ssyncset.done @!p1 $0x0  }
0xa8: {  	[sflag:s28] =	ssyncadd.s32 @!p1 $0xFFFFF800  }
0xa9: {  	s28 =	simm.s32 $0x0;
	[bflag:$0x0] =	sbarrier.arrive $0xFFFF  }
0xaa: {  	[tilespmem:s28], [sflag:$0x3] =	stream.linear.gather [hbm4b:s12+s28], $0x1400, $0x38;
	[tilespmem:$0x1E880] =	vst v63  }
0xab: {  	_ =	swait.ge [sflag:s17], $0x1400  }
0xac: {  	[sflag:s17] =	ssyncset.done $0x0  }
0xad: {  	[sflag:s17] =	ssyncadd.s32 $0xFFFFEC00  }
0xae: {  	[tilespmem:s18], [sflag:$0x3] =	stream.linear.gather [hbm4b:s13+s28], $0x1400, $0x38;
	[tilespmem:$0x1E880] =	vst v63  }
0xaf: {  	_ =	swait.ge [sflag:s17], $0x1400  }
0xb0: {  	[sflag:s17] =	ssyncset.done $0x0  }
0xb1: {  	[sflag:s17] =	ssyncadd.s32 $0xFFFFEC00  }
0xb2: {  	[tilespmem:s20], [sflag:$0x1] =	stream.indirect.gather [hbm4b:s2+s19], $0x80, s28, s19, $0xb8;
	[tilespmem:$0x1E880] =	vst v63  }
0xb3: {  	_ = 	snop  }
0xb4: {  	[tilespmem:s22], [sflag:$0x2] =	stream.indirect.gather [hbm4b:s2+s19], $0x80, s21, s19, $0xb8;
	[tilespmem:$0x1E880] =	vst v63  }
0xb5: {  	_ =	swait.ge [sflag:s23], $0x3E80  }
0xb6: {  	[sflag:s23] =	ssyncset.done $0x0  }
0xb7: {  	s28 =	simm.s32 $0x1400;
	[sflag:s23] =	ssyncadd.s32 $0xFFFFC180  }
0xb8: {  	[spmem:s3] =	stream.indirect.scatter.add.f32 [tilespmem:s20], [sflag:$0x3], $0x80, s28, s19, $0xb8;
	[tilespmem:$0x1E880] =	vst v63  }
0xb9: {  	_ =	swait.ge [sflag:s17], $0x3E80  }
0xba: {  	[sflag:s17] =	ssyncset.done $0x0  }
0xbb: {  	s28 =	simm.s32 $0x100;
	[sflag:s17] =	ssyncadd.s32 $0xFFFFC180  }
0xbc: {  	[tilespmem:s20], [sflag:$0x1] =	stream.indirect.gather [hbm4b:s2+s19], $0x80, s28, s19, $0xb8;
	[tilespmem:$0x1E880] =	vst v63  }
0xbd: {  	_ =	swait.ge [sflag:s24], $0x3E80  }
0xbe: {  	[sflag:s24] =	ssyncset.done $0x0  }
0xbf: {  	s28 =	simm.s32 $0x1480;
	[sflag:s24] =	ssyncadd.s32 $0xFFFFC180  }
0xc0: {  	[spmem:s3] =	stream.indirect.scatter.add.f32 [tilespmem:s22], [sflag:$0x3], $0x80, s28, s19, $0xb8;
	[tilespmem:$0x1E880] =	vst v63  }
0xc1: {  	_ =	swait.ge [sflag:s17], $0x3E80  }
0xc2: {  	[sflag:s17] =	ssyncset.done $0x0  }
0xc3: {  	s29 =	simm.s32 $0x180;
	s28 =	simm.s32 $0x400;
	[sflag:s17] =	ssyncadd.s32 $0xFFFFC180  }
.LBB2_4:
0xc4: {  	[tilespmem:s22], [sflag:$0x2] =	stream.indirect.gather [hbm4b:s2+s19], $0x80, s29, s19, $0xb8;
	[tilespmem:$0x1E880] =	vst v63  }
0xc5: {  	s29 =	smov.u32 s28  }
0xc6: {  	p3 =	sne.s32 s28, $0x4800;
	s28 =	sadd.s32 $0x400, s28;
	_ =	swait.ge [sflag:s23], $0x3E80  }
0xc7: {  	s29 =	sshra.s32 s29, $0x2;
	[sflag:s23] =	ssyncset.done $0x0  }
0xc8: {  	s30 =	sadd.s32 $0x1400, s29;
	[sflag:s23] =	ssyncadd.s32 $0xFFFFC180  }
0xc9: {  	[spmem:s3] =	stream.indirect.scatter.add.f32 [tilespmem:s20], [sflag:$0x3], $0x80, s30, s19, $0xb8;
	[tilespmem:$0x1E880] =	vst v63  }
0xca: {  	_ =	swait.ge [sflag:s17], $0x3E80  }
0xcb: {  	[sflag:s17] =	ssyncset.done $0x0  }
0xcc: {  	s30 =	sadd.s32 $0x100, s29;
	[sflag:s17] =	ssyncadd.s32 $0xFFFFC180  }
0xcd: {  	[tilespmem:s20], [sflag:$0x1] =	stream.indirect.gather [hbm4b:s2+s19], $0x80, s30, s19, $0xb8;
	[tilespmem:$0x1E880] =	vst v63  }
0xce: {  	_ =	swait.ge [sflag:s24], $0x3E80  }
0xcf: {  	[sflag:s24] =	ssyncset.done $0x0  }
.Ltmp3:
0xd0: {  	s30 =	sadd.s32 $0x1480, s29;
	[sflag:s24] =	ssyncadd.s32 $0xFFFFC180;
	(pc) =	sbr.rel @p3 .LBB2_4-.Ltmp3, $4  }
0xd1: {  	[spmem:s3] =	stream.indirect.scatter.add.f32 [tilespmem:s22], [sflag:$0x3], $0x80, s30, s19, $0xb8;
	[tilespmem:$0x1E880] =	vst v63  }
0xd2: {  	_ =	swait.ge [sflag:s17], $0x3E80  }
0xd3: {  	[sflag:s17] =	ssyncset.done $0x0  }
0xd4: {  	s29 =	sadd.s32 $0x180, s29;
	[sflag:s17] =	ssyncadd.s32 $0xFFFFC180  }
0xd5: {  	[tilespmem:s22], [sflag:$0x2] =	stream.indirect.gather [hbm4b:s2+s19], $0x80, s29, s19, $0xb8;
	[tilespmem:$0x1E880] =	vst v63  }
0xd6: {  	_ =	swait.ge [sflag:s23], $0x3E80  }
0xd7: {  	[sflag:s23] =	ssyncset.done $0x0  }
0xd8: {  	[sflag:s23] =	ssyncadd.s32 $0xFFFFC180  }
0xd9: {  	[spmem:s3] =	stream.indirect.scatter.add.f32 [tilespmem:s20], [sflag:$0x3], $0x80, s25, s19, $0xb8;
	[tilespmem:$0x1E880] =	vst v63  }
0xda: {  	_ =	swait.ge [sflag:s17], $0x3E80  }
0xdb: {  	[sflag:s17] =	ssyncset.done $0x0  }
0xdc: {  	[sflag:s17] =	ssyncadd.s32 $0xFFFFC180  }
0xdd: {  	_ =	swait.ge [sflag:s24], $0x3E80  }
0xde: {  	[sflag:s24] =	ssyncset.done $0x0  }
0xdf: {  	[sflag:s24] =	ssyncadd.s32 $0xFFFFC180  }
0xe0: {  	[spmem:s3] =	stream.indirect.scatter.add.f32 [tilespmem:s22], [sflag:$0x3], $0x80, s26, s19, $0xb8;
	[tilespmem:$0x1E880] =	vst v63  }
0xe1: {  	_ =	swait.ge [sflag:s17], $0x3E80  }
0xe2: {  	[sflag:s17] =	ssyncset.done $0x0  }
0xe3: {  	s28 =	simm.s32 $0x0;
	[sflag:s17] =	ssyncadd.s32 $0xFFFFC180  }
0xe4: {  	[tilespmem:s28], [sflag:$0x3] =	stream.linear.gather [hbm4b:s14+s28], $0x1400, $0x38;
	[tilespmem:$0x1E880] =	vst v63  }
0xe5: {  	_ =	swait.ge [sflag:s17], $0x1400  }
0xe6: {  	[sflag:s17] =	ssyncset.done $0x0  }
0xe7: {  	[sflag:s17] =	ssyncadd.s32 $0xFFFFEC00  }
0xe8: {  	[tilespmem:s18], [sflag:$0x3] =	stream.linear.gather [hbm4b:s15+s28], $0x1400, $0x38;
	[tilespmem:$0x1E880] =	vst v63  }
0xe9: {  	_ =	swait.ge [sflag:s17], $0x1400  }
0xea: {  	[sflag:s17] =	ssyncset.done $0x0  }
0xeb: {  	[sflag:s17] =	ssyncadd.s32 $0xFFFFEC00  }
0xec: {  	[tilespmem:s20], [sflag:$0x1] =	stream.indirect.gather [hbm4b:s2+s19], $0x80, s28, s19, $0xb8;
	[tilespmem:$0x1E880] =	vst v63  }
0xed: {  	_ = 	snop  }
0xee: {  	[tilespmem:s22], [sflag:$0x2] =	stream.indirect.gather [hbm4b:s2+s19], $0x80, s21, s19, $0xb8;
	[tilespmem:$0x1E880] =	vst v63  }
0xef: {  	_ =	swait.ge [sflag:s23], $0x3E80  }
0xf0: {  	[sflag:s23] =	ssyncset.done $0x0  }
0xf1: {  	s28 =	simm.s32 $0x1400;
	[sflag:s23] =	ssyncadd.s32 $0xFFFFC180  }
0xf2: {  	[spmem:s3] =	stream.indirect.scatter.add.f32 [tilespmem:s20], [sflag:$0x3], $0x80, s28, s19, $0xb8;
	[tilespmem:$0x1E880] =	vst v63  }
0xf3: {  	_ =	swait.ge [sflag:s17], $0x3E80  }
0xf4: {  	[sflag:s17] =	ssyncset.done $0x0  }
0xf5: {  	s28 =	simm.s32 $0x100;
	[sflag:s17] =	ssyncadd.s32 $0xFFFFC180  }
0xf6: {  	[tilespmem:s20], [sflag:$0x1] =	stream.indirect.gather [hbm4b:s2+s19], $0x80, s28, s19, $0xb8;
	[tilespmem:$0x1E880] =	vst v63  }
0xf7: {  	_ =	swait.ge [sflag:s24], $0x3E80  }
0xf8: {  	[sflag:s24] =	ssyncset.done $0x0  }
0xf9: {  	s28 =	simm.s32 $0x1480;
	[sflag:s24] =	ssyncadd.s32 $0xFFFFC180  }
0xfa: {  	[spmem:s3] =	stream.indirect.scatter.add.f32 [tilespmem:s22], [sflag:$0x3], $0x80, s28, s19, $0xb8;
	[tilespmem:$0x1E880] =	vst v63  }
0xfb: {  	_ =	swait.ge [sflag:s17], $0x3E80  }
0xfc: {  	[sflag:s17] =	ssyncset.done $0x0  }
0xfd: {  	s29 =	simm.s32 $0x180;
	s28 =	simm.s32 $0x400;
	[sflag:s17] =	ssyncadd.s32 $0xFFFFC180  }
.LBB2_6:
0xfe: {  	[tilespmem:s22], [sflag:$0x2] =	stream.indirect.gather [hbm4b:s2+s19], $0x80, s29, s19, $0xb8;
	[tilespmem:$0x1E880] =	vst v63  }
0xff: {  	s29 =	smov.u32 s28  }
0x100: {  	p3 =	sne.s32 s28, $0x4800;
	s28 =	sadd.s32 $0x400, s28;
	_ =	swait.ge [sflag:s23], $0x3E80  }
0x101: {  	s29 =	sshra.s32 s29, $0x2;
	[sflag:s23] =	ssyncset.done $0x0  }
0x102: {  	s30 =	sadd.s32 $0x1400, s29;
	[sflag:s23] =	ssyncadd.s32 $0xFFFFC180  }
0x103: {  	[spmem:s3] =	stream.indirect.scatter.add.f32 [tilespmem:s20], [sflag:$0x3], $0x80, s30, s19, $0xb8;
	[tilespmem:$0x1E880] =	vst v63  }
0x104: {  	_ =	swait.ge [sflag:s17], $0x3E80  }
0x105: {  	[sflag:s17] =	ssyncset.done $0x0  }
0x106: {  	s30 =	sadd.s32 $0x100, s29;
	[sflag:s17] =	ssyncadd.s32 $0xFFFFC180  }
0x107: {  	[tilespmem:s20], [sflag:$0x1] =	stream.indirect.gather [hbm4b:s2+s19], $0x80, s30, s19, $0xb8;
	[tilespmem:$0x1E880] =	vst v63  }
0x108: {  	_ =	swait.ge [sflag:s24], $0x3E80  }
0x109: {  	[sflag:s24] =	ssyncset.done $0x0  }
.Ltmp4:
0x10a: {  	s30 =	sadd.s32 $0x1480, s29;
	[sflag:s24] =	ssyncadd.s32 $0xFFFFC180;
	(pc) =	sbr.rel @p3 .LBB2_6-.Ltmp4, $4  }
0x10b: {  	[spmem:s3] =	stream.indirect.scatter.add.f32 [tilespmem:s22], [sflag:$0x3], $0x80, s30, s19, $0xb8;
	[tilespmem:$0x1E880] =	vst v63  }
0x10c: {  	_ =	swait.ge [sflag:s17], $0x3E80  }
0x10d: {  	[sflag:s17] =	ssyncset.done $0x0  }
0x10e: {  	s29 =	sadd.s32 $0x180, s29;
	[sflag:s17] =	ssyncadd.s32 $0xFFFFC180  }
0x10f: {  	[tilespmem:s22], [sflag:$0x2] =	stream.indirect.gather [hbm4b:s2+s19], $0x80, s29, s19, $0xb8;
	[tilespmem:$0x1E880] =	vst v63  }
0x110: {  	_ =	swait.ge [sflag:s23], $0x3E80  }
0x111: {  	[sflag:s23] =	ssyncset.done $0x0  }
0x112: {  	[sflag:s23] =	ssyncadd.s32 $0xFFFFC180  }
0x113: {  	[spmem:s3] =	stream.indirect.scatter.add.f32 [tilespmem:s20], [sflag:$0x3], $0x80, s25, s19, $0xb8;
	[tilespmem:$0x1E880] =	vst v63  }
0x114: {  	_ =	swait.ge [sflag:s17], $0x3E80  }
0x115: {  	[sflag:s17] =	ssyncset.done $0x0  }
0x116: {  	[sflag:s17] =	ssyncadd.s32 $0xFFFFC180  }
0x117: {  	_ =	swait.ge [sflag:s24], $0x3E80  }
0x118: {  	[sflag:s24] =	ssyncset.done $0x0  }
0x119: {  	[sflag:s24] =	ssyncadd.s32 $0xFFFFC180  }
0x11a: {  	[spmem:s3] =	stream.indirect.scatter.add.f32 [tilespmem:s22], [sflag:$0x3], $0x80, s26, s19, $0xb8;
	[tilespmem:$0x1E880] =	vst v63  }
.Ltmp5:
0x11b: {  	_ =	swait.ge [sflag:s17], $0x3E80;
	(pc) =	sbr.rel @!p0 .LBB2_8-.Ltmp5, $4  }
0x11c: {  	[sflag:s17] =	ssyncset.done $0x0  }
0x11d: {  	[sflag:s17] =	ssyncadd.s32 $0xFFFFC180  }
0x11e: {  	s30 =	sshll.u32 s0, $0x6;
	[bflag:$0x0] =	sbarrier.arrive $0xFFFF  }
0x11f: {  	s29 =	sshrl.u32 s7, $0x3;
	s28 =	sor.u32 $0x1C03, s30  }
0x120: {  	s28 =	sor.u32 $0x1C03, s30  }
0x121: {  	[hbm:s10], [sflag:s28] =	dma.local [spmem:s29], $0x2700  }
.Ltmp6:
0x122: {  	_ = 	snop;
	(pc) =	sbr.rel @p1 .LBB2_11-.Ltmp6, $4  }
.Ltmp7:
0x123: {  	_ = 	snop;
	(pc) =	sbr.rel @!p1 .LBB2_10-.Ltmp7, $4  }
0x124: {  	_ =	swait.ge [sflag:s17], $0x2700  }
0x125: {  	[sflag:s17] =	ssyncset.done $0x0  }
0x126: {  	s29 =	smov.u32 s6;
	[sflag:s17] =	ssyncadd.s32 $0xFFFFD900  }
0x127: {  	_ = 	snop  }
.LBB2_8:
0x128: {  	[hbm:s9], [sflag:s28] =	dma.local [spmem:s29], $0x2700  }
.Ltmp8:
0x129: {  	_ = 	snop;
	(pc) =	sbr.rel @p2 .LBB2_10-.Ltmp8, $4  }
.Ltmp9:
0x12a: {  	_ = 	snop;
	(pc) =	sbr.rel @!p2 .LBB2_11-.Ltmp9, $4  }
0x12b: {  	_ =	swait.ge [sflag:s17], $0x2700  }
0x12c: {  	[sflag:s17] =	ssyncset.done $0x0  }
0x12d: {  	s29 =	smov.u32 s5;
	[sflag:s17] =	ssyncadd.s32 $0xFFFFD900  }
0x12e: {  	_ = 	snop  }
.LBB2_12:
0x12f: {  	_ =	sfence.sel $0x180000  }
0x130: {  	[bflag:$0x0] =	sbarrier.arrive $0xFFFF  }
0x131: {  	p0 =	sne.s32 s0, $0x0;
	_ =	strace $0x9000004A  }
0x132: {  	s0 =	sadd.s32 @!p0 $0x100000, s1;
	[bflag:$0x2] =	sbarrier.arrive $0xFFFF  }
0x133: {  	[sflag:s0] =	ssyncadd.tile.s32 @!p0 $0x1;
	_ =	shalt  }
.Lfunc_end2:
_tile_overlayer_lowered:
.L_overlay_start_2:
0x134: {  	(tag) =	ssettag $0x2  }
0x135: {  	s0 =	rddreg [dreg:$0x0];
	s2 =	stileid.u32  }
0x136: {  	s1 =	rddreg [dreg:$0x1];
	p0 =	sne.s32 s2, $0x0  }
0x137: {  	s3 =	rddreg [dreg:$0x2];
	[bflag:$0x3] =	sbarrier.arrive $0xFFFF;
	s2 =	simm.s32 @!p0 $0x1C03  }
0x138: {  	[timem:s3], [sflag:s2] =	dma.local @!p0 [hbm:s0], s1  }
0x139: {  	s0 =	simm.s32 @!p0 $0x3  }
0x13a: {  	_ =	swait.ge @!p0 [sflag:s0], s1  }
0x13b: {  	s1 =	ssub.s32 @!p0 $0x0, s1;
	[sflag:s0] =	ssyncset.done @!p0 $0x0  }
0x13c: {  	[sflag:s0] =	ssyncadd.s32 @!p0 s1  }
0x13d: {  	[bflag:$0x3] =	sbarrier.arrive $0xFFFF  }
0x13e: {  	_ =	shalt  }

// kernel: kernel.7.cloned.1.call-start
scs
__scs_entry_jumppad:
0x0: {  	(pc) =	sbr.rel $0x88, $3  }
0x1: {  	(tag) =	ssettag $0x0;
	lr =	simm.s32 $0x1  }
0x2: {  	[smem:$0x3F9D] =	sst lr;
	_ =	strace $0xD0000000  }
0x3: {  	_ = 	snop  }
0x4: {  	_ = 	snop  }
0x5: {  	_ = 	snop  }
0x6: {  	_ = 	snop  }
0x7: {  	_ = 	snop  }
__scs_overlays_trampoline_lowered:
0x8: {  	[smem:$0x3FAC] =	sst s0  }
0x9: {  	[smem:$0x3FAD] =	sst s1  }
0xa: {  	[smem:$0x3FAE] =	sst s2  }
0xb: {  	[smem:$0x3FAF] =	sst s3  }
0xc: {  	[smem:$0x3FB0] =	sst s4  }
0xd: {  	[smem:$0x3FB1] =	sst s5  }
0xe: {  	[smem:$0x3FB2] =	sst s6  }
0xf: {  	[smem:$0x3FB3] =	sst s7  }
0x10: {  	[smem:$0x3FB4] =	sst s8  }
0x11: {  	[smem:$0x3FB5] =	sst s9;
	s0 =	simm.s32 @!p0 $0x0  }
0x12: {  	s1 =	sld [smem:$0x3F9B];
	s0 =	simm.s32 @p0 $0x1  }
0x13: {  	[smem:$0x3FB6] =	sst s0;
	s0 =	simm.s32 @!p1 $0x0  }
0x14: {  	s2 =	sld [smem:$0x3F9A];
	s0 =	simm.s32 @p1 $0x1  }
0x15: {  	[smem:$0x3FB7] =	sst s0;
	s0 =	simm.s32 @!p2 $0x0  }
0x16: {  	s3 =	sld [smem:$0x3FDB];
	s0 =	simm.s32 @p2 $0x1  }
0x17: {  	s4 =	simm.s32 $0x1BF5;
	[smem:$0x3FB9] =	sst s0  }
0x18: {  	s0 =	sld [smem:$0x3F9C];
	_ =	swait.ge [sflag:s4], $0x0  }
0x19: {  	s7 =	sld [smem:$0x3F9D]  }
0x1a: {  	s8 =	sadd.s32 $0xFFFFE003, lr  }
0x1b: {  	s9 =	sadd.s32 $0xFFFFFEF7, lr;
	s5 =	simm.s32 $0xFFFFFFFF;
	p2 =	slt.u32 s8, $0xFFFFF086  }
0x1c: {  	p1 =	slt.u32 s9, $0xF7A;
	s5 =	simm.s32 @!p2 $0x0  }
0x1d: {  	s5 =	simm.s32 @p1 $0x1;
	p0 =	seq.s32 s7, s2  }
0x1e: {  	s7 =	smul.u32 @!p0 $0xF7A, s2;
	p2 =	seq.s32 @!p0 s5, $0x0  }
0x1f: {  	s9 =	smul.u32 $0xF7A, s1;
	s8 =	simm.s32 @!p0 $0x1BF5;
	p2 =	por !p2, p0  }
0x20: {  	[sflag:s8] =	ssyncset.s32 @!p0 $0xFFFFF086;
	s6 =	sadd.s32 @!p0 s3, s7;
	s7 =	simm.s32 @!p0 $0x108  }
0x21: {  	s3 =	sadd.s32 s3, s9;
	s6 =	sadd.s32 @!p0 $0x88, s6;
	s7 =	simm.s32 @p2 $0x1082  }
0x22: {  	[simem:s7], [sflag:s8] =	dma.local @!p0 [hbm:s6], $0xF7A  }
0x23: {  	s9 =	sor.u32 $0xD0000000, s2;
	s6 =	simm.s32 $0x108;
	_ =	swait.ge @!p0 [sflag:s8], $0x0  }
0x24: {  	s3 =	sadd.s32 $0x88, s3;
	s6 =	simm.s32 @!p1 $0x1082;
	[sflag:s4] =	ssyncset.s32 $0xFFFFF086  }
0x25: {  	[simem:s6], [sflag:s4] =	dma.local [hbm:s3], $0xF7A  }
0x26: {  	[smem:$0x3F9D] =	sst s1;
	(tag) =	ssettag s2;
	_ =	strace s9  }
0x27: {  	s1 =	sld [smem:$0x3FAD]  }
0x28: {  	s2 =	sld [smem:$0x3FAE]  }
0x29: {  	s4 =	sld [smem:$0x3FB0]  }
0x2a: {  	p0 =	seq.s32 s5, $0x0;
	s5 =	sld [smem:$0x3FB1]  }
0x2b: {  	s6 =	sld [smem:$0x3FB2]  }
0x2c: {  	s7 =	sld [smem:$0x3FB3]  }
0x2d: {  	s3 =	simm.s32 $0x108;
	s8 =	sld [smem:$0x3FB4]  }
0x2e: {  	s3 =	simm.s32 @!p0 $0x1082;
	s9 =	sld [smem:$0x3FB5]  }
0x2f: {  	lr =	sadd.s32 s0, s3;
	s0 =	sld [smem:$0x3FAC]  }
0x30: {  	s3 =	sld [smem:$0x3FAF]  }
0x31: {  	[smem:$0x3FB8] =	sst s10  }
0x32: {  	s10 =	sld [smem:$0x3FB6];
	_ =	sdelay $0x3  }
0x33: {  	p0 =	seq.s32 s10, $0x1;
	s10 =	sld [smem:$0x3FB8];
	_ =	sdelay $0x3  }
0x34: {  	[smem:$0x3FB8] =	sst s10  }
0x35: {  	s10 =	sld [smem:$0x3FB7];
	_ =	sdelay $0x3  }
0x36: {  	p1 =	seq.s32 s10, $0x1;
	s10 =	sld [smem:$0x3FB8];
	_ =	sdelay $0x3  }
0x37: {  	[smem:$0x3FB8] =	sst s10  }
0x38: {  	s10 =	sld [smem:$0x3FB9]  }
0x39: {  	_ = 	snop;
	(pc) =	sbr.ind lr, $3  }
0x3a: {  	_ = 	snop  }
0x3b: {  	_ = 	snop  }
0x3c: {  	p2 =	seq.s32 s10, $0x1;
	s10 =	sld [smem:$0x3FB8]  }
0x3d: {  	_ =	shalt  }
0x3e: {  	_ =	shalt  }
0x3f: {  	_ =	shalt  }
0x40: {  	_ =	shalt  }
0x41: {  	_ =	shalt  }
0x42: {  	_ =	shalt  }
0x43: {  	_ =	shalt  }
0x44: {  	_ =	shalt  }
0x45: {  	_ =	shalt  }
0x46: {  	_ =	shalt  }
0x47: {  	_ =	shalt  }
0x48: {  	_ =	shalt  }
0x49: {  	_ =	shalt  }
0x4a: {  	_ =	shalt  }
0x4b: {  	_ =	shalt  }
0x4c: {  	_ =	shalt  }
0x4d: {  	_ =	shalt  }
0x4e: {  	_ =	shalt  }
0x4f: {  	_ =	shalt  }
0x50: {  	_ =	shalt  }
0x51: {  	_ =	shalt  }
0x52: {  	_ =	shalt  }
0x53: {  	_ =	shalt  }
0x54: {  	_ =	shalt  }
0x55: {  	_ =	shalt  }
0x56: {  	_ =	shalt  }
0x57: {  	_ =	shalt  }
0x58: {  	_ =	shalt  }
0x59: {  	_ =	shalt  }
0x5a: {  	_ =	shalt  }
0x5b: {  	_ =	shalt  }
0x5c: {  	_ =	shalt  }
0x5d: {  	_ =	shalt  }
0x5e: {  	_ =	shalt  }
0x5f: {  	_ =	shalt  }
0x60: {  	_ =	shalt  }
0x61: {  	_ =	shalt  }
0x62: {  	_ =	shalt  }
0x63: {  	_ =	shalt  }
0x64: {  	_ =	shalt  }
0x65: {  	_ =	shalt  }
0x66: {  	_ =	shalt  }
0x67: {  	_ =	shalt  }
0x68: {  	_ =	shalt  }
0x69: {  	_ =	shalt  }
0x6a: {  	_ =	shalt  }
0x6b: {  	_ =	shalt  }
0x6c: {  	_ =	shalt  }
0x6d: {  	_ =	shalt  }
0x6e: {  	_ =	shalt  }
0x6f: {  	_ =	shalt  }
0x70: {  	_ =	shalt  }
0x71: {  	_ =	shalt  }
0x72: {  	_ =	shalt  }
0x73: {  	_ =	shalt  }
0x74: {  	_ =	shalt  }
0x75: {  	_ =	shalt  }
0x76: {  	_ =	shalt  }
0x77: {  	_ =	shalt  }
0x78: {  	_ =	shalt  }
0x79: {  	_ =	shalt  }
0x7a: {  	_ =	shalt  }
0x7b: {  	_ =	shalt  }
0x7c: {  	_ =	shalt  }
0x7d: {  	_ =	shalt  }
0x7e: {  	_ =	shalt  }
0x7f: {  	_ =	shalt  }
0x80: {  	_ =	shalt  }
0x81: {  	_ =	shalt  }
0x82: {  	_ =	shalt  }
0x83: {  	_ =	shalt  }
0x84: {  	_ =	shalt  }
0x85: {  	_ =	shalt  }
0x86: {  	_ =	shalt  }
0x87: {  	_ =	shalt  }
.Lfunc_end0:
.L_simem_size_0:
called_computation_lowered:
.L_overlay_start_0:
0x88: {  	s2 =	sld [smem:$0x3FD9]  }
0x89: {  	s3 =	sld [smem:$0x3FFE];
	_ =	sdelay $0x1  }
0x8a: {  	s1 =	srdreg.scid  }
0x8b: {  	s0 =	sand.u32 $0x1, s1  }
0x8c: {  	s16 =	sshll.u32 s0, $0xA;
	s2 =	sadd.s32 s3, s2  }
0x8d: {  	s2 =	sadd.s32 s2, s16  }
0x8e: {  	[smem:$0x3FC4] =	sst s2  }
0x8f: {  	_ = 	snop  }
0x90: {  	(tm) =	ssettm $0x1  }
0x91: {  	s17 =	sld [smem:$0x3FFB];
	_ =	sdelay $0x3  }
0x92: {  	_ =	strace s17  }
0x93: {  	s2 =	sld [smem:$0x3FFC];
	_ =	sdelay $0x3  }
0x94: {  	_ =	strace s2  }
0x95: {  	s2 =	sld [smem:$0x3FFD];
	_ =	sdelay $0x3  }
0x96: {  	_ =	strace s2  }
0x97: {  	_ =	strace $0x8FFFFFFF  }
0x98: {  	s18 =	sld [smem:$0x3FDB];
	_ =	sdelay $0x1  }
0x99: {  	s19 =	simm.s32 $_scs_section_size  }
0x9a: {  	s4 =	simm.s32 $_size__tile_overlayer_lowered;
	s5 =	simm.s32 $_tile_overlayer_lowered  }
0x9b: {  	s22 =	simm.s32 $0x1BFF;
	s21 =	sshll.u32 s5, $0x1;
	s2 =	sadd.s32 s19, s18  }
0x9c: {  	s6 =	simm.s32 $0x0;
	s20 =	sshll.u32 s4, $0x1;
	s4 =	sadd.s32 s21, s2  }
0x9d: {  	[timem:s6], [sflag:s22] =	dma.local [hbm:s4], s20  }
0x9e: {  	_ =	swait.ge [sflag:s22], s20  }
0x9f: {  	s3 =	ssub.s32 $0x0, s20;
	[sflag:s22] =	ssyncset.done $0x0  }
0xa0: {  	[sflag:s22] =	ssyncadd.s32 s3;
	_ =	sdelay $0x1  }
0xa1: {  	s23 =	simm.s32 $0x1B8B  }
0xa2: {  	_ =	swait.ge [sflag:s23], $0x1  }
0xa3: {  	[sflag:s23] =	ssyncset.done $0x0  }
0xa4: {  	s25 =	simm.s32 $0x1B8E;
	s24 =	sld [smem:$0x3FFE];
	[sflag:s23] =	ssyncadd.s32 $0xFFFFFFFF  }
0xa5: {  	s26 =	simm.s32 $execute0_lowered;
	[smem:$0x3FD2] =	sst s25  }
0xa6: {  	s4 =	sshll.u32 s26, $0x1;
	_ =	strace $0x80000046;
	[dreg:$0x1] =	wrdreg $0xFFFFFFFF  }
0xa7: {  	s28 =	simm.s32 $_size_execute0_lowered;
	s2 =	sadd.s32 s2, s4;
	[dreg:$0x0] =	wrdreg $0x0  }
0xa8: {  	s4 =	sshll.u32 s28, $0x1;
	[dreg:$0x2] =	wrdreg s2  }
0xa9: {  	[dreg:$0x3] =	wrdreg s4  }
0xaa: {  	[dreg:$0x4] =	wrdreg $0xC0  }
0xab: {  	_ =	task [dreg:s6], $0x5FFFF  }
0xac: {  	[dreg:$0x1] =	wrdreg $0xFFFFFFFF  }
0xad: {  	[dreg:$0x0] =	wrdreg $0x60  }
0xae: {  	[dreg:$0x2] =	wrdreg s24  }
0xaf: {  	[dreg:$0x3] =	wrdreg $0x70000  }
0xb0: {  	[dreg:$0x4] =	wrdreg $0x9  }
0xb1: {  	_ =	task.clear_ibuf [dreg:s6], $0x5FFFF;
	_ =	strace $0x90000046  }
0xb2: {  	s29 =	simm.s32 $0x9;
	_ =	strace $0x80000048  }
0xb3: {  	_ =	swait.ge [sflag:s29], $0x1  }
0xb4: {  	[sflag:s29] =	ssyncadd.s32 $0xFFFFFFFF  }
0xb5: {  	_ =	strace $0x90000048  }
0xb6: {  	_ =	sfence  }
0xb7: {  	s30 =	sld [smem:$0x0];
	_ =	sdelay $0x2  }
0xb8: {  	s31 =	sshll.u32 s1, $0xD;
	s1 =	sshrl.u32 s1, $0x2  }
0xb9: {  	s3 =	sand.u32 $0x4000, s31;
	s1 =	sadd.s32 s1, s30  }
0xba: {  	s0 =	sor.u32 s3, s0;
	s1 =	sshll.u32 s1, $0x11  }
0xbb: {  	s0 =	sor.u32 s1, s0  }
0xbc: {  	s0 =	sadd.s32 $0x8F2B, s0  }
0xbd: {  	[sflag:s0] =	ssyncadd.remote.s32 $0x1  }
0xbe: {  	_ =	sfence.sel $0xFFFF  }
0xbf: {  	[dreg:$0x0] =	wrdreg $0xFFFFFFFF;
	(pc) =	sbr.abs _section_cstart, $3  }
0xc0: {  	[dreg:$0x1] =	wrdreg $0xFFFFFFFF  }
0xc1: {  	_ =	task.clear_ibuf [dreg:s6], $0x2FFFF;
	_ =	strace $0x9FFFFFFF  }
0xc2: {  	(tm) =	ssettm $0x7FFFFFFF  }
0xc3: {  	_ =	shalt  }
tec
execute0_lowered:
.L_overlay_start_1:
0x0: {  	(tag) =	ssettag $0x1  }
0x1: {  	s6 =	rddreg [dreg:$0x0]  }
0x2: {  	s1 =	rddreg [dreg:$0x1]  }
0x3: {  	s2 =	srdreg.scid;
	s0 =	rddreg [dreg:$0x2];
	s3 =	simm.s32 $0x0  }
0x4: {  	s13 =	simm.s32 $0x6800;
	s14 =	simm.s32 $0x7D;
	s15 =	simm.s32 $0x2800  }
0x5: {  	s19 =	simm.s32 $0x0;
	s9 =	sand.u32 $0x1, s2;
	s2 =	stileid.u32  }
0x6: {  	[smem:$0x7FF] =	sst s3;
	s5 =	sadd.s32 $0x3DE00, s6;
	s4 =	sshll.u32 s9, $0x4  }
0x7: {  	_ =	strace $0x80000047;
	s7 =	ssub.s32 $0x2, s9;
	s11 =	smul.u32 $0x4E000, s2  }
0x8: {  	s31 =	smul.u32 $0x2700, s2;
	p0 =	seq.s32 s9, $0x1;
	p1 =	sne.s32 s2, $0xF  }
0x9: {  	s16 =	sshll.u32 s2, $0x6;
	p2 =	seq.s32 s2, $0xF;
	s4 =	sor.u32 s2, s4  }
0xa: {  	s10 =	sshrl.u32 s7, $0x1;
	s16 =	sor.u32 $0x1C01, s16;
	s8 =	smul.u32 $0x2800, s4  }
.Ltmp0:
0xb: {  	s4 =	sadd.s32 $0x16C00, s6;
	s30 =	sshrl.u32 s11, $0x2;
	(pc) =	sbr.rel .LBB2_1-.Ltmp0, $4  }
0xc: {  	s12 =	ssub.s32 s7, s10;
	s10 =	sadd.s32 s5, s31;
	s7 =	sadd.s32 s30, s1  }
0xd: {  	s9 =	sadd.s32 s4, s31;
	s11 =	smax.u32 s12, $0x1;
	s29 =	sshrl.u32 s8, $0x3  }
0xe: {  	s12 =	simm.s32 $0x1;
	s8 =	sadd.s32 $0x138000, s1;
	s6 =	sadd.s32 s6, s29  }
0xf: {  	v0 =	vimm.f32 $1.000000000e+00;
	v1 =	vimm.f32 $0.0e+00;
	s17 =	sshrl.u32 s7, $0x3;
	s18 =	sshrl.u32 s8, $0x3;
	s6 =	sadd.s32 $0xCC00, s6  }
.LBB2_8:
0x10: {  	s20 =	sadd.s32 $0x27000, s20  }
0x11: {  	[hbm:s20], [sflag:s16] =	dma.local [spmem:s18], $0x100  }
0x12: {  	_ =	swait.ge [sflag:s12], $0x100  }
0x13: {  	[sflag:s12] =	ssyncset.done $0x0  }
0x14: {  	[sflag:s12] =	ssyncadd.s32 $0xFFFFFF00  }
.LBB2_9:
0x15: {  	s19 =	sadd.s32 $0x1, s19  }
0x16: {  	p3 =	sne.s32 s19, s11  }
.Ltmp1:
0x17: {  	_ = 	snop;
	(pc) =	sbr.rel @!p3 .LBB2_10-.Ltmp1, $1  }
0x18: {  	_ =	sdelay $0x3  }
.LBB2_1:
0x19: {  	[tilespmem:$0x2800] =	vst v0  }
0x1a: {  	[tilespmem:$0x2880] =	vst v0  }
0x1b: {  	[tilespmem:$0x2900] =	vst v0  }
0x1c: {  	[tilespmem:$0x2980] =	vst v0  }
0x1d: {  	[tilespmem:$0x2A00] =	vst v0  }
0x1e: {  	[tilespmem:$0x2A80] =	vst v0  }
0x1f: {  	[tilespmem:$0x2B00] =	vst v0  }
0x20: {  	[tilespmem:$0x2B80] =	vst v0  }
0x21: {  	[tilespmem:$0x2C00] =	vst v0  }
0x22: {  	[tilespmem:$0x2C80] =	vst v0  }
0x23: {  	[tilespmem:$0x2D00] =	vst v0  }
0x24: {  	[tilespmem:$0x2D80] =	vst v0  }
0x25: {  	[tilespmem:$0x2E00] =	vst v0  }
0x26: {  	[tilespmem:$0x2E80] =	vst v0  }
0x27: {  	[tilespmem:$0x2F00] =	vst v0  }
0x28: {  	[tilespmem:$0x2F80] =	vst v0  }
0x29: {  	[tilespmem:$0x3000] =	vst v0  }
0x2a: {  	[tilespmem:$0x3080] =	vst v0  }
0x2b: {  	[tilespmem:$0x3100] =	vst v0  }
0x2c: {  	[tilespmem:$0x3180] =	vst v0  }
0x2d: {  	[tilespmem:$0x3200] =	vst v0  }
0x2e: {  	[tilespmem:$0x3280] =	vst v0  }
0x2f: {  	[tilespmem:$0x3300] =	vst v0  }
0x30: {  	[tilespmem:$0x3380] =	vst v0  }
0x31: {  	[tilespmem:$0x3400] =	vst v0  }
0x32: {  	[tilespmem:$0x3480] =	vst v0  }
0x33: {  	[tilespmem:$0x3500] =	vst v0  }
0x34: {  	[tilespmem:$0x3580] =	vst v0  }
0x35: {  	[tilespmem:$0x3600] =	vst v0  }
0x36: {  	[tilespmem:$0x3680] =	vst v0  }
0x37: {  	[tilespmem:$0x3700] =	vst v0  }
0x38: {  	[tilespmem:$0x3780] =	vst v0  }
0x39: {  	[tilespmem:$0x3800] =	vst v0  }
0x3a: {  	[tilespmem:$0x3880] =	vst v0  }
0x3b: {  	[tilespmem:$0x3900] =	vst v0  }
0x3c: {  	[tilespmem:$0x3980] =	vst v0  }
0x3d: {  	[tilespmem:$0x3A00] =	vst v0  }
0x3e: {  	[tilespmem:$0x3A80] =	vst v0  }
0x3f: {  	[tilespmem:$0x3B00] =	vst v0  }
0x40: {  	[tilespmem:$0x3B80] =	vst v0  }
0x41: {  	[tilespmem:$0x3C00] =	vst v0  }
0x42: {  	[tilespmem:$0x3C80] =	vst v0  }
0x43: {  	[tilespmem:$0x3D00] =	vst v0  }
0x44: {  	[tilespmem:$0x3D80] =	vst v0  }
0x45: {  	[tilespmem:$0x3E00] =	vst v0  }
0x46: {  	[tilespmem:$0x3E80] =	vst v0  }
0x47: {  	[tilespmem:$0x3F00] =	vst v0  }
0x48: {  	[tilespmem:$0x3F80] =	vst v0  }
0x49: {  	[tilespmem:$0x4000] =	vst v0  }
0x4a: {  	[tilespmem:$0x4080] =	vst v0  }
0x4b: {  	[tilespmem:$0x4100] =	vst v0  }
0x4c: {  	[tilespmem:$0x4180] =	vst v0  }
0x4d: {  	[tilespmem:$0x4200] =	vst v0  }
0x4e: {  	[tilespmem:$0x4280] =	vst v0  }
0x4f: {  	[tilespmem:$0x4300] =	vst v0  }
0x50: {  	[tilespmem:$0x4380] =	vst v0  }
0x51: {  	[tilespmem:$0x4400] =	vst v0  }
0x52: {  	[tilespmem:$0x4480] =	vst v0  }
0x53: {  	[tilespmem:$0x4500] =	vst v0  }
0x54: {  	[tilespmem:$0x4580] =	vst v0  }
0x55: {  	[tilespmem:$0x4600] =	vst v0  }
0x56: {  	[tilespmem:$0x4680] =	vst v0  }
0x57: {  	[tilespmem:$0x4700] =	vst v0  }
0x58: {  	[tilespmem:$0x4780] =	vst v0  }
0x59: {  	[tilespmem:$0x4800] =	vst v0  }
0x5a: {  	[tilespmem:$0x4880] =	vst v0  }
0x5b: {  	[tilespmem:$0x4900] =	vst v0  }
0x5c: {  	[tilespmem:$0x4980] =	vst v0  }
0x5d: {  	[tilespmem:$0x4A00] =	vst v0  }
0x5e: {  	[tilespmem:$0x4A80] =	vst v0  }
0x5f: {  	[tilespmem:$0x4B00] =	vst v0  }
0x60: {  	[tilespmem:$0x4B80] =	vst v0  }
0x61: {  	[tilespmem:$0x4C00] =	vst v0  }
0x62: {  	[tilespmem:$0x4C80] =	vst v0  }
0x63: {  	[tilespmem:$0x4D00] =	vst v0  }
0x64: {  	[tilespmem:$0x4D80] =	vst v0  }
0x65: {  	[tilespmem:$0x4E00] =	vst v0  }
0x66: {  	[tilespmem:$0x4E80] =	vst v0  }
0x67: {  	[tilespmem:$0x4F00] =	vst v0  }
0x68: {  	[tilespmem:$0x4F80] =	vst v0  }
0x69: {  	[tilespmem:$0x5000] =	vst v0  }
0x6a: {  	[tilespmem:$0x5080] =	vst v0  }
0x6b: {  	[tilespmem:$0x5100] =	vst v0  }
0x6c: {  	[tilespmem:$0x5180] =	vst v0  }
0x6d: {  	[tilespmem:$0x5200] =	vst v0  }
0x6e: {  	[tilespmem:$0x5280] =	vst v0  }
0x6f: {  	[tilespmem:$0x5300] =	vst v0  }
0x70: {  	[tilespmem:$0x5380] =	vst v0  }
0x71: {  	[tilespmem:$0x5400] =	vst v0  }
0x72: {  	[tilespmem:$0x5480] =	vst v0  }
0x73: {  	[tilespmem:$0x5500] =	vst v0  }
0x74: {  	[tilespmem:$0x5580] =	vst v0  }
0x75: {  	[tilespmem:$0x5600] =	vst v0  }
0x76: {  	[tilespmem:$0x5680] =	vst v0  }
0x77: {  	[tilespmem:$0x5700] =	vst v0  }
0x78: {  	[tilespmem:$0x5780] =	vst v0  }
0x79: {  	[tilespmem:$0x5800] =	vst v0  }
0x7a: {  	[tilespmem:$0x5880] =	vst v0  }
0x7b: {  	[tilespmem:$0x5900] =	vst v0  }
0x7c: {  	[tilespmem:$0x5980] =	vst v0  }
0x7d: {  	[tilespmem:$0x5A00] =	vst v0  }
0x7e: {  	[tilespmem:$0x5A80] =	vst v0  }
0x7f: {  	[tilespmem:$0x5B00] =	vst v0  }
0x80: {  	[tilespmem:$0x5B80] =	vst v0  }
0x81: {  	[tilespmem:$0x5C00] =	vst v0  }
0x82: {  	[tilespmem:$0x5C80] =	vst v0  }
0x83: {  	[tilespmem:$0x5D00] =	vst v0  }
0x84: {  	[tilespmem:$0x5D80] =	vst v0  }
0x85: {  	[tilespmem:$0x5E00] =	vst v0  }
0x86: {  	[tilespmem:$0x5E80] =	vst v0  }
0x87: {  	[tilespmem:$0x5F00] =	vst v0  }
0x88: {  	[tilespmem:$0x5F80] =	vst v0  }
0x89: {  	[tilespmem:$0x6000] =	vst v0  }
0x8a: {  	[tilespmem:$0x6080] =	vst v0  }
0x8b: {  	[tilespmem:$0x6100] =	vst v0  }
0x8c: {  	[tilespmem:$0x6180] =	vst v0  }
0x8d: {  	[tilespmem:$0x6200] =	vst v0  }
0x8e: {  	[tilespmem:$0x6280] =	vst v0  }
0x8f: {  	[tilespmem:$0x6300] =	vst v0  }
0x90: {  	[tilespmem:$0x6380] =	vst v0  }
0x91: {  	[tilespmem:$0x6400] =	vst v0  }
0x92: {  	[tilespmem:$0x6480] =	vst v0  }
0x93: {  	[tilespmem:$0x6500] =	vst v0  }
0x94: {  	[tilespmem:$0x6580] =	vst v0  }
0x95: {  	[tilespmem:$0x6600] =	vst v0  }
0x96: {  	[tilespmem:$0x6800] =	vst v1  }
0x97: {  	[tilespmem:$0x6880] =	vst v1  }
0x98: {  	[tilespmem:$0x6900] =	vst v1  }
0x99: {  	[tilespmem:$0x6980] =	vst v1  }
0x9a: {  	[tilespmem:$0x6A00] =	vst v1  }
0x9b: {  	[tilespmem:$0x6A80] =	vst v1  }
0x9c: {  	[tilespmem:$0x6B00] =	vst v1  }
0x9d: {  	[tilespmem:$0x6B80] =	vst v1  }
0x9e: {  	[tilespmem:$0x6C00] =	vst v1  }
0x9f: {  	[tilespmem:$0x6C80] =	vst v1  }
0xa0: {  	[tilespmem:$0x6D00] =	vst v1  }
0xa1: {  	[tilespmem:$0x6D80] =	vst v1  }
0xa2: {  	[tilespmem:$0x6E00] =	vst v1  }
0xa3: {  	[tilespmem:$0x6E80] =	vst v1  }
0xa4: {  	[tilespmem:$0x6F00] =	vst v1  }
0xa5: {  	[tilespmem:$0x6F80] =	vst v1  }
0xa6: {  	[tilespmem:s3], [sflag:$0x1] =	stream.linear.gather [hbm4b:s6+s3], $0x2800, $0x38;
	[tilespmem:$0x9710] =	vst v63  }
0xa7: {  	_ =	swait.ge [sflag:s12], $0x2800  }
0xa8: {  	[sflag:s12] =	ssyncset.done $0x0  }
0xa9: {  	s20 =	sadd.s32 $0x0, s7;
	[sflag:s12] =	ssyncadd.s32 $0xFFFFD800  }
0xaa: {  	[spmem:s20] =	stream.linear.scatter [tilespmem:s13], [sflag:$0x1], $0x800, $0x38;
	[tilespmem:$0x9710] =	vst v63  }
0xab: {  	s20 =	simm.s32 $0x2000;
	_ =	swait.ge [sflag:s12], $0x800  }
.LBB2_2:
0xac: {  	s21 =	sshra.s32 s20, $0x2;
	[sflag:s12] =	ssyncset.done $0x0;
	p3 =	sne.s32 s20, $0x4C000  }
.Ltmp2:
0xad: {  	s21 =	sadd.s32 s21, s7;
	[sflag:s12] =	ssyncadd.s32 $0xFFFFF800;
	(pc) =	sbr.rel @p3 .LBB2_2-.Ltmp2, $3  }
0xae: {  	[spmem:s21] =	stream.linear.scatter [tilespmem:s13], [sflag:$0x1], $0x800, $0x38;
	[tilespmem:$0x9710] =	vst v63  }
0xaf: {  	s20 =	sadd.s32 $0x2000, s20;
	_ =	sdelay $0x1  }
0xb0: {  	_ =	swait.ge [sflag:s12], $0x800  }
0xb1: {  	[sflag:s12] =	ssyncset.done $0x0  }
0xb2: {  	s20 =	simm.s32 @!p1 $0x6800;
	[sflag:s12] =	ssyncadd.s32 $0xFFFFF800  }
0xb3: {  	[spmem:s8] =	stream.linear.scatter @!p1 [tilespmem:s20], [sflag:$0x1], $0x800, $0x38;
	[tilespmem:$0x9710] =	vst v63  }
0xb4: {  	s20 =	simm.s32 @!p1 $0x1  }
0xb5: {  	_ =	swait.ge @!p1 [sflag:s20], $0x800  }
0xb6: {  	[sflag:s20] =	ssyncset.done @!p1 $0x0  }
0xb7: {  	[sflag:s20] =	ssyncadd.s32 @!p1 $0xFFFFF800  }
0xb8: {  	s31 =	simm.s32 $0x0;
	[bflag:$0x0] =	sbarrier.arrive $0xFFFF  }
0xb9: {  	[spmem:s1] =	stream.indirect.scatter.add.f32 [tilespmem:s15], [sflag:$0x1], $0x10, s31, s14, $0xb8;
	[tilespmem:$0x9710] =	vst v63  }
0xba: {  	_ =	swait.ge [sflag:s12], $0x7D0  }
0xbb: {  	s20 =	simm.s32 $0x200;
	[sflag:s12] =	ssyncset.done $0x0  }
.LBB2_4:
0xbc: {  	s21 =	sshra.s32 s20, $0x2;
	[sflag:s12] =	ssyncadd.s32 $0xFFFFF830;
	p3 =	sne.s32 s20, $0x9E00  }
0xbd: {  	[spmem:s1] =	stream.indirect.scatter.add.f32 [tilespmem:s15], [sflag:$0x1], $0x10, s21, s14, $0xb8;
	[tilespmem:$0x9710] =	vst v63  }
.Ltmp3:
0xbe: {  	_ = 	snop;
	(pc) =	sbr.rel @p3 .LBB2_4-.Ltmp3, $4  }
0xbf: {  	_ = 	snop  }
0xc0: {  	s20 =	sadd.s32 $0x200, s20  }
0xc1: {  	_ =	swait.ge [sflag:s12], $0x7D0  }
0xc2: {  	[sflag:s12] =	ssyncset.done $0x0  }
.Ltmp4:
0xc3: {  	(pc) =	sbr.rel @!p0 .LBB2_6-.Ltmp4, $3  }
0xc4: {  	_ = 	snop  }
0xc5: {  	[sflag:s12] =	ssyncadd.s32 $0xFFFFF830  }
0xc6: {  	[bflag:$0x0] =	sbarrier.arrive $0xFFFF;
	_ =	sdelay $0x1  }
0xc7: {  	[hbm:s10], [sflag:s16] =	dma.local [spmem:s17], $0x2700  }
.Ltmp5:
0xc8: {  	_ = 	snop;
	(pc) =	sbr.rel @p1 .LBB2_9-.Ltmp5, $4  }
.Ltmp6:
0xc9: {  	_ = 	snop;
	(pc) =	sbr.rel @!p1 .LBB2_8-.Ltmp6, $4  }
0xca: {  	_ =	swait.ge [sflag:s12], $0x2700  }
0xcb: {  	[sflag:s12] =	ssyncset.done $0x0  }
0xcc: {  	s20 =	smov.u32 s5;
	[sflag:s12] =	ssyncadd.s32 $0xFFFFD900  }
0xcd: {  	_ = 	snop  }
.LBB2_6:
0xce: {  	[hbm:s9], [sflag:s16] =	dma.local [spmem:s17], $0x2700  }
.Ltmp7:
0xcf: {  	_ = 	snop;
	(pc) =	sbr.rel @p2 .LBB2_8-.Ltmp7, $4  }
.Ltmp8:
0xd0: {  	_ = 	snop;
	(pc) =	sbr.rel @!p2 .LBB2_9-.Ltmp8, $4  }
0xd1: {  	_ =	swait.ge [sflag:s12], $0x2700  }
0xd2: {  	[sflag:s12] =	ssyncset.done $0x0  }
0xd3: {  	s20 =	smov.u32 s4;
	[sflag:s12] =	ssyncadd.s32 $0xFFFFD900  }
0xd4: {  	_ = 	snop  }
.LBB2_10:
0xd5: {  	_ =	sfence.sel $0x180000  }
0xd6: {  	[bflag:$0x0] =	sbarrier.arrive $0xFFFF  }
0xd7: {  	p0 =	sne.s32 s2, $0x0;
	_ =	strace $0x90000047  }
0xd8: {  	s0 =	sadd.s32 @!p0 $0x100000, s0;
	[bflag:$0x2] =	sbarrier.arrive $0xFFFF  }
0xd9: {  	[sflag:s0] =	ssyncadd.tile.s32 @!p0 $0x1;
	_ =	shalt  }
.Lfunc_end2:
_tile_overlayer_lowered:
.L_overlay_start_2:
0xda: {  	(tag) =	ssettag $0x2  }
0xdb: {  	s0 =	rddreg [dreg:$0x0];
	s2 =	stileid.u32  }
0xdc: {  	s1 =	rddreg [dreg:$0x1];
	p0 =	sne.s32 s2, $0x0  }
0xdd: {  	s3 =	rddreg [dreg:$0x2];
	[bflag:$0x3] =	sbarrier.arrive $0xFFFF;
	s2 =	simm.s32 @!p0 $0x1C01  }
0xde: {  	[timem:s3], [sflag:s2] =	dma.local @!p0 [hbm:s0], s1  }
0xdf: {  	s0 =	simm.s32 @!p0 $0x1  }
0xe0: {  	_ =	swait.ge @!p0 [sflag:s0], s1  }
0xe1: {  	s1 =	ssub.s32 @!p0 $0x0, s1;
	[sflag:s0] =	ssyncset.done @!p0 $0x0  }
0xe2: {  	[sflag:s0] =	ssyncadd.s32 @!p0 s1  }
0xe3: {  	[bflag:$0x3] =	sbarrier.arrive $0xFFFF  }
0xe4: {  	_ =	shalt  }

</sc_bundles>
